<compile_context>
chip_gen: v7x
topology: tpu7x:2x2x1
jax: 0.10.2.dev20260603
libtpu: 0.0.44.dev20260713+nightly
codegen_flags: <defaults>
</compile_context>

<pallas_src>
import functools

import jax
import jax.numpy as jnp
from jax import lax
from jax.experimental import pallas as pl
from jax.experimental.pallas import tpu as pltpu
from jax.experimental.pallas import tpu_sc as plsc

N_NODES = 10000
N_EDGES = 320000
D = 128
D_EDGE = 16
STEPS = 3

F32 = jnp.float32


_NODE_BLK = 1000
_EDGE_BLK = 1600


def _dot(a, b):
    return jnp.dot(a, b, preferred_element_type=F32)


_dot_a = _dot


def _enc_body(x_ref, w0, b0, w1, b1, w2, b2, h_ref):
    a = jnp.maximum(_dot(x_ref[...], w0[...]) + b0[...], 0.0)
    a = jnp.maximum(_dot_a(a, w1[...]) + b1[...], 0.0)
    h_ref[...] = _dot_a(a, w2[...]) + b2[...]


def _enc(x, w0, b0, w1, b1, w2, b2):
    g = N_NODES // _NODE_BLK
    row = pl.BlockSpec((_NODE_BLK, D), lambda i: (i, 0))
    wspec = pl.BlockSpec((D, D), lambda i: (0, 0))
    bspec = pl.BlockSpec((1, D), lambda i: (0, 0))
    return pl.pallas_call(
        _enc_body,
        grid=(g,),
        in_specs=[row, wspec, bspec, wspec, bspec, wspec, bspec],
        out_specs=row,
        out_shape=jax.ShapeDtypeStruct((N_NODES, D), F32),
    )(x, w0, b0, w1, b1, w2, b2)


def _edge_body(ea_ref, w0, b0, w1, b1, w2, b2, e_ref):
    a = jnp.maximum(_dot(ea_ref[...], w0[...]) + b0[...], 0.0)
    a = jnp.maximum(_dot_a(a, w1[...]) + b1[...], 0.0)
    e_ref[...] = _dot_a(a, w2[...]) + b2[...]


def _edge(ea, w0, b0, w1, b1, w2, b2):
    g = N_EDGES // _EDGE_BLK
    row = pl.BlockSpec((_EDGE_BLK, D), lambda i: (i, 0))
    return pl.pallas_call(
        _edge_body,
        grid=(g,),
        in_specs=[
            pl.BlockSpec((_EDGE_BLK, D_EDGE), lambda i: (i, 0)),
            pl.BlockSpec((D_EDGE, D), lambda i: (0, 0)),
            pl.BlockSpec((1, D), lambda i: (0, 0)),
            pl.BlockSpec((D, D), lambda i: (0, 0)),
            pl.BlockSpec((1, D), lambda i: (0, 0)),
            pl.BlockSpec((D, D), lambda i: (0, 0)),
            pl.BlockSpec((1, D), lambda i: (0, 0)),
        ],
        out_specs=row,
        out_shape=jax.ShapeDtypeStruct((N_EDGES, D), F32),
    )(ea, w0, b0, w1, b1, w2, b2)


def _msg_body(xi_ref, xj_ref, e_ref, w1, b1, w2, b2, w3, b3, m_ref):
    xi = xi_ref[...]
    d = xj_ref[...] - xi
    w1f = w1[...]
    z = jnp.maximum(_dot_a(xi, w1f[0:D, :]) + _dot_a(d, w1f[D:2 * D, :])
                    + _dot_a(e_ref[...], w1f[2 * D:3 * D, :]) + b1[...], 0.0)
    z = jnp.maximum(_dot_a(z, w2[...]) + b2[...], 0.0)
    m_ref[...] = _dot_a(z, w3[...]) + b3[...]


def _msg(xi, xj, e, w1, b1, w2, b2, w3, b3):
    g = N_EDGES // _EDGE_BLK
    row = pl.BlockSpec((_EDGE_BLK, D), lambda i: (i, 0))
    w1spec = pl.BlockSpec((3 * D, D), lambda i: (0, 0))
    wspec = pl.BlockSpec((D, D), lambda i: (0, 0))
    bspec = pl.BlockSpec((1, D), lambda i: (0, 0))
    return pl.pallas_call(
        _msg_body,
        grid=(g,),
        in_specs=[row, row, row, w1spec, bspec, wspec, bspec, wspec, bspec],
        out_specs=row,
        out_shape=jax.ShapeDtypeStruct((N_EDGES, D), F32),
    )(xi, xj, e, w1, b1, w2, b2, w3, b3)


def _node_body(a0_ref, a1_ref, h_ref, w0, b0, w1, b1, w2, b2, hn_ref):
    agg = a0_ref[0] + a1_ref[0]
    h = h_ref[...]
    w0f = w0[...]
    z = jnp.maximum(_dot_a(agg, w0f[0:D, :]) + _dot_a(h, w0f[D:2 * D, :]) + b0[...], 0.0)
    z = jnp.maximum(_dot_a(z, w1[...]) + b1[...], 0.0)
    hn_ref[...] = _dot_a(z, w2[...]) + b2[...] + h


def _node(aggs, h, w0, b0, w1, b1, w2, b2):
    g = N_NODES // _NODE_BLK
    row = pl.BlockSpec((_NODE_BLK, D), lambda i: (i, 0))
    agg0 = pl.BlockSpec((1, _NODE_BLK, D), lambda i: (0, i, 0))
    agg1 = pl.BlockSpec((1, _NODE_BLK, D), lambda i: (1, i, 0))
    wspec = pl.BlockSpec((D, D), lambda i: (0, 0))
    bspec = pl.BlockSpec((1, D), lambda i: (0, 0))
    w0spec = pl.BlockSpec((2 * D, D), lambda i: (0, 0))
    return pl.pallas_call(
        _node_body,
        grid=(g,),
        in_specs=[agg0, agg1, row, w0spec, bspec, wspec, bspec, wspec, bspec],
        out_specs=row,
        out_shape=jax.ShapeDtypeStruct((N_NODES, D), F32),
    )(aggs, aggs, h, w0, b0, w1, b1, w2, b2)


def _dec_body(h_ref, w0, b0, w1, b1, w2, b2, o_ref):
    a = jnp.maximum(_dot_a(h_ref[...], w0[...]) + b0[...], 0.0)
    a = jnp.maximum(_dot_a(a, w1[...]) + b1[...], 0.0)
    o_ref[...] = _dot_a(a, w2[...]) + b2[...]


def _dec(h, w0, b0, w1, b1, w2, b2):
    g = N_NODES // _NODE_BLK
    row = pl.BlockSpec((_NODE_BLK, D), lambda i: (i, 0))
    wspec = pl.BlockSpec((D, D), lambda i: (0, 0))
    bspec = pl.BlockSpec((1, D), lambda i: (0, 0))
    return pl.pallas_call(
        _dec_body,
        grid=(g,),
        in_specs=[row, wspec, bspec, wspec, bspec, wspec, bspec],
        out_specs=row,
        out_shape=jax.ShapeDtypeStruct((N_NODES, D), F32),
    )(h, w0, b0, w1, b1, w2, b2)



_NC = 2
_NS = 16
_NW = _NC * _NS
_EPW = N_EDGES // _NW
_C = 80
_NCHUNK = _EPW // _C
_NPAD = 10240
_RPS = _NPAD // _NS

@functools.cache
def _sc_kernels():
    mesh = plsc.VectorSubcoreMesh(core_axis_name="c", subcore_axis_name="s",
                                  num_cores=_NC, num_subcores=_NS)

    @functools.partial(
        pl.kernel,
        out_type=(
            jax.ShapeDtypeStruct((N_EDGES, D), F32),
            jax.ShapeDtypeStruct((N_EDGES, D), F32),
        ),
        mesh=mesh,
        scratch_types=[
            pltpu.VMEM((_C,), jnp.int32),
            pltpu.VMEM((_C,), jnp.int32),
            pltpu.VMEM((_C, D), F32),
            pltpu.VMEM((_C, D), F32),
            pltpu.SemaphoreType.DMA,
            pltpu.SemaphoreType.DMA,
        ],
    )
    def sc_gather(p_hbm, q_hbm, src_hbm, dst_hbm, gp_hbm, gq_hbm,
                  di, si, pr, qr, sem1, sem2):
        wid = lax.axis_index("s") * _NC + lax.axis_index("c")
        base = wid * _EPW

        def chunk(i, carry):
            off = base + i * _C
            pltpu.sync_copy(dst_hbm.at[pl.ds(off, _C)], di)
            pltpu.sync_copy(src_hbm.at[pl.ds(off, _C)], si)
            cp1 = pltpu.async_copy(p_hbm.at[di], pr, sem1)
            cp2 = pltpu.async_copy(q_hbm.at[si], qr, sem2)
            cp1.wait()
            cp2.wait()
            pltpu.sync_copy(pr, gp_hbm.at[pl.ds(off, _C)])
            pltpu.sync_copy(qr, gq_hbm.at[pl.ds(off, _C)])
            return carry

        lax.fori_loop(0, _NCHUNK, chunk, 0)

    @functools.partial(
        pl.kernel,
        out_type=jax.ShapeDtypeStruct((2 * _NPAD, D), F32),
        mesh=mesh,
        scratch_types=[
            pltpu.VMEM((_C,), jnp.int32),
            pltpu.VMEM((_C, D), F32),
            pltpu.VMEM_SHARED((_NPAD, D), F32),
        ],
    )
    def sc_scatter(m_hbm, dst_hbm, zeros_hbm, out_hbm, di, mv, acc):
        cid = lax.axis_index("c")
        sid = lax.axis_index("s")
        wid = sid * _NC + cid
        pltpu.sync_copy(zeros_hbm.at[pl.ds(sid * _RPS, _RPS)],
                        acc.at[pl.ds(sid * _RPS, _RPS)])
        plsc.subcore_barrier()

        base = wid * _EPW

        def chunk(i, carry):
            off = base + i * _C
            pltpu.sync_copy(dst_hbm.at[pl.ds(off, _C)], di)
            pltpu.sync_copy(m_hbm.at[pl.ds(off, _C)], mv)
            pltpu.sync_copy(mv, acc.at[di], add=True)
            return carry

        lax.fori_loop(0, _NCHUNK, chunk, 0)
        plsc.subcore_barrier()
        pltpu.sync_copy(acc.at[pl.ds(sid * _RPS, _RPS)],
                        out_hbm.at[pl.ds(cid * _NPAD + sid * _RPS, _RPS)])

    return sc_gather, sc_scatter




def kernel(x, edge_index, edge_attr, params):
    src = edge_index[0]
    dst = edge_index[1]
    enc_w, enc_b = params["enc"]["w"], params["enc"]["b"]
    edge_w, edge_b = params["edge"]["w"], params["edge"]["b"]
    msg_w, msg_b = params["msg"]["w"], params["msg"]["b"]
    node_w, node_b = params["node"]["w"], params["node"]["b"]
    dec_w, dec_b = params["dec"]["w"], params["dec"]["b"]

    def b2(v):
        return v.reshape(1, D)

    h = _enc(x, enc_w[0], b2(enc_b[0]), enc_w[1], b2(enc_b[1]),
             enc_w[2], b2(enc_b[2]))
    e = _edge(edge_attr, edge_w[0], b2(edge_b[0]), edge_w[1], b2(edge_b[1]),
              edge_w[2], b2(edge_b[2]))
    zeros = jnp.zeros((_NPAD, D), F32)
    sc_gather, sc_scatter = _sc_kernels()
    for _ in range(STEPS):
        xi, xj = sc_gather(h, h, src, dst)
        m = _msg(xi, xj, e, msg_w[0], b2(msg_b[0]), msg_w[1], b2(msg_b[1]),
                 msg_w[2], b2(msg_b[2]))
        aggs = sc_scatter(m, dst, zeros).reshape(2, _NPAD, D)
        h = _node(aggs, h, node_w[0], b2(node_b[0]), node_w[1],
                  b2(node_b[1]), node_w[2], b2(node_b[2]))
    return _dec(h, dec_w[0], b2(dec_b[0]), dec_w[1], b2(dec_b[1]),
                dec_w[2], b2(dec_b[2]))

# --- scband reference (transcript-rebuilt; emitter-appended) ---
"""Pipeline reference for scband-simgnn-58342835749042 (READ-ONLY COPY).

The authoritative reference and input builder live on the scoring server;
editing this copy changes nothing except your own understanding.
"""

import jax, jax.numpy as jnp
import numpy as np

N_NODES = 10000
N_EDGES = 320000
D_FEAT = 128
D_EDGE = 16
LATENT = 128
HIDDEN = [128, 128]
OUT = 128
STEPS = 3


def _init_mlp(key, dims):
    ws, bs = [], []
    for i in range(len(dims) - 1):
        key, k = jax.random.split(key)
        ws.append(jax.random.normal(k, (dims[i], dims[i + 1]), dtype=jnp.float32) / np.sqrt(dims[i]).astype(np.float32))
        bs.append(jnp.zeros((dims[i + 1],), dtype=jnp.float32))
    return key, {"w": ws, "b": bs}


def _mlp(p, x):
    n = len(p["w"])
    for i in range(n - 1):
        x = jnp.maximum(x @ p["w"][i] + p["b"][i], 0.0)
    return x @ p["w"][n - 1] + p["b"][n - 1]


def setup_inputs(seed: int = 0) -> dict:
    key = jax.random.key(seed)
    k1, k2, k3, kp = jax.random.split(key, 4)
    x = jax.random.normal(k1, (N_NODES, D_FEAT), dtype=jnp.float32)
    edge_index = jax.random.randint(k2, (2, N_EDGES), 0, N_NODES, dtype=jnp.int32)
    edge_attr = jax.random.normal(k3, (N_EDGES, D_EDGE), dtype=jnp.float32)
    params = {}
    kp, params["enc"] = _init_mlp(kp, [D_FEAT] + HIDDEN + [LATENT])
    kp, params["edge"] = _init_mlp(kp, [D_EDGE] + HIDDEN + [LATENT])
    kp, params["msg"] = _init_mlp(kp, [3 * LATENT] + HIDDEN + [LATENT])
    kp, params["node"] = _init_mlp(kp, [2 * LATENT] + HIDDEN + [LATENT])
    kp, params["dec"] = _init_mlp(kp, [LATENT] + HIDDEN + [OUT])
    return {"x": x, "edge_index": edge_index, "edge_attr": edge_attr, "params": params}


def reference(x, edge_index, edge_attr, params):
    # SIMGNN forward: encode -> num_message_passing_steps GraphProcessor (res-net) -> decode
    # flow='source_to_target': x_j = x[edge_index[0]] (source), x_i = x[edge_index[1]] (target)
    # message_choice=1: mlp(cat(x_i, x_j - x_i, edge_attr)); aggr='add' at target nodes
    # processor_choice=2: node_mlp(cat(aggregated, x)); is_res_net=True adds skip connection
    src = edge_index[0]
    dst = edge_index[1]
    h = _mlp(params["enc"], x)
    e = _mlp(params["edge"], edge_attr)
    for _ in range(STEPS):
        x_i = h[dst]
        x_j = h[src]
        m = _mlp(params["msg"], jnp.concatenate([x_i, x_j - x_i, e], axis=-1))
        agg = jax.ops.segment_sum(m, dst, num_segments=N_NODES)
        h = _mlp(params["node"], jnp.concatenate([agg, h], axis=-1)) + h
    return _mlp(params["dec"], h)

if __name__ == "__main__":
    import jax
    _d = setup_inputs()
    print(jax.jit(kernel)(*tuple(_d.values())))

</pallas_src>

<mosaic_0001>
#map = affine_map<(d0, d1) -> (0, 0)>
#map1 = affine_map<(d0, d1) -> (0)>
module attributes {stable_mosaic.version = 14 : i64} {
  func.func @sc_gather(%arg0: i32, %arg1: i32, %arg2: memref<10000x128xf32, #tpu.memory_space<hbm>>, %arg3: memref<10000x128xf32, #tpu.memory_space<hbm>>, %arg4: memref<320000xi32, #tpu.memory_space<hbm>>, %arg5: memref<320000xi32, #tpu.memory_space<hbm>>, %arg6: memref<320000x128xf32, #tpu.memory_space<hbm>>, %arg7: memref<320000x128xf32, #tpu.memory_space<hbm>>, %arg8: memref<80xi32, #tpu.memory_space<vmem>>, %arg9: memref<80xi32, #tpu.memory_space<vmem>>, %arg10: memref<80x128xf32, #tpu.memory_space<vmem>>, %arg11: memref<80x128xf32, #tpu.memory_space<vmem>>, %arg12: memref<!tpu.dma_semaphore, #tpu.memory_space<semaphore_mem>>, %arg13: memref<!tpu.dma_semaphore, #tpu.memory_space<semaphore_mem>>) attributes {dimension_semantics = [#tpu.dimension_semantics<core_parallel>, #tpu.dimension_semantics<subcore_parallel>], iteration_bounds = array<i64: 2, 16>, scalar_prefetch = 0 : i64, scratch_operands = 6 : i64, tpu.core_type = #tpu.core_type<sc_vector_subcore>, window_params = [{transform_indices = #map}, {transform_indices = #map}, {transform_indices = #map1}, {transform_indices = #map1}, {transform_indices = #map}, {transform_indices = #map}]} {
    %mul3A = arith.constant 2 : i32
    %mul3A_0 = arith.muli %arg1, %mul3A : i32
    %add3A = arith.addi %mul3A_0, %arg0 : i32
    %mul3A_1 = arith.constant 10000 : i32
    %mul3A_2 = arith.muli %add3A, %mul3A_1 : i32
    %scan3A = arith.constant 0 : i32
    %scan3A_3 = arith.constant 0 : i32
    %scan3A_4 = arith.constant 125 : i32
    %scan3A_5 = arith.addi %scan3A_3, %scan3A_4 : i32
    %scan3A_6 = arith.constant 1 : i32
    scf.for %scan3A_8 = %scan3A_3 to %scan3A_5 step %scan3A_6  : i32 {
      %mul3A_9 = arith.constant 80 : i32
      %mul3A_10 = arith.muli %scan3A_8, %mul3A_9 : i32
      %add3A_11 = arith.addi %mul3A_2, %mul3A_10 : i32
      "tpu.region"() ({
        %run_scoped3A = tpu.sem_alloc : memref<!tpu.dma_semaphore, #tpu.memory_space<semaphore_mem>>
        %dma_start3A_22 = tpu.memref_slice %arg5[%add3A_11] : memref<320000xi32, #tpu.memory_space<hbm>> -> memref<80xi32, #tpu.memory_space<hbm>>
        %dma_start3A_23 = tpu.memref_slice %arg5[%add3A_11] : memref<320000xi32, #tpu.memory_space<hbm>> -> memref<80xi32, #tpu.memory_space<hbm>>
        tpu.enqueue_dma source(%dma_start3A_23 : memref<80xi32, #tpu.memory_space<hbm>>) target(%arg8 : memref<80xi32, #tpu.memory_space<vmem>>) target_semaphore(%run_scoped3A : memref<!tpu.dma_semaphore, #tpu.memory_space<semaphore_mem>>)
        %dma_wait3A_24 = tpu.memref_slice %arg5[%add3A_11] : memref<320000xi32, #tpu.memory_space<hbm>> -> memref<80xi32, #tpu.memory_space<hbm>>
        %dma_wait3A_25 = tpu.memref_slice %arg5[%add3A_11] : memref<320000xi32, #tpu.memory_space<hbm>> -> memref<80xi32, #tpu.memory_space<hbm>>
        tpu.wait_dma2 semaphore(%run_scoped3A : memref<!tpu.dma_semaphore, #tpu.memory_space<semaphore_mem>>) src(%dma_wait3A_25 : memref<80xi32, #tpu.memory_space<hbm>>) dst(%arg8 : memref<80xi32, #tpu.memory_space<vmem>>)
        tpu.yield
      }) : () -> ()
      "tpu.region"() ({
        %run_scoped3A = tpu.sem_alloc : memref<!tpu.dma_semaphore, #tpu.memory_space<semaphore_mem>>
        %dma_start3A_22 = tpu.memref_slice %arg4[%add3A_11] : memref<320000xi32, #tpu.memory_space<hbm>> -> memref<80xi32, #tpu.memory_space<hbm>>
        %dma_start3A_23 = tpu.memref_slice %arg4[%add3A_11] : memref<320000xi32, #tpu.memory_space<hbm>> -> memref<80xi32, #tpu.memory_space<hbm>>
        tpu.enqueue_dma source(%dma_start3A_23 : memref<80xi32, #tpu.memory_space<hbm>>) target(%arg9 : memref<80xi32, #tpu.memory_space<vmem>>) target_semaphore(%run_scoped3A : memref<!tpu.dma_semaphore, #tpu.memory_space<semaphore_mem>>)
        %dma_wait3A_24 = tpu.memref_slice %arg4[%add3A_11] : memref<320000xi32, #tpu.memory_space<hbm>> -> memref<80xi32, #tpu.memory_space<hbm>>
        %dma_wait3A_25 = tpu.memref_slice %arg4[%add3A_11] : memref<320000xi32, #tpu.memory_space<hbm>> -> memref<80xi32, #tpu.memory_space<hbm>>
        tpu.wait_dma2 semaphore(%run_scoped3A : memref<!tpu.dma_semaphore, #tpu.memory_space<semaphore_mem>>) src(%dma_wait3A_25 : memref<80xi32, #tpu.memory_space<hbm>>) dst(%arg9 : memref<80xi32, #tpu.memory_space<vmem>>)
        tpu.yield
      }) : () -> ()
      %dma_start3A = arith.constant 0 : i32
      %dma_start3A_12 = arith.constant 0 : i32
      %dma_start3A_13 = tpu.memref_slice %arg2[%dma_start3A, %dma_start3A_12] : memref<10000x128xf32, #tpu.memory_space<hbm>> -> memref<10000x128xf32, #tpu.memory_space<hbm>>
      tpu.enqueue_indirect_dma source(%dma_start3A_13 : memref<10000x128xf32, #tpu.memory_space<hbm>>) target(%arg10 : memref<80x128xf32, #tpu.memory_space<vmem>>) offsets(%arg8 : memref<80xi32, #tpu.memory_space<vmem>>) semaphore(%arg12 : memref<!tpu.dma_semaphore, #tpu.memory_space<semaphore_mem>>)
      %dma_start3A_14 = arith.constant 0 : i32
      %dma_start3A_15 = arith.constant 0 : i32
      %dma_start3A_16 = tpu.memref_slice %arg3[%dma_start3A_14, %dma_start3A_15] : memref<10000x128xf32, #tpu.memory_space<hbm>> -> memref<10000x128xf32, #tpu.memory_space<hbm>>
      tpu.enqueue_indirect_dma source(%dma_start3A_16 : memref<10000x128xf32, #tpu.memory_space<hbm>>) target(%arg11 : memref<80x128xf32, #tpu.memory_space<vmem>>) offsets(%arg9 : memref<80xi32, #tpu.memory_space<vmem>>) semaphore(%arg13 : memref<!tpu.dma_semaphore, #tpu.memory_space<semaphore_mem>>)
      %dma_wait3A = arith.constant 0 : i32
      %dma_wait3A_17 = arith.constant 0 : i32
      %dma_wait3A_18 = tpu.memref_slice %arg2[%dma_wait3A, %dma_wait3A_17] : memref<10000x128xf32, #tpu.memory_space<hbm>> -> memref<10000x128xf32, #tpu.memory_space<hbm>>
      tpu.wait_indirect_dma semaphore(%arg12 : memref<!tpu.dma_semaphore, #tpu.memory_space<semaphore_mem>>) src(%dma_wait3A_18 : memref<10000x128xf32, #tpu.memory_space<hbm>>) dst(%arg10 : memref<80x128xf32, #tpu.memory_space<vmem>>)
      %dma_wait3A_19 = arith.constant 0 : i32
      %dma_wait3A_20 = arith.constant 0 : i32
      %dma_wait3A_21 = tpu.memref_slice %arg3[%dma_wait3A_19, %dma_wait3A_20] : memref<10000x128xf32, #tpu.memory_space<hbm>> -> memref<10000x128xf32, #tpu.memory_space<hbm>>
      tpu.wait_indirect_dma semaphore(%arg13 : memref<!tpu.dma_semaphore, #tpu.memory_space<semaphore_mem>>) src(%dma_wait3A_21 : memref<10000x128xf32, #tpu.memory_space<hbm>>) dst(%arg11 : memref<80x128xf32, #tpu.memory_space<vmem>>)
      "tpu.region"() ({
        %run_scoped3A = tpu.sem_alloc : memref<!tpu.dma_semaphore, #tpu.memory_space<semaphore_mem>>
        %dma_start3A_22 = arith.constant 0 : i32
        %dma_start3A_23 = tpu.memref_slice %arg6[%add3A_11, %dma_start3A_22] : memref<320000x128xf32, #tpu.memory_space<hbm>> -> memref<80x128xf32, #tpu.memory_space<hbm>>
        %dma_start3A_24 = arith.constant 0 : i32
        %dma_start3A_25 = tpu.memref_slice %arg6[%add3A_11, %dma_start3A_24] : memref<320000x128xf32, #tpu.memory_space<hbm>> -> memref<80x128xf32, #tpu.memory_space<hbm>>
        tpu.enqueue_dma source(%arg10 : memref<80x128xf32, #tpu.memory_space<vmem>>) target(%dma_start3A_25 : memref<80x128xf32, #tpu.memory_space<hbm>>) target_semaphore(%run_scoped3A : memref<!tpu.dma_semaphore, #tpu.memory_space<semaphore_mem>>)
        %dma_wait3A_26 = arith.constant 0 : i32
        %dma_wait3A_27 = tpu.memref_slice %arg6[%add3A_11, %dma_wait3A_26] : memref<320000x128xf32, #tpu.memory_space<hbm>> -> memref<80x128xf32, #tpu.memory_space<hbm>>
        %dma_wait3A_28 = arith.constant 0 : i32
        %dma_wait3A_29 = tpu.memref_slice %arg6[%add3A_11, %dma_wait3A_28] : memref<320000x128xf32, #tpu.memory_space<hbm>> -> memref<80x128xf32, #tpu.memory_space<hbm>>
        tpu.wait_dma2 semaphore(%run_scoped3A : memref<!tpu.dma_semaphore, #tpu.memory_space<semaphore_mem>>) src(%arg10 : memref<80x128xf32, #tpu.memory_space<vmem>>) dst(%dma_wait3A_29 : memref<80x128xf32, #tpu.memory_space<hbm>>)
        tpu.yield
      }) : () -> ()
      "tpu.region"() ({
        %run_scoped3A = tpu.sem_alloc : memref<!tpu.dma_semaphore, #tpu.memory_space<semaphore_mem>>
        %dma_start3A_22 = arith.constant 0 : i32
        %dma_start3A_23 = tpu.memref_slice %arg7[%add3A_11, %dma_start3A_22] : memref<320000x128xf32, #tpu.memory_space<hbm>> -> memref<80x128xf32, #tpu.memory_space<hbm>>
        %dma_start3A_24 = arith.constant 0 : i32
        %dma_start3A_25 = tpu.memref_slice %arg7[%add3A_11, %dma_start3A_24] : memref<320000x128xf32, #tpu.memory_space<hbm>> -> memref<80x128xf32, #tpu.memory_space<hbm>>
        tpu.enqueue_dma source(%arg11 : memref<80x128xf32, #tpu.memory_space<vmem>>) target(%dma_start3A_25 : memref<80x128xf32, #tpu.memory_space<hbm>>) target_semaphore(%run_scoped3A : memref<!tpu.dma_semaphore, #tpu.memory_space<semaphore_mem>>)
        %dma_wait3A_26 = arith.constant 0 : i32
        %dma_wait3A_27 = tpu.memref_slice %arg7[%add3A_11, %dma_wait3A_26] : memref<320000x128xf32, #tpu.memory_space<hbm>> -> memref<80x128xf32, #tpu.memory_space<hbm>>
        %dma_wait3A_28 = arith.constant 0 : i32
        %dma_wait3A_29 = tpu.memref_slice %arg7[%add3A_11, %dma_wait3A_28] : memref<320000x128xf32, #tpu.memory_space<hbm>> -> memref<80x128xf32, #tpu.memory_space<hbm>>
        tpu.wait_dma2 semaphore(%run_scoped3A : memref<!tpu.dma_semaphore, #tpu.memory_space<semaphore_mem>>) src(%arg11 : memref<80x128xf32, #tpu.memory_space<vmem>>) dst(%dma_wait3A_29 : memref<80x128xf32, #tpu.memory_space<hbm>>)
        tpu.yield
      }) : () -> ()
    }
    %scan3A_7 = arith.constant 125 : i32
    return
  }
}

#map = affine_map<(d0, d1) -> (0, 0)>
#map1 = affine_map<(d0, d1) -> (0)>
module attributes {stable_mosaic.version = 14 : i64} {
  func.func @sc_gather(%arg0: i32, %arg1: i32, %arg2: memref<10000x128xf32, #tpu.memory_space<hbm>>, %arg3: memref<10000x128xf32, #tpu.memory_space<hbm>>, %arg4: memref<320000xi32, #tpu.memory_space<hbm>>, %arg5: memref<320000xi32, #tpu.memory_space<hbm>>, %arg6: memref<320000x128xf32, #tpu.memory_space<hbm>>, %arg7: memref<320000x128xf32, #tpu.memory_space<hbm>>, %arg8: memref<80xi32, #tpu.memory_space<vmem>>, %arg9: memref<80xi32, #tpu.memory_space<vmem>>, %arg10: memref<80x128xf32, #tpu.memory_space<vmem>>, %arg11: memref<80x128xf32, #tpu.memory_space<vmem>>, %arg12: memref<!tpu.dma_semaphore, #tpu.memory_space<semaphore_mem>>, %arg13: memref<!tpu.dma_semaphore, #tpu.memory_space<semaphore_mem>>) attributes {dimension_semantics = [#tpu.dimension_semantics<core_parallel>, #tpu.dimension_semantics<subcore_parallel>], iteration_bounds = array<i64: 2, 16>, scalar_prefetch = 0 : i64, scratch_operands = 6 : i64, tpu.core_type = #tpu.core_type<sc_vector_subcore>, window_params = [{transform_indices = #map}, {transform_indices = #map}, {transform_indices = #map1}, {transform_indices = #map1}, {transform_indices = #map}, {transform_indices = #map}]} {
    %mul3A = arith.constant 2 : i32
    %mul3A_0 = arith.muli %arg1, %mul3A : i32
    %add3A = arith.addi %mul3A_0, %arg0 : i32
    %mul3A_1 = arith.constant 10000 : i32
    %mul3A_2 = arith.muli %add3A, %mul3A_1 : i32
    %scan3A = arith.constant 0 : i32
    %scan3A_3 = arith.constant 0 : i32
    %scan3A_4 = arith.constant 125 : i32
    %scan3A_5 = arith.addi %scan3A_3, %scan3A_4 : i32
    %scan3A_6 = arith.constant 1 : i32
    scf.for %scan3A_8 = %scan3A_3 to %scan3A_5 step %scan3A_6  : i32 {
      %mul3A_9 = arith.constant 80 : i32
      %mul3A_10 = arith.muli %scan3A_8, %mul3A_9 : i32
      %add3A_11 = arith.addi %mul3A_2, %mul3A_10 : i32
      "tpu.region"() ({
        %run_scoped3A = tpu.sem_alloc : memref<!tpu.dma_semaphore, #tpu.memory_space<semaphore_mem>>
        %dma_start3A_22 = tpu.memref_slice %arg5[%add3A_11] : memref<320000xi32, #tpu.memory_space<hbm>> -> memref<80xi32, #tpu.memory_space<hbm>>
        %dma_start3A_23 = tpu.memref_slice %arg5[%add3A_11] : memref<320000xi32, #tpu.memory_space<hbm>> -> memref<80xi32, #tpu.memory_space<hbm>>
        tpu.enqueue_dma source(%dma_start3A_23 : memref<80xi32, #tpu.memory_space<hbm>>) target(%arg8 : memref<80xi32, #tpu.memory_space<vmem>>) target_semaphore(%run_scoped3A : memref<!tpu.dma_semaphore, #tpu.memory_space<semaphore_mem>>)
        %dma_wait3A_24 = tpu.memref_slice %arg5[%add3A_11] : memref<320000xi32, #tpu.memory_space<hbm>> -> memref<80xi32, #tpu.memory_space<hbm>>
        %dma_wait3A_25 = tpu.memref_slice %arg5[%add3A_11] : memref<320000xi32, #tpu.memory_space<hbm>> -> memref<80xi32, #tpu.memory_space<hbm>>
        tpu.wait_dma2 semaphore(%run_scoped3A : memref<!tpu.dma_semaphore, #tpu.memory_space<semaphore_mem>>) src(%dma_wait3A_25 : memref<80xi32, #tpu.memory_space<hbm>>) dst(%arg8 : memref<80xi32, #tpu.memory_space<vmem>>)
        tpu.yield
      }) : () -> ()
      "tpu.region"() ({
        %run_scoped3A = tpu.sem_alloc : memref<!tpu.dma_semaphore, #tpu.memory_space<semaphore_mem>>
        %dma_start3A_22 = tpu.memref_slice %arg4[%add3A_11] : memref<320000xi32, #tpu.memory_space<hbm>> -> memref<80xi32, #tpu.memory_space<hbm>>
        %dma_start3A_23 = tpu.memref_slice %arg4[%add3A_11] : memref<320000xi32, #tpu.memory_space<hbm>> -> memref<80xi32, #tpu.memory_space<hbm>>
        tpu.enqueue_dma source(%dma_start3A_23 : memref<80xi32, #tpu.memory_space<hbm>>) target(%arg9 : memref<80xi32, #tpu.memory_space<vmem>>) target_semaphore(%run_scoped3A : memref<!tpu.dma_semaphore, #tpu.memory_space<semaphore_mem>>)
        %dma_wait3A_24 = tpu.memref_slice %arg4[%add3A_11] : memref<320000xi32, #tpu.memory_space<hbm>> -> memref<80xi32, #tpu.memory_space<hbm>>
        %dma_wait3A_25 = tpu.memref_slice %arg4[%add3A_11] : memref<320000xi32, #tpu.memory_space<hbm>> -> memref<80xi32, #tpu.memory_space<hbm>>
        tpu.wait_dma2 semaphore(%run_scoped3A : memref<!tpu.dma_semaphore, #tpu.memory_space<semaphore_mem>>) src(%dma_wait3A_25 : memref<80xi32, #tpu.memory_space<hbm>>) dst(%arg9 : memref<80xi32, #tpu.memory_space<vmem>>)
        tpu.yield
      }) : () -> ()
      %dma_start3A = arith.constant 0 : i32
      %dma_start3A_12 = arith.constant 0 : i32
      %dma_start3A_13 = tpu.memref_slice %arg2[%dma_start3A, %dma_start3A_12] : memref<10000x128xf32, #tpu.memory_space<hbm>> -> memref<10000x128xf32, #tpu.memory_space<hbm>>
      tpu.enqueue_indirect_dma source(%dma_start3A_13 : memref<10000x128xf32, #tpu.memory_space<hbm>>) target(%arg10 : memref<80x128xf32, #tpu.memory_space<vmem>>) offsets(%arg8 : memref<80xi32, #tpu.memory_space<vmem>>) semaphore(%arg12 : memref<!tpu.dma_semaphore, #tpu.memory_space<semaphore_mem>>)
      %dma_start3A_14 = arith.constant 0 : i32
      %dma_start3A_15 = arith.constant 0 : i32
      %dma_start3A_16 = tpu.memref_slice %arg3[%dma_start3A_14, %dma_start3A_15] : memref<10000x128xf32, #tpu.memory_space<hbm>> -> memref<10000x128xf32, #tpu.memory_space<hbm>>
      tpu.enqueue_indirect_dma source(%dma_start3A_16 : memref<10000x128xf32, #tpu.memory_space<hbm>>) target(%arg11 : memref<80x128xf32, #tpu.memory_space<vmem>>) offsets(%arg9 : memref<80xi32, #tpu.memory_space<vmem>>) semaphore(%arg13 : memref<!tpu.dma_semaphore, #tpu.memory_space<semaphore_mem>>)
      %dma_wait3A = arith.constant 0 : i32
      %dma_wait3A_17 = arith.constant 0 : i32
      %dma_wait3A_18 = tpu.memref_slice %arg2[%dma_wait3A, %dma_wait3A_17] : memref<10000x128xf32, #tpu.memory_space<hbm>> -> memref<10000x128xf32, #tpu.memory_space<hbm>>
      tpu.wait_indirect_dma semaphore(%arg12 : memref<!tpu.dma_semaphore, #tpu.memory_space<semaphore_mem>>) src(%dma_wait3A_18 : memref<10000x128xf32, #tpu.memory_space<hbm>>) dst(%arg10 : memref<80x128xf32, #tpu.memory_space<vmem>>)
      %dma_wait3A_19 = arith.constant 0 : i32
      %dma_wait3A_20 = arith.constant 0 : i32
      %dma_wait3A_21 = tpu.memref_slice %arg3[%dma_wait3A_19, %dma_wait3A_20] : memref<10000x128xf32, #tpu.memory_space<hbm>> -> memref<10000x128xf32, #tpu.memory_space<hbm>>
      tpu.wait_indirect_dma semaphore(%arg13 : memref<!tpu.dma_semaphore, #tpu.memory_space<semaphore_mem>>) src(%dma_wait3A_21 : memref<10000x128xf32, #tpu.memory_space<hbm>>) dst(%arg11 : memref<80x128xf32, #tpu.memory_space<vmem>>)
      "tpu.region"() ({
        %run_scoped3A = tpu.sem_alloc : memref<!tpu.dma_semaphore, #tpu.memory_space<semaphore_mem>>
        %dma_start3A_22 = arith.constant 0 : i32
        %dma_start3A_23 = tpu.memref_slice %arg6[%add3A_11, %dma_start3A_22] : memref<320000x128xf32, #tpu.memory_space<hbm>> -> memref<80x128xf32, #tpu.memory_space<hbm>>
        %dma_start3A_24 = arith.constant 0 : i32
        %dma_start3A_25 = tpu.memref_slice %arg6[%add3A_11, %dma_start3A_24] : memref<320000x128xf32, #tpu.memory_space<hbm>> -> memref<80x128xf32, #tpu.memory_space<hbm>>
        tpu.enqueue_dma source(%arg10 : memref<80x128xf32, #tpu.memory_space<vmem>>) target(%dma_start3A_25 : memref<80x128xf32, #tpu.memory_space<hbm>>) target_semaphore(%run_scoped3A : memref<!tpu.dma_semaphore, #tpu.memory_space<semaphore_mem>>)
        %dma_wait3A_26 = arith.constant 0 : i32
        %dma_wait3A_27 = tpu.memref_slice %arg6[%add3A_11, %dma_wait3A_26] : memref<320000x128xf32, #tpu.memory_space<hbm>> -> memref<80x128xf32, #tpu.memory_space<hbm>>
        %dma_wait3A_28 = arith.constant 0 : i32
        %dma_wait3A_29 = tpu.memref_slice %arg6[%add3A_11, %dma_wait3A_28] : memref<320000x128xf32, #tpu.memory_space<hbm>> -> memref<80x128xf32, #tpu.memory_space<hbm>>
        tpu.wait_dma2 semaphore(%run_scoped3A : memref<!tpu.dma_semaphore, #tpu.memory_space<semaphore_mem>>) src(%arg10 : memref<80x128xf32, #tpu.memory_space<vmem>>) dst(%dma_wait3A_29 : memref<80x128xf32, #tpu.memory_space<hbm>>)
        tpu.yield
      }) : () -> ()
      "tpu.region"() ({
        %run_scoped3A = tpu.sem_alloc : memref<!tpu.dma_semaphore, #tpu.memory_space<semaphore_mem>>
        %dma_start3A_22 = arith.constant 0 : i32
        %dma_start3A_23 = tpu.memref_slice %arg7[%add3A_11, %dma_start3A_22] : memref<320000x128xf32, #tpu.memory_space<hbm>> -> memref<80x128xf32, #tpu.memory_space<hbm>>
        %dma_start3A_24 = arith.constant 0 : i32
        %dma_start3A_25 = tpu.memref_slice %arg7[%add3A_11, %dma_start3A_24] : memref<320000x128xf32, #tpu.memory_space<hbm>> -> memref<80x128xf32, #tpu.memory_space<hbm>>
        tpu.enqueue_dma source(%arg11 : memref<80x128xf32, #tpu.memory_space<vmem>>) target(%dma_start3A_25 : memref<80x128xf32, #tpu.memory_space<hbm>>) target_semaphore(%run_scoped3A : memref<!tpu.dma_semaphore, #tpu.memory_space<semaphore_mem>>)
        %dma_wait3A_26 = arith.constant 0 : i32
        %dma_wait3A_27 = tpu.memref_slice %arg7[%add3A_11, %dma_wait3A_26] : memref<320000x128xf32, #tpu.memory_space<hbm>> -> memref<80x128xf32, #tpu.memory_space<hbm>>
        %dma_wait3A_28 = arith.constant 0 : i32
        %dma_wait3A_29 = tpu.memref_slice %arg7[%add3A_11, %dma_wait3A_28] : memref<320000x128xf32, #tpu.memory_space<hbm>> -> memref<80x128xf32, #tpu.memory_space<hbm>>
        tpu.wait_dma2 semaphore(%run_scoped3A : memref<!tpu.dma_semaphore, #tpu.memory_space<semaphore_mem>>) src(%arg11 : memref<80x128xf32, #tpu.memory_space<vmem>>) dst(%dma_wait3A_29 : memref<80x128xf32, #tpu.memory_space<hbm>>)
        tpu.yield
      }) : () -> ()
    }
    %scan3A_7 = arith.constant 125 : i32
    return
  }
}

#map = affine_map<(d0, d1) -> (0, 0)>
#map1 = affine_map<(d0, d1) -> (0)>
module attributes {stable_mosaic.version = 14 : i64} {
  func.func @sc_scatter(%arg0: i32, %arg1: i32, %arg2: memref<320000x128xf32, #tpu.memory_space<hbm>>, %arg3: memref<320000xi32, #tpu.memory_space<hbm>>, %arg4: memref<10240x128xf32, #tpu.memory_space<hbm>>, %arg5: memref<20480x128xf32, #tpu.memory_space<hbm>>, %arg6: memref<80xi32, #tpu.memory_space<vmem>>, %arg7: memref<80x128xf32, #tpu.memory_space<vmem>>, %arg8: memref<10240x128xf32, #tpu.memory_space<vmem_shared>>) attributes {dimension_semantics = [#tpu.dimension_semantics<core_parallel>, #tpu.dimension_semantics<subcore_parallel>], iteration_bounds = array<i64: 2, 16>, scalar_prefetch = 0 : i64, scratch_operands = 3 : i64, tpu.core_type = #tpu.core_type<sc_vector_subcore>, window_params = [{transform_indices = #map}, {transform_indices = #map1}, {transform_indices = #map}, {transform_indices = #map}]} {
    %mul3A = arith.constant 2 : i32
    %mul3A_0 = arith.muli %arg1, %mul3A : i32
    %add3A = arith.addi %mul3A_0, %arg0 : i32
    %mul3A_1 = arith.constant 640 : i32
    %mul3A_2 = arith.muli %arg1, %mul3A_1 : i32
    %mul3A_3 = arith.constant 640 : i32
    %mul3A_4 = arith.muli %arg1, %mul3A_3 : i32
    "tpu.region"() ({
      %run_scoped3A = tpu.sem_alloc : memref<!tpu.dma_semaphore, #tpu.memory_space<semaphore_mem>>
      %dma_start3A = arith.constant 0 : i32
      %dma_start3A_20 = tpu.memref_slice %arg8[%mul3A_4, %dma_start3A] : memref<10240x128xf32, #tpu.memory_space<vmem_shared>> -> memref<640x128xf32, #tpu.memory_space<vmem_shared>>
      %dma_start3A_21 = arith.constant 0 : i32
      %dma_start3A_22 = tpu.memref_slice %arg4[%mul3A_2, %dma_start3A_21] : memref<10240x128xf32, #tpu.memory_space<hbm>> -> memref<640x128xf32, #tpu.memory_space<hbm>>
      tpu.enqueue_dma source(%dma_start3A_22 : memref<640x128xf32, #tpu.memory_space<hbm>>) target(%dma_start3A_20 : memref<640x128xf32, #tpu.memory_space<vmem_shared>>) target_semaphore(%run_scoped3A : memref<!tpu.dma_semaphore, #tpu.memory_space<semaphore_mem>>)
      %dma_wait3A = arith.constant 0 : i32
      %dma_wait3A_23 = tpu.memref_slice %arg8[%mul3A_4, %dma_wait3A] : memref<10240x128xf32, #tpu.memory_space<vmem_shared>> -> memref<640x128xf32, #tpu.memory_space<vmem_shared>>
      %dma_wait3A_24 = arith.constant 0 : i32
      %dma_wait3A_25 = tpu.memref_slice %arg4[%mul3A_2, %dma_wait3A_24] : memref<10240x128xf32, #tpu.memory_space<hbm>> -> memref<640x128xf32, #tpu.memory_space<hbm>>
      tpu.wait_dma2 semaphore(%run_scoped3A : memref<!tpu.dma_semaphore, #tpu.memory_space<semaphore_mem>>) src(%dma_wait3A_25 : memref<640x128xf32, #tpu.memory_space<hbm>>) dst(%dma_wait3A_23 : memref<640x128xf32, #tpu.memory_space<vmem_shared>>)
      tpu.yield
    }) : () -> ()
    %barrier3A = arith.constant 0 : index
    tpu.barrier barrier_id(%barrier3A)
    %mul3A_5 = arith.constant 10000 : i32
    %mul3A_6 = arith.muli %add3A, %mul3A_5 : i32
    %scan3A = arith.constant 0 : i32
    %scan3A_7 = arith.constant 0 : i32
    %scan3A_8 = arith.constant 125 : i32
    %scan3A_9 = arith.addi %scan3A_7, %scan3A_8 : i32
    %scan3A_10 = arith.constant 1 : i32
    scf.for %scan3A_20 = %scan3A_7 to %scan3A_9 step %scan3A_10  : i32 {
      %mul3A_21 = arith.constant 80 : i32
      %mul3A_22 = arith.muli %scan3A_20, %mul3A_21 : i32
      %add3A_23 = arith.addi %mul3A_6, %mul3A_22 : i32
      "tpu.region"() ({
        %run_scoped3A = tpu.sem_alloc : memref<!tpu.dma_semaphore, #tpu.memory_space<semaphore_mem>>
        %dma_start3A = tpu.memref_slice %arg3[%add3A_23] : memref<320000xi32, #tpu.memory_space<hbm>> -> memref<80xi32, #tpu.memory_space<hbm>>
        %dma_start3A_24 = tpu.memref_slice %arg3[%add3A_23] : memref<320000xi32, #tpu.memory_space<hbm>> -> memref<80xi32, #tpu.memory_space<hbm>>
        tpu.enqueue_dma source(%dma_start3A_24 : memref<80xi32, #tpu.memory_space<hbm>>) target(%arg6 : memref<80xi32, #tpu.memory_space<vmem>>) target_semaphore(%run_scoped3A : memref<!tpu.dma_semaphore, #tpu.memory_space<semaphore_mem>>)
        %dma_wait3A = tpu.memref_slice %arg3[%add3A_23] : memref<320000xi32, #tpu.memory_space<hbm>> -> memref<80xi32, #tpu.memory_space<hbm>>
        %dma_wait3A_25 = tpu.memref_slice %arg3[%add3A_23] : memref<320000xi32, #tpu.memory_space<hbm>> -> memref<80xi32, #tpu.memory_space<hbm>>
        tpu.wait_dma2 semaphore(%run_scoped3A : memref<!tpu.dma_semaphore, #tpu.memory_space<semaphore_mem>>) src(%dma_wait3A_25 : memref<80xi32, #tpu.memory_space<hbm>>) dst(%arg6 : memref<80xi32, #tpu.memory_space<vmem>>)
        tpu.yield
      }) : () -> ()
      "tpu.region"() ({
        %run_scoped3A = tpu.sem_alloc : memref<!tpu.dma_semaphore, #tpu.memory_space<semaphore_mem>>
        %dma_start3A = arith.constant 0 : i32
        %dma_start3A_24 = tpu.memref_slice %arg2[%add3A_23, %dma_start3A] : memref<320000x128xf32, #tpu.memory_space<hbm>> -> memref<80x128xf32, #tpu.memory_space<hbm>>
        %dma_start3A_25 = arith.constant 0 : i32
        %dma_start3A_26 = tpu.memref_slice %arg2[%add3A_23, %dma_start3A_25] : memref<320000x128xf32, #tpu.memory_space<hbm>> -> memref<80x128xf32, #tpu.memory_space<hbm>>
        tpu.enqueue_dma source(%dma_start3A_26 : memref<80x128xf32, #tpu.memory_space<hbm>>) target(%arg7 : memref<80x128xf32, #tpu.memory_space<vmem>>) target_semaphore(%run_scoped3A : memref<!tpu.dma_semaphore, #tpu.memory_space<semaphore_mem>>)
        %dma_wait3A = arith.constant 0 : i32
        %dma_wait3A_27 = tpu.memref_slice %arg2[%add3A_23, %dma_wait3A] : memref<320000x128xf32, #tpu.memory_space<hbm>> -> memref<80x128xf32, #tpu.memory_space<hbm>>
        %dma_wait3A_28 = arith.constant 0 : i32
        %dma_wait3A_29 = tpu.memref_slice %arg2[%add3A_23, %dma_wait3A_28] : memref<320000x128xf32, #tpu.memory_space<hbm>> -> memref<80x128xf32, #tpu.memory_space<hbm>>
        tpu.wait_dma2 semaphore(%run_scoped3A : memref<!tpu.dma_semaphore, #tpu.memory_space<semaphore_mem>>) src(%dma_wait3A_29 : memref<80x128xf32, #tpu.memory_space<hbm>>) dst(%arg7 : memref<80x128xf32, #tpu.memory_space<vmem>>)
        tpu.yield
      }) : () -> ()
      "tpu.region"() ({
        %run_scoped3A = tpu.sem_alloc : memref<!tpu.dma_semaphore, #tpu.memory_space<semaphore_mem>>
        %dma_start3A = arith.constant 0 : i32
        %dma_start3A_24 = arith.constant 0 : i32
        %dma_start3A_25 = tpu.memref_slice %arg8[%dma_start3A, %dma_start3A_24] : memref<10240x128xf32, #tpu.memory_space<vmem_shared>> -> memref<10240x128xf32, #tpu.memory_space<vmem_shared>>
        tpu.enqueue_indirect_dma source(%arg7 : memref<80x128xf32, #tpu.memory_space<vmem>>) target(%dma_start3A_25 : memref<10240x128xf32, #tpu.memory_space<vmem_shared>>) offsets(%arg6 : memref<80xi32, #tpu.memory_space<vmem>>) semaphore(%run_scoped3A : memref<!tpu.dma_semaphore, #tpu.memory_space<semaphore_mem>>) {add = true}
        %dma_wait3A = arith.constant 0 : i32
        %dma_wait3A_26 = arith.constant 0 : i32
        %dma_wait3A_27 = tpu.memref_slice %arg8[%dma_wait3A, %dma_wait3A_26] : memref<10240x128xf32, #tpu.memory_space<vmem_shared>> -> memref<10240x128xf32, #tpu.memory_space<vmem_shared>>
        tpu.wait_indirect_dma semaphore(%run_scoped3A : memref<!tpu.dma_semaphore, #tpu.memory_space<semaphore_mem>>) src(%arg7 : memref<80x128xf32, #tpu.memory_space<vmem>>) dst(%dma_wait3A_27 : memref<10240x128xf32, #tpu.memory_space<vmem_shared>>)
        tpu.yield
      }) : () -> ()
    }
    %scan3A_11 = arith.constant 125 : i32
    %barrier3A_12 = arith.constant 0 : index
    tpu.barrier barrier_id(%barrier3A_12)
    %mul3A_13 = arith.constant 640 : i32
    %mul3A_14 = arith.muli %arg1, %mul3A_13 : i32
    %mul3A_15 = arith.constant 10240 : i32
    %mul3A_16 = arith.muli %arg0, %mul3A_15 : i32
    %mul3A_17 = arith.constant 640 : i32
    %mul3A_18 = arith.muli %arg1, %mul3A_17 : i32
    %add3A_19 = arith.addi %mul3A_16, %mul3A_18 : i32
    "tpu.region"() ({
      %run_scoped3A = tpu.sem_alloc : memref<!tpu.dma_semaphore, #tpu.memory_space<semaphore_mem>>
      %dma_start3A = arith.constant 0 : i32
      %dma_start3A_20 = tpu.memref_slice %arg5[%add3A_19, %dma_start3A] : memref<20480x128xf32, #tpu.memory_space<hbm>> -> memref<640x128xf32, #tpu.memory_space<hbm>>
      %dma_start3A_21 = arith.constant 0 : i32
      %dma_start3A_22 = tpu.memref_slice %arg8[%mul3A_14, %dma_start3A_21] : memref<10240x128xf32, #tpu.memory_space<vmem_shared>> -> memref<640x128xf32, #tpu.memory_space<vmem_shared>>
      tpu.enqueue_dma source(%dma_start3A_22 : memref<640x128xf32, #tpu.memory_space<vmem_shared>>) target(%dma_start3A_20 : memref<640x128xf32, #tpu.memory_space<hbm>>) target_semaphore(%run_scoped3A : memref<!tpu.dma_semaphore, #tpu.memory_space<semaphore_mem>>)
      %dma_wait3A = arith.constant 0 : i32
      %dma_wait3A_23 = tpu.memref_slice %arg5[%add3A_19, %dma_wait3A] : memref<20480x128xf32, #tpu.memory_space<hbm>> -> memref<640x128xf32, #tpu.memory_space<hbm>>
      %dma_wait3A_24 = arith.constant 0 : i32
      %dma_wait3A_25 = tpu.memref_slice %arg8[%mul3A_14, %dma_wait3A_24] : memref<10240x128xf32, #tpu.memory_space<vmem_shared>> -> memref<640x128xf32, #tpu.memory_space<vmem_shared>>
      tpu.wait_dma2 semaphore(%run_scoped3A : memref<!tpu.dma_semaphore, #tpu.memory_space<semaphore_mem>>) src(%dma_wait3A_25 : memref<640x128xf32, #tpu.memory_space<vmem_shared>>) dst(%dma_wait3A_23 : memref<640x128xf32, #tpu.memory_space<hbm>>)
      tpu.yield
    }) : () -> ()
    return
  }
}

#map = affine_map<(d0, d1) -> (0, 0)>
#map1 = affine_map<(d0, d1) -> (0)>
module attributes {stable_mosaic.version = 14 : i64} {
  func.func @sc_scatter(%arg0: i32, %arg1: i32, %arg2: memref<320000x128xf32, #tpu.memory_space<hbm>>, %arg3: memref<320000xi32, #tpu.memory_space<hbm>>, %arg4: memref<10240x128xf32, #tpu.memory_space<hbm>>, %arg5: memref<20480x128xf32, #tpu.memory_space<hbm>>, %arg6: memref<80xi32, #tpu.memory_space<vmem>>, %arg7: memref<80x128xf32, #tpu.memory_space<vmem>>, %arg8: memref<10240x128xf32, #tpu.memory_space<vmem_shared>>) attributes {dimension_semantics = [#tpu.dimension_semantics<core_parallel>, #tpu.dimension_semantics<subcore_parallel>], iteration_bounds = array<i64: 2, 16>, scalar_prefetch = 0 : i64, scratch_operands = 3 : i64, tpu.core_type = #tpu.core_type<sc_vector_subcore>, window_params = [{transform_indices = #map}, {transform_indices = #map1}, {transform_indices = #map}, {transform_indices = #map}]} {
    %mul3A = arith.constant 2 : i32
    %mul3A_0 = arith.muli %arg1, %mul3A : i32
    %add3A = arith.addi %mul3A_0, %arg0 : i32
    %mul3A_1 = arith.constant 640 : i32
    %mul3A_2 = arith.muli %arg1, %mul3A_1 : i32
    %mul3A_3 = arith.constant 640 : i32
    %mul3A_4 = arith.muli %arg1, %mul3A_3 : i32
    "tpu.region"() ({
      %run_scoped3A = tpu.sem_alloc : memref<!tpu.dma_semaphore, #tpu.memory_space<semaphore_mem>>
      %dma_start3A = arith.constant 0 : i32
      %dma_start3A_20 = tpu.memref_slice %arg8[%mul3A_4, %dma_start3A] : memref<10240x128xf32, #tpu.memory_space<vmem_shared>> -> memref<640x128xf32, #tpu.memory_space<vmem_shared>>
      %dma_start3A_21 = arith.constant 0 : i32
      %dma_start3A_22 = tpu.memref_slice %arg4[%mul3A_2, %dma_start3A_21] : memref<10240x128xf32, #tpu.memory_space<hbm>> -> memref<640x128xf32, #tpu.memory_space<hbm>>
      tpu.enqueue_dma source(%dma_start3A_22 : memref<640x128xf32, #tpu.memory_space<hbm>>) target(%dma_start3A_20 : memref<640x128xf32, #tpu.memory_space<vmem_shared>>) target_semaphore(%run_scoped3A : memref<!tpu.dma_semaphore, #tpu.memory_space<semaphore_mem>>)
      %dma_wait3A = arith.constant 0 : i32
      %dma_wait3A_23 = tpu.memref_slice %arg8[%mul3A_4, %dma_wait3A] : memref<10240x128xf32, #tpu.memory_space<vmem_shared>> -> memref<640x128xf32, #tpu.memory_space<vmem_shared>>
      %dma_wait3A_24 = arith.constant 0 : i32
      %dma_wait3A_25 = tpu.memref_slice %arg4[%mul3A_2, %dma_wait3A_24] : memref<10240x128xf32, #tpu.memory_space<hbm>> -> memref<640x128xf32, #tpu.memory_space<hbm>>
      tpu.wait_dma2 semaphore(%run_scoped3A : memref<!tpu.dma_semaphore, #tpu.memory_space<semaphore_mem>>) src(%dma_wait3A_25 : memref<640x128xf32, #tpu.memory_space<hbm>>) dst(%dma_wait3A_23 : memref<640x128xf32, #tpu.memory_space<vmem_shared>>)
      tpu.yield
    }) : () -> ()
    %barrier3A = arith.constant 0 : index
    tpu.barrier barrier_id(%barrier3A)
    %mul3A_5 = arith.constant 10000 : i32
    %mul3A_6 = arith.muli %add3A, %mul3A_5 : i32
    %scan3A = arith.constant 0 : i32
    %scan3A_7 = arith.constant 0 : i32
    %scan3A_8 = arith.constant 125 : i32
    %scan3A_9 = arith.addi %scan3A_7, %scan3A_8 : i32
    %scan3A_10 = arith.constant 1 : i32
    scf.for %scan3A_20 = %scan3A_7 to %scan3A_9 step %scan3A_10  : i32 {
      %mul3A_21 = arith.constant 80 : i32
      %mul3A_22 = arith.muli %scan3A_20, %mul3A_21 : i32
      %add3A_23 = arith.addi %mul3A_6, %mul3A_22 : i32
      "tpu.region"() ({
        %run_scoped3A = tpu.sem_alloc : memref<!tpu.dma_semaphore, #tpu.memory_space<semaphore_mem>>
        %dma_start3A = tpu.memref_slice %arg3[%add3A_23] : memref<320000xi32, #tpu.memory_space<hbm>> -> memref<80xi32, #tpu.memory_space<hbm>>
        %dma_start3A_24 = tpu.memref_slice %arg3[%add3A_23] : memref<320000xi32, #tpu.memory_space<hbm>> -> memref<80xi32, #tpu.memory_space<hbm>>
        tpu.enqueue_dma source(%dma_start3A_24 : memref<80xi32, #tpu.memory_space<hbm>>) target(%arg6 : memref<80xi32, #tpu.memory_space<vmem>>) target_semaphore(%run_scoped3A : memref<!tpu.dma_semaphore, #tpu.memory_space<semaphore_mem>>)
        %dma_wait3A = tpu.memref_slice %arg3[%add3A_23] : memref<320000xi32, #tpu.memory_space<hbm>> -> memref<80xi32, #tpu.memory_space<hbm>>
        %dma_wait3A_25 = tpu.memref_slice %arg3[%add3A_23] : memref<320000xi32, #tpu.memory_space<hbm>> -> memref<80xi32, #tpu.memory_space<hbm>>
        tpu.wait_dma2 semaphore(%run_scoped3A : memref<!tpu.dma_semaphore, #tpu.memory_space<semaphore_mem>>) src(%dma_wait3A_25 : memref<80xi32, #tpu.memory_space<hbm>>) dst(%arg6 : memref<80xi32, #tpu.memory_space<vmem>>)
        tpu.yield
      }) : () -> ()
      "tpu.region"() ({
        %run_scoped3A = tpu.sem_alloc : memref<!tpu.dma_semaphore, #tpu.memory_space<semaphore_mem>>
        %dma_start3A = arith.constant 0 : i32
        %dma_start3A_24 = tpu.memref_slice %arg2[%add3A_23, %dma_start3A] : memref<320000x128xf32, #tpu.memory_space<hbm>> -> memref<80x128xf32, #tpu.memory_space<hbm>>
        %dma_start3A_25 = arith.constant 0 : i32
        %dma_start3A_26 = tpu.memref_slice %arg2[%add3A_23, %dma_start3A_25] : memref<320000x128xf32, #tpu.memory_space<hbm>> -> memref<80x128xf32, #tpu.memory_space<hbm>>
        tpu.enqueue_dma source(%dma_start3A_26 : memref<80x128xf32, #tpu.memory_space<hbm>>) target(%arg7 : memref<80x128xf32, #tpu.memory_space<vmem>>) target_semaphore(%run_scoped3A : memref<!tpu.dma_semaphore, #tpu.memory_space<semaphore_mem>>)
        %dma_wait3A = arith.constant 0 : i32
        %dma_wait3A_27 = tpu.memref_slice %arg2[%add3A_23, %dma_wait3A] : memref<320000x128xf32, #tpu.memory_space<hbm>> -> memref<80x128xf32, #tpu.memory_space<hbm>>
        %dma_wait3A_28 = arith.constant 0 : i32
        %dma_wait3A_29 = tpu.memref_slice %arg2[%add3A_23, %dma_wait3A_28] : memref<320000x128xf32, #tpu.memory_space<hbm>> -> memref<80x128xf32, #tpu.memory_space<hbm>>
        tpu.wait_dma2 semaphore(%run_scoped3A : memref<!tpu.dma_semaphore, #tpu.memory_space<semaphore_mem>>) src(%dma_wait3A_29 : memref<80x128xf32, #tpu.memory_space<hbm>>) dst(%arg7 : memref<80x128xf32, #tpu.memory_space<vmem>>)
        tpu.yield
      }) : () -> ()
      "tpu.region"() ({
        %run_scoped3A = tpu.sem_alloc : memref<!tpu.dma_semaphore, #tpu.memory_space<semaphore_mem>>
        %dma_start3A = arith.constant 0 : i32
        %dma_start3A_24 = arith.constant 0 : i32
        %dma_start3A_25 = tpu.memref_slice %arg8[%dma_start3A, %dma_start3A_24] : memref<10240x128xf32, #tpu.memory_space<vmem_shared>> -> memref<10240x128xf32, #tpu.memory_space<vmem_shared>>
        tpu.enqueue_indirect_dma source(%arg7 : memref<80x128xf32, #tpu.memory_space<vmem>>) target(%dma_start3A_25 : memref<10240x128xf32, #tpu.memory_space<vmem_shared>>) offsets(%arg6 : memref<80xi32, #tpu.memory_space<vmem>>) semaphore(%run_scoped3A : memref<!tpu.dma_semaphore, #tpu.memory_space<semaphore_mem>>) {add = true}
        %dma_wait3A = arith.constant 0 : i32
        %dma_wait3A_26 = arith.constant 0 : i32
        %dma_wait3A_27 = tpu.memref_slice %arg8[%dma_wait3A, %dma_wait3A_26] : memref<10240x128xf32, #tpu.memory_space<vmem_shared>> -> memref<10240x128xf32, #tpu.memory_space<vmem_shared>>
        tpu.wait_indirect_dma semaphore(%run_scoped3A : memref<!tpu.dma_semaphore, #tpu.memory_space<semaphore_mem>>) src(%arg7 : memref<80x128xf32, #tpu.memory_space<vmem>>) dst(%dma_wait3A_27 : memref<10240x128xf32, #tpu.memory_space<vmem_shared>>)
        tpu.yield
      }) : () -> ()
    }
    %scan3A_11 = arith.constant 125 : i32
    %barrier3A_12 = arith.constant 0 : index
    tpu.barrier barrier_id(%barrier3A_12)
    %mul3A_13 = arith.constant 640 : i32
    %mul3A_14 = arith.muli %arg1, %mul3A_13 : i32
    %mul3A_15 = arith.constant 10240 : i32
    %mul3A_16 = arith.muli %arg0, %mul3A_15 : i32
    %mul3A_17 = arith.constant 640 : i32
    %mul3A_18 = arith.muli %arg1, %mul3A_17 : i32
    %add3A_19 = arith.addi %mul3A_16, %mul3A_18 : i32
    "tpu.region"() ({
      %run_scoped3A = tpu.sem_alloc : memref<!tpu.dma_semaphore, #tpu.memory_space<semaphore_mem>>
      %dma_start3A = arith.constant 0 : i32
      %dma_start3A_20 = tpu.memref_slice %arg5[%add3A_19, %dma_start3A] : memref<20480x128xf32, #tpu.memory_space<hbm>> -> memref<640x128xf32, #tpu.memory_space<hbm>>
      %dma_start3A_21 = arith.constant 0 : i32
      %dma_start3A_22 = tpu.memref_slice %arg8[%mul3A_14, %dma_start3A_21] : memref<10240x128xf32, #tpu.memory_space<vmem_shared>> -> memref<640x128xf32, #tpu.memory_space<vmem_shared>>
      tpu.enqueue_dma source(%dma_start3A_22 : memref<640x128xf32, #tpu.memory_space<vmem_shared>>) target(%dma_start3A_20 : memref<640x128xf32, #tpu.memory_space<hbm>>) target_semaphore(%run_scoped3A : memref<!tpu.dma_semaphore, #tpu.memory_space<semaphore_mem>>)
      %dma_wait3A = arith.constant 0 : i32
      %dma_wait3A_23 = tpu.memref_slice %arg5[%add3A_19, %dma_wait3A] : memref<20480x128xf32, #tpu.memory_space<hbm>> -> memref<640x128xf32, #tpu.memory_space<hbm>>
      %dma_wait3A_24 = arith.constant 0 : i32
      %dma_wait3A_25 = tpu.memref_slice %arg8[%mul3A_14, %dma_wait3A_24] : memref<10240x128xf32, #tpu.memory_space<vmem_shared>> -> memref<640x128xf32, #tpu.memory_space<vmem_shared>>
      tpu.wait_dma2 semaphore(%run_scoped3A : memref<!tpu.dma_semaphore, #tpu.memory_space<semaphore_mem>>) src(%dma_wait3A_25 : memref<640x128xf32, #tpu.memory_space<vmem_shared>>) dst(%dma_wait3A_23 : memref<640x128xf32, #tpu.memory_space<hbm>>)
      tpu.yield
    }) : () -> ()
    return
  }
}

#map = affine_map<(d0, d1) -> (0, 0)>
#map1 = affine_map<(d0, d1) -> (0)>
module attributes {stable_mosaic.version = 14 : i64} {
  func.func @sc_gather(%arg0: i32, %arg1: i32, %arg2: memref<10000x128xf32, #tpu.memory_space<hbm>>, %arg3: memref<10000x128xf32, #tpu.memory_space<hbm>>, %arg4: memref<320000xi32, #tpu.memory_space<hbm>>, %arg5: memref<320000xi32, #tpu.memory_space<hbm>>, %arg6: memref<320000x128xf32, #tpu.memory_space<hbm>>, %arg7: memref<320000x128xf32, #tpu.memory_space<hbm>>, %arg8: memref<80xi32, #tpu.memory_space<vmem>>, %arg9: memref<80xi32, #tpu.memory_space<vmem>>, %arg10: memref<80x128xf32, #tpu.memory_space<vmem>>, %arg11: memref<80x128xf32, #tpu.memory_space<vmem>>, %arg12: memref<!tpu.dma_semaphore, #tpu.memory_space<semaphore_mem>>, %arg13: memref<!tpu.dma_semaphore, #tpu.memory_space<semaphore_mem>>) attributes {dimension_semantics = [#tpu.dimension_semantics<core_parallel>, #tpu.dimension_semantics<subcore_parallel>], iteration_bounds = array<i64: 2, 16>, scalar_prefetch = 0 : i64, scratch_operands = 6 : i64, tpu.core_type = #tpu.core_type<sc_vector_subcore>, window_params = [{transform_indices = #map}, {transform_indices = #map}, {transform_indices = #map1}, {transform_indices = #map1}, {transform_indices = #map}, {transform_indices = #map}]} {
    %mul3A = arith.constant 2 : i32
    %mul3A_0 = arith.muli %arg1, %mul3A : i32
    %add3A = arith.addi %mul3A_0, %arg0 : i32
    %mul3A_1 = arith.constant 10000 : i32
    %mul3A_2 = arith.muli %add3A, %mul3A_1 : i32
    %scan3A = arith.constant 0 : i32
    %scan3A_3 = arith.constant 0 : i32
    %scan3A_4 = arith.constant 125 : i32
    %scan3A_5 = arith.addi %scan3A_3, %scan3A_4 : i32
    %scan3A_6 = arith.constant 1 : i32
    scf.for %scan3A_8 = %scan3A_3 to %scan3A_5 step %scan3A_6  : i32 {
      %mul3A_9 = arith.constant 80 : i32
      %mul3A_10 = arith.muli %scan3A_8, %mul3A_9 : i32
      %add3A_11 = arith.addi %mul3A_2, %mul3A_10 : i32
      "tpu.region"() ({
        %run_scoped3A = tpu.sem_alloc : memref<!tpu.dma_semaphore, #tpu.memory_space<semaphore_mem>>
        %dma_start3A_22 = tpu.memref_slice %arg5[%add3A_11] : memref<320000xi32, #tpu.memory_space<hbm>> -> memref<80xi32, #tpu.memory_space<hbm>>
        %dma_start3A_23 = tpu.memref_slice %arg5[%add3A_11] : memref<320000xi32, #tpu.memory_space<hbm>> -> memref<80xi32, #tpu.memory_space<hbm>>
        tpu.enqueue_dma source(%dma_start3A_23 : memref<80xi32, #tpu.memory_space<hbm>>) target(%arg8 : memref<80xi32, #tpu.memory_space<vmem>>) target_semaphore(%run_scoped3A : memref<!tpu.dma_semaphore, #tpu.memory_space<semaphore_mem>>)
        %dma_wait3A_24 = tpu.memref_slice %arg5[%add3A_11] : memref<320000xi32, #tpu.memory_space<hbm>> -> memref<80xi32, #tpu.memory_space<hbm>>
        %dma_wait3A_25 = tpu.memref_slice %arg5[%add3A_11] : memref<320000xi32, #tpu.memory_space<hbm>> -> memref<80xi32, #tpu.memory_space<hbm>>
        tpu.wait_dma2 semaphore(%run_scoped3A : memref<!tpu.dma_semaphore, #tpu.memory_space<semaphore_mem>>) src(%dma_wait3A_25 : memref<80xi32, #tpu.memory_space<hbm>>) dst(%arg8 : memref<80xi32, #tpu.memory_space<vmem>>)
        tpu.yield
      }) : () -> ()
      "tpu.region"() ({
        %run_scoped3A = tpu.sem_alloc : memref<!tpu.dma_semaphore, #tpu.memory_space<semaphore_mem>>
        %dma_start3A_22 = tpu.memref_slice %arg4[%add3A_11] : memref<320000xi32, #tpu.memory_space<hbm>> -> memref<80xi32, #tpu.memory_space<hbm>>
        %dma_start3A_23 = tpu.memref_slice %arg4[%add3A_11] : memref<320000xi32, #tpu.memory_space<hbm>> -> memref<80xi32, #tpu.memory_space<hbm>>
        tpu.enqueue_dma source(%dma_start3A_23 : memref<80xi32, #tpu.memory_space<hbm>>) target(%arg9 : memref<80xi32, #tpu.memory_space<vmem>>) target_semaphore(%run_scoped3A : memref<!tpu.dma_semaphore, #tpu.memory_space<semaphore_mem>>)
        %dma_wait3A_24 = tpu.memref_slice %arg4[%add3A_11] : memref<320000xi32, #tpu.memory_space<hbm>> -> memref<80xi32, #tpu.memory_space<hbm>>
        %dma_wait3A_25 = tpu.memref_slice %arg4[%add3A_11] : memref<320000xi32, #tpu.memory_space<hbm>> -> memref<80xi32, #tpu.memory_space<hbm>>
        tpu.wait_dma2 semaphore(%run_scoped3A : memref<!tpu.dma_semaphore, #tpu.memory_space<semaphore_mem>>) src(%dma_wait3A_25 : memref<80xi32, #tpu.memory_space<hbm>>) dst(%arg9 : memref<80xi32, #tpu.memory_space<vmem>>)
        tpu.yield
      }) : () -> ()
      %dma_start3A = arith.constant 0 : i32
      %dma_start3A_12 = arith.constant 0 : i32
      %dma_start3A_13 = tpu.memref_slice %arg2[%dma_start3A, %dma_start3A_12] : memref<10000x128xf32, #tpu.memory_space<hbm>> -> memref<10000x128xf32, #tpu.memory_space<hbm>>
      tpu.enqueue_indirect_dma source(%dma_start3A_13 : memref<10000x128xf32, #tpu.memory_space<hbm>>) target(%arg10 : memref<80x128xf32, #tpu.memory_space<vmem>>) offsets(%arg8 : memref<80xi32, #tpu.memory_space<vmem>>) semaphore(%arg12 : memref<!tpu.dma_semaphore, #tpu.memory_space<semaphore_mem>>)
      %dma_start3A_14 = arith.constant 0 : i32
      %dma_start3A_15 = arith.constant 0 : i32
      %dma_start3A_16 = tpu.memref_slice %arg3[%dma_start3A_14, %dma_start3A_15] : memref<10000x128xf32, #tpu.memory_space<hbm>> -> memref<10000x128xf32, #tpu.memory_space<hbm>>
      tpu.enqueue_indirect_dma source(%dma_start3A_16 : memref<10000x128xf32, #tpu.memory_space<hbm>>) target(%arg11 : memref<80x128xf32, #tpu.memory_space<vmem>>) offsets(%arg9 : memref<80xi32, #tpu.memory_space<vmem>>) semaphore(%arg13 : memref<!tpu.dma_semaphore, #tpu.memory_space<semaphore_mem>>)
      %dma_wait3A = arith.constant 0 : i32
      %dma_wait3A_17 = arith.constant 0 : i32
      %dma_wait3A_18 = tpu.memref_slice %arg2[%dma_wait3A, %dma_wait3A_17] : memref<10000x128xf32, #tpu.memory_space<hbm>> -> memref<10000x128xf32, #tpu.memory_space<hbm>>
      tpu.wait_indirect_dma semaphore(%arg12 : memref<!tpu.dma_semaphore, #tpu.memory_space<semaphore_mem>>) src(%dma_wait3A_18 : memref<10000x128xf32, #tpu.memory_space<hbm>>) dst(%arg10 : memref<80x128xf32, #tpu.memory_space<vmem>>)
      %dma_wait3A_19 = arith.constant 0 : i32
      %dma_wait3A_20 = arith.constant 0 : i32
      %dma_wait3A_21 = tpu.memref_slice %arg3[%dma_wait3A_19, %dma_wait3A_20] : memref<10000x128xf32, #tpu.memory_space<hbm>> -> memref<10000x128xf32, #tpu.memory_space<hbm>>
      tpu.wait_indirect_dma semaphore(%arg13 : memref<!tpu.dma_semaphore, #tpu.memory_space<semaphore_mem>>) src(%dma_wait3A_21 : memref<10000x128xf32, #tpu.memory_space<hbm>>) dst(%arg11 : memref<80x128xf32, #tpu.memory_space<vmem>>)
      "tpu.region"() ({
        %run_scoped3A = tpu.sem_alloc : memref<!tpu.dma_semaphore, #tpu.memory_space<semaphore_mem>>
        %dma_start3A_22 = arith.constant 0 : i32
        %dma_start3A_23 = tpu.memref_slice %arg6[%add3A_11, %dma_start3A_22] : memref<320000x128xf32, #tpu.memory_space<hbm>> -> memref<80x128xf32, #tpu.memory_space<hbm>>
        %dma_start3A_24 = arith.constant 0 : i32
        %dma_start3A_25 = tpu.memref_slice %arg6[%add3A_11, %dma_start3A_24] : memref<320000x128xf32, #tpu.memory_space<hbm>> -> memref<80x128xf32, #tpu.memory_space<hbm>>
        tpu.enqueue_dma source(%arg10 : memref<80x128xf32, #tpu.memory_space<vmem>>) target(%dma_start3A_25 : memref<80x128xf32, #tpu.memory_space<hbm>>) target_semaphore(%run_scoped3A : memref<!tpu.dma_semaphore, #tpu.memory_space<semaphore_mem>>)
        %dma_wait3A_26 = arith.constant 0 : i32
        %dma_wait3A_27 = tpu.memref_slice %arg6[%add3A_11, %dma_wait3A_26] : memref<320000x128xf32, #tpu.memory_space<hbm>> -> memref<80x128xf32, #tpu.memory_space<hbm>>
        %dma_wait3A_28 = arith.constant 0 : i32
        %dma_wait3A_29 = tpu.memref_slice %arg6[%add3A_11, %dma_wait3A_28] : memref<320000x128xf32, #tpu.memory_space<hbm>> -> memref<80x128xf32, #tpu.memory_space<hbm>>
        tpu.wait_dma2 semaphore(%run_scoped3A : memref<!tpu.dma_semaphore, #tpu.memory_space<semaphore_mem>>) src(%arg10 : memref<80x128xf32, #tpu.memory_space<vmem>>) dst(%dma_wait3A_29 : memref<80x128xf32, #tpu.memory_space<hbm>>)
        tpu.yield
      }) : () -> ()
      "tpu.region"() ({
        %run_scoped3A = tpu.sem_alloc : memref<!tpu.dma_semaphore, #tpu.memory_space<semaphore_mem>>
        %dma_start3A_22 = arith.constant 0 : i32
        %dma_start3A_23 = tpu.memref_slice %arg7[%add3A_11, %dma_start3A_22] : memref<320000x128xf32, #tpu.memory_space<hbm>> -> memref<80x128xf32, #tpu.memory_space<hbm>>
        %dma_start3A_24 = arith.constant 0 : i32
        %dma_start3A_25 = tpu.memref_slice %arg7[%add3A_11, %dma_start3A_24] : memref<320000x128xf32, #tpu.memory_space<hbm>> -> memref<80x128xf32, #tpu.memory_space<hbm>>
        tpu.enqueue_dma source(%arg11 : memref<80x128xf32, #tpu.memory_space<vmem>>) target(%dma_start3A_25 : memref<80x128xf32, #tpu.memory_space<hbm>>) target_semaphore(%run_scoped3A : memref<!tpu.dma_semaphore, #tpu.memory_space<semaphore_mem>>)
        %dma_wait3A_26 = arith.constant 0 : i32
        %dma_wait3A_27 = tpu.memref_slice %arg7[%add3A_11, %dma_wait3A_26] : memref<320000x128xf32, #tpu.memory_space<hbm>> -> memref<80x128xf32, #tpu.memory_space<hbm>>
        %dma_wait3A_28 = arith.constant 0 : i32
        %dma_wait3A_29 = tpu.memref_slice %arg7[%add3A_11, %dma_wait3A_28] : memref<320000x128xf32, #tpu.memory_space<hbm>> -> memref<80x128xf32, #tpu.memory_space<hbm>>
        tpu.wait_dma2 semaphore(%run_scoped3A : memref<!tpu.dma_semaphore, #tpu.memory_space<semaphore_mem>>) src(%arg11 : memref<80x128xf32, #tpu.memory_space<vmem>>) dst(%dma_wait3A_29 : memref<80x128xf32, #tpu.memory_space<hbm>>)
        tpu.yield
      }) : () -> ()
    }
    %scan3A_7 = arith.constant 125 : i32
    return
  }
}

#map = affine_map<(d0, d1) -> (0, 0)>
#map1 = affine_map<(d0, d1) -> (0)>
module attributes {stable_mosaic.version = 14 : i64} {
  func.func @sc_scatter(%arg0: i32, %arg1: i32, %arg2: memref<320000x128xf32, #tpu.memory_space<hbm>>, %arg3: memref<320000xi32, #tpu.memory_space<hbm>>, %arg4: memref<10240x128xf32, #tpu.memory_space<hbm>>, %arg5: memref<20480x128xf32, #tpu.memory_space<hbm>>, %arg6: memref<80xi32, #tpu.memory_space<vmem>>, %arg7: memref<80x128xf32, #tpu.memory_space<vmem>>, %arg8: memref<10240x128xf32, #tpu.memory_space<vmem_shared>>) attributes {dimension_semantics = [#tpu.dimension_semantics<core_parallel>, #tpu.dimension_semantics<subcore_parallel>], iteration_bounds = array<i64: 2, 16>, scalar_prefetch = 0 : i64, scratch_operands = 3 : i64, tpu.core_type = #tpu.core_type<sc_vector_subcore>, window_params = [{transform_indices = #map}, {transform_indices = #map1}, {transform_indices = #map}, {transform_indices = #map}]} {
    %mul3A = arith.constant 2 : i32
    %mul3A_0 = arith.muli %arg1, %mul3A : i32
    %add3A = arith.addi %mul3A_0, %arg0 : i32
    %mul3A_1 = arith.constant 640 : i32
    %mul3A_2 = arith.muli %arg1, %mul3A_1 : i32
    %mul3A_3 = arith.constant 640 : i32
    %mul3A_4 = arith.muli %arg1, %mul3A_3 : i32
    "tpu.region"() ({
      %run_scoped3A = tpu.sem_alloc : memref<!tpu.dma_semaphore, #tpu.memory_space<semaphore_mem>>
      %dma_start3A = arith.constant 0 : i32
      %dma_start3A_20 = tpu.memref_slice %arg8[%mul3A_4, %dma_start3A] : memref<10240x128xf32, #tpu.memory_space<vmem_shared>> -> memref<640x128xf32, #tpu.memory_space<vmem_shared>>
      %dma_start3A_21 = arith.constant 0 : i32
      %dma_start3A_22 = tpu.memref_slice %arg4[%mul3A_2, %dma_start3A_21] : memref<10240x128xf32, #tpu.memory_space<hbm>> -> memref<640x128xf32, #tpu.memory_space<hbm>>
      tpu.enqueue_dma source(%dma_start3A_22 : memref<640x128xf32, #tpu.memory_space<hbm>>) target(%dma_start3A_20 : memref<640x128xf32, #tpu.memory_space<vmem_shared>>) target_semaphore(%run_scoped3A : memref<!tpu.dma_semaphore, #tpu.memory_space<semaphore_mem>>)
      %dma_wait3A = arith.constant 0 : i32
      %dma_wait3A_23 = tpu.memref_slice %arg8[%mul3A_4, %dma_wait3A] : memref<10240x128xf32, #tpu.memory_space<vmem_shared>> -> memref<640x128xf32, #tpu.memory_space<vmem_shared>>
      %dma_wait3A_24 = arith.constant 0 : i32
      %dma_wait3A_25 = tpu.memref_slice %arg4[%mul3A_2, %dma_wait3A_24] : memref<10240x128xf32, #tpu.memory_space<hbm>> -> memref<640x128xf32, #tpu.memory_space<hbm>>
      tpu.wait_dma2 semaphore(%run_scoped3A : memref<!tpu.dma_semaphore, #tpu.memory_space<semaphore_mem>>) src(%dma_wait3A_25 : memref<640x128xf32, #tpu.memory_space<hbm>>) dst(%dma_wait3A_23 : memref<640x128xf32, #tpu.memory_space<vmem_shared>>)
      tpu.yield
    }) : () -> ()
    %barrier3A = arith.constant 0 : index
    tpu.barrier barrier_id(%barrier3A)
    %mul3A_5 = arith.constant 10000 : i32
    %mul3A_6 = arith.muli %add3A, %mul3A_5 : i32
    %scan3A = arith.constant 0 : i32
    %scan3A_7 = arith.constant 0 : i32
    %scan3A_8 = arith.constant 125 : i32
    %scan3A_9 = arith.addi %scan3A_7, %scan3A_8 : i32
    %scan3A_10 = arith.constant 1 : i32
    scf.for %scan3A_20 = %scan3A_7 to %scan3A_9 step %scan3A_10  : i32 {
      %mul3A_21 = arith.constant 80 : i32
      %mul3A_22 = arith.muli %scan3A_20, %mul3A_21 : i32
      %add3A_23 = arith.addi %mul3A_6, %mul3A_22 : i32
      "tpu.region"() ({
        %run_scoped3A = tpu.sem_alloc : memref<!tpu.dma_semaphore, #tpu.memory_space<semaphore_mem>>
        %dma_start3A = tpu.memref_slice %arg3[%add3A_23] : memref<320000xi32, #tpu.memory_space<hbm>> -> memref<80xi32, #tpu.memory_space<hbm>>
        %dma_start3A_24 = tpu.memref_slice %arg3[%add3A_23] : memref<320000xi32, #tpu.memory_space<hbm>> -> memref<80xi32, #tpu.memory_space<hbm>>
        tpu.enqueue_dma source(%dma_start3A_24 : memref<80xi32, #tpu.memory_space<hbm>>) target(%arg6 : memref<80xi32, #tpu.memory_space<vmem>>) target_semaphore(%run_scoped3A : memref<!tpu.dma_semaphore, #tpu.memory_space<semaphore_mem>>)
        %dma_wait3A = tpu.memref_slice %arg3[%add3A_23] : memref<320000xi32, #tpu.memory_space<hbm>> -> memref<80xi32, #tpu.memory_space<hbm>>
        %dma_wait3A_25 = tpu.memref_slice %arg3[%add3A_23] : memref<320000xi32, #tpu.memory_space<hbm>> -> memref<80xi32, #tpu.memory_space<hbm>>
        tpu.wait_dma2 semaphore(%run_scoped3A : memref<!tpu.dma_semaphore, #tpu.memory_space<semaphore_mem>>) src(%dma_wait3A_25 : memref<80xi32, #tpu.memory_space<hbm>>) dst(%arg6 : memref<80xi32, #tpu.memory_space<vmem>>)
        tpu.yield
      }) : () -> ()
      "tpu.region"() ({
        %run_scoped3A = tpu.sem_alloc : memref<!tpu.dma_semaphore, #tpu.memory_space<semaphore_mem>>
        %dma_start3A = arith.constant 0 : i32
        %dma_start3A_24 = tpu.memref_slice %arg2[%add3A_23, %dma_start3A] : memref<320000x128xf32, #tpu.memory_space<hbm>> -> memref<80x128xf32, #tpu.memory_space<hbm>>
        %dma_start3A_25 = arith.constant 0 : i32
        %dma_start3A_26 = tpu.memref_slice %arg2[%add3A_23, %dma_start3A_25] : memref<320000x128xf32, #tpu.memory_space<hbm>> -> memref<80x128xf32, #tpu.memory_space<hbm>>
        tpu.enqueue_dma source(%dma_start3A_26 : memref<80x128xf32, #tpu.memory_space<hbm>>) target(%arg7 : memref<80x128xf32, #tpu.memory_space<vmem>>) target_semaphore(%run_scoped3A : memref<!tpu.dma_semaphore, #tpu.memory_space<semaphore_mem>>)
        %dma_wait3A = arith.constant 0 : i32
        %dma_wait3A_27 = tpu.memref_slice %arg2[%add3A_23, %dma_wait3A] : memref<320000x128xf32, #tpu.memory_space<hbm>> -> memref<80x128xf32, #tpu.memory_space<hbm>>
        %dma_wait3A_28 = arith.constant 0 : i32
        %dma_wait3A_29 = tpu.memref_slice %arg2[%add3A_23, %dma_wait3A_28] : memref<320000x128xf32, #tpu.memory_space<hbm>> -> memref<80x128xf32, #tpu.memory_space<hbm>>
        tpu.wait_dma2 semaphore(%run_scoped3A : memref<!tpu.dma_semaphore, #tpu.memory_space<semaphore_mem>>) src(%dma_wait3A_29 : memref<80x128xf32, #tpu.memory_space<hbm>>) dst(%arg7 : memref<80x128xf32, #tpu.memory_space<vmem>>)
        tpu.yield
      }) : () -> ()
      "tpu.region"() ({
        %run_scoped3A = tpu.sem_alloc : memref<!tpu.dma_semaphore, #tpu.memory_space<semaphore_mem>>
        %dma_start3A = arith.constant 0 : i32
        %dma_start3A_24 = arith.constant 0 : i32
        %dma_start3A_25 = tpu.memref_slice %arg8[%dma_start3A, %dma_start3A_24] : memref<10240x128xf32, #tpu.memory_space<vmem_shared>> -> memref<10240x128xf32, #tpu.memory_space<vmem_shared>>
        tpu.enqueue_indirect_dma source(%arg7 : memref<80x128xf32, #tpu.memory_space<vmem>>) target(%dma_start3A_25 : memref<10240x128xf32, #tpu.memory_space<vmem_shared>>) offsets(%arg6 : memref<80xi32, #tpu.memory_space<vmem>>) semaphore(%run_scoped3A : memref<!tpu.dma_semaphore, #tpu.memory_space<semaphore_mem>>) {add = true}
        %dma_wait3A = arith.constant 0 : i32
        %dma_wait3A_26 = arith.constant 0 : i32
        %dma_wait3A_27 = tpu.memref_slice %arg8[%dma_wait3A, %dma_wait3A_26] : memref<10240x128xf32, #tpu.memory_space<vmem_shared>> -> memref<10240x128xf32, #tpu.memory_space<vmem_shared>>
        tpu.wait_indirect_dma semaphore(%run_scoped3A : memref<!tpu.dma_semaphore, #tpu.memory_space<semaphore_mem>>) src(%arg7 : memref<80x128xf32, #tpu.memory_space<vmem>>) dst(%dma_wait3A_27 : memref<10240x128xf32, #tpu.memory_space<vmem_shared>>)
        tpu.yield
      }) : () -> ()
    }
    %scan3A_11 = arith.constant 125 : i32
    %barrier3A_12 = arith.constant 0 : index
    tpu.barrier barrier_id(%barrier3A_12)
    %mul3A_13 = arith.constant 640 : i32
    %mul3A_14 = arith.muli %arg1, %mul3A_13 : i32
    %mul3A_15 = arith.constant 10240 : i32
    %mul3A_16 = arith.muli %arg0, %mul3A_15 : i32
    %mul3A_17 = arith.constant 640 : i32
    %mul3A_18 = arith.muli %arg1, %mul3A_17 : i32
    %add3A_19 = arith.addi %mul3A_16, %mul3A_18 : i32
    "tpu.region"() ({
      %run_scoped3A = tpu.sem_alloc : memref<!tpu.dma_semaphore, #tpu.memory_space<semaphore_mem>>
      %dma_start3A = arith.constant 0 : i32
      %dma_start3A_20 = tpu.memref_slice %arg5[%add3A_19, %dma_start3A] : memref<20480x128xf32, #tpu.memory_space<hbm>> -> memref<640x128xf32, #tpu.memory_space<hbm>>
      %dma_start3A_21 = arith.constant 0 : i32
      %dma_start3A_22 = tpu.memref_slice %arg8[%mul3A_14, %dma_start3A_21] : memref<10240x128xf32, #tpu.memory_space<vmem_shared>> -> memref<640x128xf32, #tpu.memory_space<vmem_shared>>
      tpu.enqueue_dma source(%dma_start3A_22 : memref<640x128xf32, #tpu.memory_space<vmem_shared>>) target(%dma_start3A_20 : memref<640x128xf32, #tpu.memory_space<hbm>>) target_semaphore(%run_scoped3A : memref<!tpu.dma_semaphore, #tpu.memory_space<semaphore_mem>>)
      %dma_wait3A = arith.constant 0 : i32
      %dma_wait3A_23 = tpu.memref_slice %arg5[%add3A_19, %dma_wait3A] : memref<20480x128xf32, #tpu.memory_space<hbm>> -> memref<640x128xf32, #tpu.memory_space<hbm>>
      %dma_wait3A_24 = arith.constant 0 : i32
      %dma_wait3A_25 = tpu.memref_slice %arg8[%mul3A_14, %dma_wait3A_24] : memref<10240x128xf32, #tpu.memory_space<vmem_shared>> -> memref<640x128xf32, #tpu.memory_space<vmem_shared>>
      tpu.wait_dma2 semaphore(%run_scoped3A : memref<!tpu.dma_semaphore, #tpu.memory_space<semaphore_mem>>) src(%dma_wait3A_25 : memref<640x128xf32, #tpu.memory_space<vmem_shared>>) dst(%dma_wait3A_23 : memref<640x128xf32, #tpu.memory_space<hbm>>)
      tpu.yield
    }) : () -> ()
    return
  }
}

module attributes {stable_mosaic.version = 14 : i64} {
  func.func @_edge_body(%arg0: i32, %arg1: memref<1600x16xf32, #tpu.memory_space<vmem>>, %arg2: memref<16x128xf32, #tpu.memory_space<vmem>>, %arg3: memref<1x128xf32, #tpu.memory_space<vmem>>, %arg4: memref<128x128xf32, #tpu.memory_space<vmem>>, %arg5: memref<1x128xf32, #tpu.memory_space<vmem>>, %arg6: memref<128x128xf32, #tpu.memory_space<vmem>>, %arg7: memref<1x128xf32, #tpu.memory_space<vmem>>, %arg8: memref<1600x128xf32, #tpu.memory_space<vmem>>) attributes {dimension_semantics = [#tpu.dimension_semantics<arbitrary>], iteration_bounds = array<i64: 200>, scalar_prefetch = 0 : i64, scratch_operands = 0 : i64, tpu.core_type = #tpu.core_type<tc>, window_params = [{transform_indices = @transform_0, window_bounds = array<i64: 1600, 16>}, {pipeline_mode = #tpu.pipeline_mode<synchronous>, transform_indices = @transform_1, window_bounds = array<i64: 16, 128>}, {pipeline_mode = #tpu.pipeline_mode<synchronous>, transform_indices = @transform_2, window_bounds = array<i64: 1, 128>}, {pipeline_mode = #tpu.pipeline_mode<synchronous>, transform_indices = @transform_3, window_bounds = array<i64: 128, 128>}, {pipeline_mode = #tpu.pipeline_mode<synchronous>, transform_indices = @transform_4, window_bounds = array<i64: 1, 128>}, {pipeline_mode = #tpu.pipeline_mode<synchronous>, transform_indices = @transform_5, window_bounds = array<i64: 128, 128>}, {pipeline_mode = #tpu.pipeline_mode<synchronous>, transform_indices = @transform_6, window_bounds = array<i64: 1, 128>}, {transform_indices = @transform_7, window_bounds = array<i64: 1600, 128>}]} {
    %get3A = arith.constant 0 : index
    %get3A_0 = arith.constant 0 : index
    %get3A_1 = vector.load %arg1[%get3A, %get3A_0] : memref<1600x16xf32, #tpu.memory_space<vmem>>, vector<1600x16xf32>
    %get3A_2 = arith.constant 0 : index
    %get3A_3 = arith.constant 0 : index
    %get3A_4 = vector.load %arg2[%get3A_2, %get3A_3] : memref<16x128xf32, #tpu.memory_space<vmem>>, vector<16x128xf32>
    %dot_general3A = arith.constant dense<0.000000e+00> : vector<1600x128xf32>
    %dot_general3A_5 = tpu.matmul %get3A_1, %get3A_4, %dot_general3A {dimension_numbers = #tpu.dot_dimension_numbers<[1], [0], [0], [1], [0, 0, 1, 1], [], []>, transpose_lhs_hint = false} : vector<1600x16xf32>, vector<16x128xf32>, vector<1600x128xf32> -> vector<1600x128xf32>
    %get3A_6 = arith.constant 0 : index
    %get3A_7 = arith.constant 0 : index
    %get3A_8 = vector.load %arg3[%get3A_6, %get3A_7] : memref<1x128xf32, #tpu.memory_space<vmem>>, vector<1x128xf32>
    %add3A = vector.broadcast %get3A_8 : vector<1x128xf32> to vector<1600x128xf32>
    %add3A_9 = arith.addf %dot_general3A_5, %add3A : vector<1600x128xf32>
    %max3A = arith.constant 0.000000e+00 : f32
    %max3A_10 = vector.broadcast %max3A : f32 to vector<1600x128xf32>
    %max3A_11 = arith.maximumf %add3A_9, %max3A_10 : vector<1600x128xf32>
    %get3A_12 = arith.constant 0 : index
    %get3A_13 = arith.constant 0 : index
    %get3A_14 = vector.load %arg4[%get3A_12, %get3A_13] : memref<128x128xf32, #tpu.memory_space<vmem>>, vector<128x128xf32>
    %dot_general3A_15 = arith.constant dense<0.000000e+00> : vector<1600x128xf32>
    %dot_general3A_16 = tpu.matmul %max3A_11, %get3A_14, %dot_general3A_15 {dimension_numbers = #tpu.dot_dimension_numbers<[1], [0], [0], [1], [0, 0, 1, 1], [], []>, transpose_lhs_hint = false} : vector<1600x128xf32>, vector<128x128xf32>, vector<1600x128xf32> -> vector<1600x128xf32>
    %get3A_17 = arith.constant 0 : index
    %get3A_18 = arith.constant 0 : index
    %get3A_19 = vector.load %arg5[%get3A_17, %get3A_18] : memref<1x128xf32, #tpu.memory_space<vmem>>, vector<1x128xf32>
    %add3A_20 = vector.broadcast %get3A_19 : vector<1x128xf32> to vector<1600x128xf32>
    %add3A_21 = arith.addf %dot_general3A_16, %add3A_20 : vector<1600x128xf32>
    %max3A_22 = arith.constant 0.000000e+00 : f32
    %max3A_23 = vector.broadcast %max3A_22 : f32 to vector<1600x128xf32>
    %max3A_24 = arith.maximumf %add3A_21, %max3A_23 : vector<1600x128xf32>
    %get3A_25 = arith.constant 0 : index
    %get3A_26 = arith.constant 0 : index
    %get3A_27 = vector.load %arg6[%get3A_25, %get3A_26] : memref<128x128xf32, #tpu.memory_space<vmem>>, vector<128x128xf32>
    %dot_general3A_28 = arith.constant dense<0.000000e+00> : vector<1600x128xf32>
    %dot_general3A_29 = tpu.matmul %max3A_24, %get3A_27, %dot_general3A_28 {dimension_numbers = #tpu.dot_dimension_numbers<[1], [0], [0], [1], [0, 0, 1, 1], [], []>, transpose_lhs_hint = false} : vector<1600x128xf32>, vector<128x128xf32>, vector<1600x128xf32> -> vector<1600x128xf32>
    %get3A_30 = arith.constant 0 : index
    %get3A_31 = arith.constant 0 : index
    %get3A_32 = vector.load %arg7[%get3A_30, %get3A_31] : memref<1x128xf32, #tpu.memory_space<vmem>>, vector<1x128xf32>
    %add3A_33 = vector.broadcast %get3A_32 : vector<1x128xf32> to vector<1600x128xf32>
    %add3A_34 = arith.addf %dot_general3A_29, %add3A_33 : vector<1600x128xf32>
    %swap3A = arith.constant 0 : index
    %swap3A_35 = arith.constant 0 : index
    %swap3A_36 = vector.load %arg8[%swap3A, %swap3A_35] : memref<1600x128xf32, #tpu.memory_space<vmem>>, vector<1600x128xf32>
    tpu.vector_store %arg8[%swap3A, %swap3A_35], %add3A_34 {strides = array<i32>} : memref<1600x128xf32, #tpu.memory_space<vmem>>, vector<1600x128xf32>,
    return
  }
  func.func @transform_0(%arg0: i32) -> (i32, i32) {
    %c0_i32 = arith.constant 0 : i32
    %c0_i32_0 = arith.constant 0 : i32
    return %arg0, %c0_i32 : i32, i32
  }
  func.func @transform_1(%arg0: i32) -> (i32, i32) {
    %c0_i32 = arith.constant 0 : i32
    %c0_i32_0 = arith.constant 0 : i32
    %c0_i32_1 = arith.constant 0 : i32
    return %c0_i32, %c0_i32_0 : i32, i32
  }
  func.func @transform_2(%arg0: i32) -> (i32, i32) {
    %c0_i32 = arith.constant 0 : i32
    %c0_i32_0 = arith.constant 0 : i32
    %c0_i32_1 = arith.constant 0 : i32
    return %c0_i32, %c0_i32_0 : i32, i32
  }
  func.func @transform_3(%arg0: i32) -> (i32, i32) {
    %c0_i32 = arith.constant 0 : i32
    %c0_i32_0 = arith.constant 0 : i32
    %c0_i32_1 = arith.constant 0 : i32
    return %c0_i32, %c0_i32_0 : i32, i32
  }
  func.func @transform_4(%arg0: i32) -> (i32, i32) {
    %c0_i32 = arith.constant 0 : i32
    %c0_i32_0 = arith.constant 0 : i32
    %c0_i32_1 = arith.constant 0 : i32
    return %c0_i32, %c0_i32_0 : i32, i32
  }
  func.func @transform_5(%arg0: i32) -> (i32, i32) {
    %c0_i32 = arith.constant 0 : i32
    %c0_i32_0 = arith.constant 0 : i32
    %c0_i32_1 = arith.constant 0 : i32
    return %c0_i32, %c0_i32_0 : i32, i32
  }
  func.func @transform_6(%arg0: i32) -> (i32, i32) {
    %c0_i32 = arith.constant 0 : i32
    %c0_i32_0 = arith.constant 0 : i32
    %c0_i32_1 = arith.constant 0 : i32
    return %c0_i32, %c0_i32_0 : i32, i32
  }
  func.func @transform_7(%arg0: i32) -> (i32, i32) {
    %c0_i32 = arith.constant 0 : i32
    %c0_i32_0 = arith.constant 0 : i32
    return %arg0, %c0_i32 : i32, i32
  }
}

module attributes {stable_mosaic.version = 14 : i64} {
  func.func @_enc_body(%arg0: i32, %arg1: memref<1000x128xf32, #tpu.memory_space<vmem>>, %arg2: memref<128x128xf32, #tpu.memory_space<vmem>>, %arg3: memref<1x128xf32, #tpu.memory_space<vmem>>, %arg4: memref<128x128xf32, #tpu.memory_space<vmem>>, %arg5: memref<1x128xf32, #tpu.memory_space<vmem>>, %arg6: memref<128x128xf32, #tpu.memory_space<vmem>>, %arg7: memref<1x128xf32, #tpu.memory_space<vmem>>, %arg8: memref<1000x128xf32, #tpu.memory_space<vmem>>) attributes {dimension_semantics = [#tpu.dimension_semantics<arbitrary>], iteration_bounds = array<i64: 10>, scalar_prefetch = 0 : i64, scratch_operands = 0 : i64, tpu.core_type = #tpu.core_type<tc>, window_params = [{transform_indices = @transform_0, window_bounds = array<i64: 1000, 128>}, {pipeline_mode = #tpu.pipeline_mode<synchronous>, transform_indices = @transform_1, window_bounds = array<i64: 128, 128>}, {pipeline_mode = #tpu.pipeline_mode<synchronous>, transform_indices = @transform_2, window_bounds = array<i64: 1, 128>}, {pipeline_mode = #tpu.pipeline_mode<synchronous>, transform_indices = @transform_3, window_bounds = array<i64: 128, 128>}, {pipeline_mode = #tpu.pipeline_mode<synchronous>, transform_indices = @transform_4, window_bounds = array<i64: 1, 128>}, {pipeline_mode = #tpu.pipeline_mode<synchronous>, transform_indices = @transform_5, window_bounds = array<i64: 128, 128>}, {pipeline_mode = #tpu.pipeline_mode<synchronous>, transform_indices = @transform_6, window_bounds = array<i64: 1, 128>}, {transform_indices = @transform_7, window_bounds = array<i64: 1000, 128>}]} {
    %get3A = arith.constant 0 : index
    %get3A_0 = arith.constant 0 : index
    %get3A_1 = vector.load %arg1[%get3A, %get3A_0] : memref<1000x128xf32, #tpu.memory_space<vmem>>, vector<1000x128xf32>
    %get3A_2 = arith.constant 0 : index
    %get3A_3 = arith.constant 0 : index
    %get3A_4 = vector.load %arg2[%get3A_2, %get3A_3] : memref<128x128xf32, #tpu.memory_space<vmem>>, vector<128x128xf32>
    %dot_general3A = arith.constant dense<0.000000e+00> : vector<1000x128xf32>
    %dot_general3A_5 = tpu.matmul %get3A_1, %get3A_4, %dot_general3A {dimension_numbers = #tpu.dot_dimension_numbers<[1], [0], [0], [1], [0, 0, 1, 1], [], []>, transpose_lhs_hint = false} : vector<1000x128xf32>, vector<128x128xf32>, vector<1000x128xf32> -> vector<1000x128xf32>
    %get3A_6 = arith.constant 0 : index
    %get3A_7 = arith.constant 0 : index
    %get3A_8 = vector.load %arg3[%get3A_6, %get3A_7] : memref<1x128xf32, #tpu.memory_space<vmem>>, vector<1x128xf32>
    %add3A = vector.broadcast %get3A_8 : vector<1x128xf32> to vector<1000x128xf32>
    %add3A_9 = arith.addf %dot_general3A_5, %add3A : vector<1000x128xf32>
    %max3A = arith.constant 0.000000e+00 : f32
    %max3A_10 = vector.broadcast %max3A : f32 to vector<1000x128xf32>
    %max3A_11 = arith.maximumf %add3A_9, %max3A_10 : vector<1000x128xf32>
    %get3A_12 = arith.constant 0 : index
    %get3A_13 = arith.constant 0 : index
    %get3A_14 = vector.load %arg4[%get3A_12, %get3A_13] : memref<128x128xf32, #tpu.memory_space<vmem>>, vector<128x128xf32>
    %dot_general3A_15 = arith.constant dense<0.000000e+00> : vector<1000x128xf32>
    %dot_general3A_16 = tpu.matmul %max3A_11, %get3A_14, %dot_general3A_15 {dimension_numbers = #tpu.dot_dimension_numbers<[1], [0], [0], [1], [0, 0, 1, 1], [], []>, transpose_lhs_hint = false} : vector<1000x128xf32>, vector<128x128xf32>, vector<1000x128xf32> -> vector<1000x128xf32>
    %get3A_17 = arith.constant 0 : index
    %get3A_18 = arith.constant 0 : index
    %get3A_19 = vector.load %arg5[%get3A_17, %get3A_18] : memref<1x128xf32, #tpu.memory_space<vmem>>, vector<1x128xf32>
    %add3A_20 = vector.broadcast %get3A_19 : vector<1x128xf32> to vector<1000x128xf32>
    %add3A_21 = arith.addf %dot_general3A_16, %add3A_20 : vector<1000x128xf32>
    %max3A_22 = arith.constant 0.000000e+00 : f32
    %max3A_23 = vector.broadcast %max3A_22 : f32 to vector<1000x128xf32>
    %max3A_24 = arith.maximumf %add3A_21, %max3A_23 : vector<1000x128xf32>
    %get3A_25 = arith.constant 0 : index
    %get3A_26 = arith.constant 0 : index
    %get3A_27 = vector.load %arg6[%get3A_25, %get3A_26] : memref<128x128xf32, #tpu.memory_space<vmem>>, vector<128x128xf32>
    %dot_general3A_28 = arith.constant dense<0.000000e+00> : vector<1000x128xf32>
    %dot_general3A_29 = tpu.matmul %max3A_24, %get3A_27, %dot_general3A_28 {dimension_numbers = #tpu.dot_dimension_numbers<[1], [0], [0], [1], [0, 0, 1, 1], [], []>, transpose_lhs_hint = false} : vector<1000x128xf32>, vector<128x128xf32>, vector<1000x128xf32> -> vector<1000x128xf32>
    %get3A_30 = arith.constant 0 : index
    %get3A_31 = arith.constant 0 : index
    %get3A_32 = vector.load %arg7[%get3A_30, %get3A_31] : memref<1x128xf32, #tpu.memory_space<vmem>>, vector<1x128xf32>
    %add3A_33 = vector.broadcast %get3A_32 : vector<1x128xf32> to vector<1000x128xf32>
    %add3A_34 = arith.addf %dot_general3A_29, %add3A_33 : vector<1000x128xf32>
    %swap3A = arith.constant 0 : index
    %swap3A_35 = arith.constant 0 : index
    %swap3A_36 = vector.load %arg8[%swap3A, %swap3A_35] : memref<1000x128xf32, #tpu.memory_space<vmem>>, vector<1000x128xf32>
    tpu.vector_store %arg8[%swap3A, %swap3A_35], %add3A_34 {strides = array<i32>} : memref<1000x128xf32, #tpu.memory_space<vmem>>, vector<1000x128xf32>,
    return
  }
  func.func @transform_0(%arg0: i32) -> (i32, i32) {
    %c0_i32 = arith.constant 0 : i32
    %c0_i32_0 = arith.constant 0 : i32
    return %arg0, %c0_i32 : i32, i32
  }
  func.func @transform_1(%arg0: i32) -> (i32, i32) {
    %c0_i32 = arith.constant 0 : i32
    %c0_i32_0 = arith.constant 0 : i32
    %c0_i32_1 = arith.constant 0 : i32
    return %c0_i32, %c0_i32_0 : i32, i32
  }
  func.func @transform_2(%arg0: i32) -> (i32, i32) {
    %c0_i32 = arith.constant 0 : i32
    %c0_i32_0 = arith.constant 0 : i32
    %c0_i32_1 = arith.constant 0 : i32
    return %c0_i32, %c0_i32_0 : i32, i32
  }
  func.func @transform_3(%arg0: i32) -> (i32, i32) {
    %c0_i32 = arith.constant 0 : i32
    %c0_i32_0 = arith.constant 0 : i32
    %c0_i32_1 = arith.constant 0 : i32
    return %c0_i32, %c0_i32_0 : i32, i32
  }
  func.func @transform_4(%arg0: i32) -> (i32, i32) {
    %c0_i32 = arith.constant 0 : i32
    %c0_i32_0 = arith.constant 0 : i32
    %c0_i32_1 = arith.constant 0 : i32
    return %c0_i32, %c0_i32_0 : i32, i32
  }
  func.func @transform_5(%arg0: i32) -> (i32, i32) {
    %c0_i32 = arith.constant 0 : i32
    %c0_i32_0 = arith.constant 0 : i32
    %c0_i32_1 = arith.constant 0 : i32
    return %c0_i32, %c0_i32_0 : i32, i32
  }
  func.func @transform_6(%arg0: i32) -> (i32, i32) {
    %c0_i32 = arith.constant 0 : i32
    %c0_i32_0 = arith.constant 0 : i32
    %c0_i32_1 = arith.constant 0 : i32
    return %c0_i32, %c0_i32_0 : i32, i32
  }
  func.func @transform_7(%arg0: i32) -> (i32, i32) {
    %c0_i32 = arith.constant 0 : i32
    %c0_i32_0 = arith.constant 0 : i32
    return %arg0, %c0_i32 : i32, i32
  }
}

module attributes {stable_mosaic.version = 14 : i64} {
  func.func @_msg_body(%arg0: i32, %arg1: memref<1600x128xf32, #tpu.memory_space<vmem>>, %arg2: memref<1600x128xf32, #tpu.memory_space<vmem>>, %arg3: memref<1600x128xf32, #tpu.memory_space<vmem>>, %arg4: memref<384x128xf32, #tpu.memory_space<vmem>>, %arg5: memref<1x128xf32, #tpu.memory_space<vmem>>, %arg6: memref<128x128xf32, #tpu.memory_space<vmem>>, %arg7: memref<1x128xf32, #tpu.memory_space<vmem>>, %arg8: memref<128x128xf32, #tpu.memory_space<vmem>>, %arg9: memref<1x128xf32, #tpu.memory_space<vmem>>, %arg10: memref<1600x128xf32, #tpu.memory_space<vmem>>) attributes {dimension_semantics = [#tpu.dimension_semantics<arbitrary>], iteration_bounds = array<i64: 200>, scalar_prefetch = 0 : i64, scratch_operands = 0 : i64, tpu.core_type = #tpu.core_type<tc>, window_params = [{transform_indices = @transform_0, window_bounds = array<i64: 1600, 128>}, {transform_indices = @transform_1, window_bounds = array<i64: 1600, 128>}, {transform_indices = @transform_2, window_bounds = array<i64: 1600, 128>}, {pipeline_mode = #tpu.pipeline_mode<synchronous>, transform_indices = @transform_3, window_bounds = array<i64: 384, 128>}, {pipeline_mode = #tpu.pipeline_mode<synchronous>, transform_indices = @transform_4, window_bounds = array<i64: 1, 128>}, {pipeline_mode = #tpu.pipeline_mode<synchronous>, transform_indices = @transform_5, window_bounds = array<i64: 128, 128>}, {pipeline_mode = #tpu.pipeline_mode<synchronous>, transform_indices = @transform_6, window_bounds = array<i64: 1, 128>}, {pipeline_mode = #tpu.pipeline_mode<synchronous>, transform_indices = @transform_7, window_bounds = array<i64: 128, 128>}, {pipeline_mode = #tpu.pipeline_mode<synchronous>, transform_indices = @transform_8, window_bounds = array<i64: 1, 128>}, {transform_indices = @transform_9, window_bounds = array<i64: 1600, 128>}]} {
    %get3A = arith.constant 0 : index
    %get3A_0 = arith.constant 0 : index
    %get3A_1 = vector.load %arg1[%get3A, %get3A_0] : memref<1600x128xf32, #tpu.memory_space<vmem>>, vector<1600x128xf32>
    %get3A_2 = arith.constant 0 : index
    %get3A_3 = arith.constant 0 : index
    %get3A_4 = vector.load %arg2[%get3A_2, %get3A_3] : memref<1600x128xf32, #tpu.memory_space<vmem>>, vector<1600x128xf32>
    %sub3A = arith.subf %get3A_4, %get3A_1 : vector<1600x128xf32>
    %get3A_5 = arith.constant 0 : index
    %get3A_6 = arith.constant 0 : index
    %get3A_7 = vector.load %arg4[%get3A_5, %get3A_6] : memref<384x128xf32, #tpu.memory_space<vmem>>, vector<384x128xf32>
    %slice3A = vector.extract_strided_slice %get3A_7 {offsets = [0, 0], sizes = [128, 128], strides = [1, 1]} : vector<384x128xf32> to vector<128x128xf32>
    %dot_general3A = arith.constant dense<0.000000e+00> : vector<1600x128xf32>
    %dot_general3A_8 = tpu.matmul %get3A_1, %slice3A, %dot_general3A {dimension_numbers = #tpu.dot_dimension_numbers<[1], [0], [0], [1], [0, 0, 1, 1], [], []>, transpose_lhs_hint = false} : vector<1600x128xf32>, vector<128x128xf32>, vector<1600x128xf32> -> vector<1600x128xf32>
    %slice3A_9 = vector.extract_strided_slice %get3A_7 {offsets = [128, 0], sizes = [128, 128], strides = [1, 1]} : vector<384x128xf32> to vector<128x128xf32>
    %dot_general3A_10 = arith.constant dense<0.000000e+00> : vector<1600x128xf32>
    %dot_general3A_11 = tpu.matmul %sub3A, %slice3A_9, %dot_general3A_10 {dimension_numbers = #tpu.dot_dimension_numbers<[1], [0], [0], [1], [0, 0, 1, 1], [], []>, transpose_lhs_hint = false} : vector<1600x128xf32>, vector<128x128xf32>, vector<1600x128xf32> -> vector<1600x128xf32>
    %add3A = arith.addf %dot_general3A_8, %dot_general3A_11 : vector<1600x128xf32>
    %get3A_12 = arith.constant 0 : index
    %get3A_13 = arith.constant 0 : index
    %get3A_14 = vector.load %arg3[%get3A_12, %get3A_13] : memref<1600x128xf32, #tpu.memory_space<vmem>>, vector<1600x128xf32>
    %slice3A_15 = vector.extract_strided_slice %get3A_7 {offsets = [256, 0], sizes = [128, 128], strides = [1, 1]} : vector<384x128xf32> to vector<128x128xf32>
    %dot_general3A_16 = arith.constant dense<0.000000e+00> : vector<1600x128xf32>
    %dot_general3A_17 = tpu.matmul %get3A_14, %slice3A_15, %dot_general3A_16 {dimension_numbers = #tpu.dot_dimension_numbers<[1], [0], [0], [1], [0, 0, 1, 1], [], []>, transpose_lhs_hint = false} : vector<1600x128xf32>, vector<128x128xf32>, vector<1600x128xf32> -> vector<1600x128xf32>
    %add3A_18 = arith.addf %add3A, %dot_general3A_17 : vector<1600x128xf32>
    %get3A_19 = arith.constant 0 : index
    %get3A_20 = arith.constant 0 : index
    %get3A_21 = vector.load %arg5[%get3A_19, %get3A_20] : memref<1x128xf32, #tpu.memory_space<vmem>>, vector<1x128xf32>
    %add3A_22 = vector.broadcast %get3A_21 : vector<1x128xf32> to vector<1600x128xf32>
    %add3A_23 = arith.addf %add3A_18, %add3A_22 : vector<1600x128xf32>
    %max3A = arith.constant 0.000000e+00 : f32
    %max3A_24 = vector.broadcast %max3A : f32 to vector<1600x128xf32>
    %max3A_25 = arith.maximumf %add3A_23, %max3A_24 : vector<1600x128xf32>
    %get3A_26 = arith.constant 0 : index
    %get3A_27 = arith.constant 0 : index
    %get3A_28 = vector.load %arg6[%get3A_26, %get3A_27] : memref<128x128xf32, #tpu.memory_space<vmem>>, vector<128x128xf32>
    %dot_general3A_29 = arith.constant dense<0.000000e+00> : vector<1600x128xf32>
    %dot_general3A_30 = tpu.matmul %max3A_25, %get3A_28, %dot_general3A_29 {dimension_numbers = #tpu.dot_dimension_numbers<[1], [0], [0], [1], [0, 0, 1, 1], [], []>, transpose_lhs_hint = false} : vector<1600x128xf32>, vector<128x128xf32>, vector<1600x128xf32> -> vector<1600x128xf32>
    %get3A_31 = arith.constant 0 : index
    %get3A_32 = arith.constant 0 : index
    %get3A_33 = vector.load %arg7[%get3A_31, %get3A_32] : memref<1x128xf32, #tpu.memory_space<vmem>>, vector<1x128xf32>
    %add3A_34 = vector.broadcast %get3A_33 : vector<1x128xf32> to vector<1600x128xf32>
    %add3A_35 = arith.addf %dot_general3A_30, %add3A_34 : vector<1600x128xf32>
    %max3A_36 = arith.constant 0.000000e+00 : f32
    %max3A_37 = vector.broadcast %max3A_36 : f32 to vector<1600x128xf32>
    %max3A_38 = arith.maximumf %add3A_35, %max3A_37 : vector<1600x128xf32>
    %get3A_39 = arith.constant 0 : index
    %get3A_40 = arith.constant 0 : index
    %get3A_41 = vector.load %arg8[%get3A_39, %get3A_40] : memref<128x128xf32, #tpu.memory_space<vmem>>, vector<128x128xf32>
    %dot_general3A_42 = arith.constant dense<0.000000e+00> : vector<1600x128xf32>
    %dot_general3A_43 = tpu.matmul %max3A_38, %get3A_41, %dot_general3A_42 {dimension_numbers = #tpu.dot_dimension_numbers<[1], [0], [0], [1], [0, 0, 1, 1], [], []>, transpose_lhs_hint = false} : vector<1600x128xf32>, vector<128x128xf32>, vector<1600x128xf32> -> vector<1600x128xf32>
    %get3A_44 = arith.constant 0 : index
    %get3A_45 = arith.constant 0 : index
    %get3A_46 = vector.load %arg9[%get3A_44, %get3A_45] : memref<1x128xf32, #tpu.memory_space<vmem>>, vector<1x128xf32>
    %add3A_47 = vector.broadcast %get3A_46 : vector<1x128xf32> to vector<1600x128xf32>
    %add3A_48 = arith.addf %dot_general3A_43, %add3A_47 : vector<1600x128xf32>
    %swap3A = arith.constant 0 : index
    %swap3A_49 = arith.constant 0 : index
    %swap3A_50 = vector.load %arg10[%swap3A, %swap3A_49] : memref<1600x128xf32, #tpu.memory_space<vmem>>, vector<1600x128xf32>
    tpu.vector_store %arg10[%swap3A, %swap3A_49], %add3A_48 {strides = array<i32>} : memref<1600x128xf32, #tpu.memory_space<vmem>>, vector<1600x128xf32>,
    return
  }
  func.func @transform_0(%arg0: i32) -> (i32, i32) {
    %c0_i32 = arith.constant 0 : i32
    %c0_i32_0 = arith.constant 0 : i32
    return %arg0, %c0_i32 : i32, i32
  }
  func.func @transform_1(%arg0: i32) -> (i32, i32) {
    %c0_i32 = arith.constant 0 : i32
    %c0_i32_0 = arith.constant 0 : i32
    return %arg0, %c0_i32 : i32, i32
  }
  func.func @transform_2(%arg0: i32) -> (i32, i32) {
    %c0_i32 = arith.constant 0 : i32
    %c0_i32_0 = arith.constant 0 : i32
    return %arg0, %c0_i32 : i32, i32
  }
  func.func @transform_3(%arg0: i32) -> (i32, i32) {
    %c0_i32 = arith.constant 0 : i32
    %c0_i32_0 = arith.constant 0 : i32
    %c0_i32_1 = arith.constant 0 : i32
    return %c0_i32, %c0_i32_0 : i32, i32
  }
  func.func @transform_4(%arg0: i32) -> (i32, i32) {
    %c0_i32 = arith.constant 0 : i32
    %c0_i32_0 = arith.constant 0 : i32
    %c0_i32_1 = arith.constant 0 : i32
    return %c0_i32, %c0_i32_0 : i32, i32
  }
  func.func @transform_5(%arg0: i32) -> (i32, i32) {
    %c0_i32 = arith.constant 0 : i32
    %c0_i32_0 = arith.constant 0 : i32
    %c0_i32_1 = arith.constant 0 : i32
    return %c0_i32, %c0_i32_0 : i32, i32
  }
  func.func @transform_6(%arg0: i32) -> (i32, i32) {
    %c0_i32 = arith.constant 0 : i32
    %c0_i32_0 = arith.constant 0 : i32
    %c0_i32_1 = arith.constant 0 : i32
    return %c0_i32, %c0_i32_0 : i32, i32
  }
  func.func @transform_7(%arg0: i32) -> (i32, i32) {
    %c0_i32 = arith.constant 0 : i32
    %c0_i32_0 = arith.constant 0 : i32
    %c0_i32_1 = arith.constant 0 : i32
    return %c0_i32, %c0_i32_0 : i32, i32
  }
  func.func @transform_8(%arg0: i32) -> (i32, i32) {
    %c0_i32 = arith.constant 0 : i32
    %c0_i32_0 = arith.constant 0 : i32
    %c0_i32_1 = arith.constant 0 : i32
    return %c0_i32, %c0_i32_0 : i32, i32
  }
  func.func @transform_9(%arg0: i32) -> (i32, i32) {
    %c0_i32 = arith.constant 0 : i32
    %c0_i32_0 = arith.constant 0 : i32
    return %arg0, %c0_i32 : i32, i32
  }
}

module attributes {stable_mosaic.version = 14 : i64} {
  func.func @_node_body(%arg0: i32, %arg1: memref<1x1000x128xf32, #tpu.memory_space<vmem>>, %arg2: memref<1x1000x128xf32, #tpu.memory_space<vmem>>, %arg3: memref<1000x128xf32, #tpu.memory_space<vmem>>, %arg4: memref<256x128xf32, #tpu.memory_space<vmem>>, %arg5: memref<1x128xf32, #tpu.memory_space<vmem>>, %arg6: memref<128x128xf32, #tpu.memory_space<vmem>>, %arg7: memref<1x128xf32, #tpu.memory_space<vmem>>, %arg8: memref<128x128xf32, #tpu.memory_space<vmem>>, %arg9: memref<1x128xf32, #tpu.memory_space<vmem>>, %arg10: memref<1000x128xf32, #tpu.memory_space<vmem>>) attributes {dimension_semantics = [#tpu.dimension_semantics<arbitrary>], iteration_bounds = array<i64: 10>, scalar_prefetch = 0 : i64, scratch_operands = 0 : i64, tpu.core_type = #tpu.core_type<tc>, window_params = [{transform_indices = @transform_0, window_bounds = array<i64: 1, 1000, 128>}, {transform_indices = @transform_1, window_bounds = array<i64: 1, 1000, 128>}, {transform_indices = @transform_2, window_bounds = array<i64: 1000, 128>}, {pipeline_mode = #tpu.pipeline_mode<synchronous>, transform_indices = @transform_3, window_bounds = array<i64: 256, 128>}, {pipeline_mode = #tpu.pipeline_mode<synchronous>, transform_indices = @transform_4, window_bounds = array<i64: 1, 128>}, {pipeline_mode = #tpu.pipeline_mode<synchronous>, transform_indices = @transform_5, window_bounds = array<i64: 128, 128>}, {pipeline_mode = #tpu.pipeline_mode<synchronous>, transform_indices = @transform_6, window_bounds = array<i64: 1, 128>}, {pipeline_mode = #tpu.pipeline_mode<synchronous>, transform_indices = @transform_7, window_bounds = array<i64: 128, 128>}, {pipeline_mode = #tpu.pipeline_mode<synchronous>, transform_indices = @transform_8, window_bounds = array<i64: 1, 128>}, {transform_indices = @transform_9, window_bounds = array<i64: 1000, 128>}]} {
    %get3A = arith.constant 0 : index
    %get3A_0 = arith.constant 0 : index
    %get3A_1 = arith.constant 0 : index
    %get3A_2 = vector.load %arg1[%get3A, %get3A_0, %get3A_1] : memref<1x1000x128xf32, #tpu.memory_space<vmem>>, vector<1x1000x128xf32>
    %get3A_3 = vector.shape_cast %get3A_2 : vector<1x1000x128xf32> to vector<1000x128xf32>
    %get3A_4 = arith.constant 0 : index
    %get3A_5 = arith.constant 0 : index
    %get3A_6 = arith.constant 0 : index
    %get3A_7 = vector.load %arg2[%get3A_4, %get3A_5, %get3A_6] : memref<1x1000x128xf32, #tpu.memory_space<vmem>>, vector<1x1000x128xf32>
    %get3A_8 = vector.shape_cast %get3A_7 : vector<1x1000x128xf32> to vector<1000x128xf32>
    %add3A = arith.addf %get3A_3, %get3A_8 : vector<1000x128xf32>
    %get3A_9 = arith.constant 0 : index
    %get3A_10 = arith.constant 0 : index
    %get3A_11 = vector.load %arg3[%get3A_9, %get3A_10] : memref<1000x128xf32, #tpu.memory_space<vmem>>, vector<1000x128xf32>
    %get3A_12 = arith.constant 0 : index
    %get3A_13 = arith.constant 0 : index
    %get3A_14 = vector.load %arg4[%get3A_12, %get3A_13] : memref<256x128xf32, #tpu.memory_space<vmem>>, vector<256x128xf32>
    %slice3A = vector.extract_strided_slice %get3A_14 {offsets = [0, 0], sizes = [128, 128], strides = [1, 1]} : vector<256x128xf32> to vector<128x128xf32>
    %dot_general3A = arith.constant dense<0.000000e+00> : vector<1000x128xf32>
    %dot_general3A_15 = tpu.matmul %add3A, %slice3A, %dot_general3A {dimension_numbers = #tpu.dot_dimension_numbers<[1], [0], [0], [1], [0, 0, 1, 1], [], []>, transpose_lhs_hint = false} : vector<1000x128xf32>, vector<128x128xf32>, vector<1000x128xf32> -> vector<1000x128xf32>
    %slice3A_16 = vector.extract_strided_slice %get3A_14 {offsets = [128, 0], sizes = [128, 128], strides = [1, 1]} : vector<256x128xf32> to vector<128x128xf32>
    %dot_general3A_17 = arith.constant dense<0.000000e+00> : vector<1000x128xf32>
    %dot_general3A_18 = tpu.matmul %get3A_11, %slice3A_16, %dot_general3A_17 {dimension_numbers = #tpu.dot_dimension_numbers<[1], [0], [0], [1], [0, 0, 1, 1], [], []>, transpose_lhs_hint = false} : vector<1000x128xf32>, vector<128x128xf32>, vector<1000x128xf32> -> vector<1000x128xf32>
    %add3A_19 = arith.addf %dot_general3A_15, %dot_general3A_18 : vector<1000x128xf32>
    %get3A_20 = arith.constant 0 : index
    %get3A_21 = arith.constant 0 : index
    %get3A_22 = vector.load %arg5[%get3A_20, %get3A_21] : memref<1x128xf32, #tpu.memory_space<vmem>>, vector<1x128xf32>
    %add3A_23 = vector.broadcast %get3A_22 : vector<1x128xf32> to vector<1000x128xf32>
    %add3A_24 = arith.addf %add3A_19, %add3A_23 : vector<1000x128xf32>
    %max3A = arith.constant 0.000000e+00 : f32
    %max3A_25 = vector.broadcast %max3A : f32 to vector<1000x128xf32>
    %max3A_26 = arith.maximumf %add3A_24, %max3A_25 : vector<1000x128xf32>
    %get3A_27 = arith.constant 0 : index
    %get3A_28 = arith.constant 0 : index
    %get3A_29 = vector.load %arg6[%get3A_27, %get3A_28] : memref<128x128xf32, #tpu.memory_space<vmem>>, vector<128x128xf32>
    %dot_general3A_30 = arith.constant dense<0.000000e+00> : vector<1000x128xf32>
    %dot_general3A_31 = tpu.matmul %max3A_26, %get3A_29, %dot_general3A_30 {dimension_numbers = #tpu.dot_dimension_numbers<[1], [0], [0], [1], [0, 0, 1, 1], [], []>, transpose_lhs_hint = false} : vector<1000x128xf32>, vector<128x128xf32>, vector<1000x128xf32> -> vector<1000x128xf32>
    %get3A_32 = arith.constant 0 : index
    %get3A_33 = arith.constant 0 : index
    %get3A_34 = vector.load %arg7[%get3A_32, %get3A_33] : memref<1x128xf32, #tpu.memory_space<vmem>>, vector<1x128xf32>
    %add3A_35 = vector.broadcast %get3A_34 : vector<1x128xf32> to vector<1000x128xf32>
    %add3A_36 = arith.addf %dot_general3A_31, %add3A_35 : vector<1000x128xf32>
    %max3A_37 = arith.constant 0.000000e+00 : f32
    %max3A_38 = vector.broadcast %max3A_37 : f32 to vector<1000x128xf32>
    %max3A_39 = arith.maximumf %add3A_36, %max3A_38 : vector<1000x128xf32>
    %get3A_40 = arith.constant 0 : index
    %get3A_41 = arith.constant 0 : index
    %get3A_42 = vector.load %arg8[%get3A_40, %get3A_41] : memref<128x128xf32, #tpu.memory_space<vmem>>, vector<128x128xf32>
    %dot_general3A_43 = arith.constant dense<0.000000e+00> : vector<1000x128xf32>
    %dot_general3A_44 = tpu.matmul %max3A_39, %get3A_42, %dot_general3A_43 {dimension_numbers = #tpu.dot_dimension_numbers<[1], [0], [0], [1], [0, 0, 1, 1], [], []>, transpose_lhs_hint = false} : vector<1000x128xf32>, vector<128x128xf32>, vector<1000x128xf32> -> vector<1000x128xf32>
    %get3A_45 = arith.constant 0 : index
    %get3A_46 = arith.constant 0 : index
    %get3A_47 = vector.load %arg9[%get3A_45, %get3A_46] : memref<1x128xf32, #tpu.memory_space<vmem>>, vector<1x128xf32>
    %add3A_48 = vector.broadcast %get3A_47 : vector<1x128xf32> to vector<1000x128xf32>
    %add3A_49 = arith.addf %dot_general3A_44, %add3A_48 : vector<1000x128xf32>
    %add3A_50 = arith.addf %add3A_49, %get3A_11 : vector<1000x128xf32>
    %swap3A = arith.constant 0 : index
    %swap3A_51 = arith.constant 0 : index
    %swap3A_52 = vector.load %arg10[%swap3A, %swap3A_51] : memref<1000x128xf32, #tpu.memory_space<vmem>>, vector<1000x128xf32>
    tpu.vector_store %arg10[%swap3A, %swap3A_51], %add3A_50 {strides = array<i32>} : memref<1000x128xf32, #tpu.memory_space<vmem>>, vector<1000x128xf32>,
    return
  }
  func.func @transform_0(%arg0: i32) -> (i32, i32, i32) {
    %c0_i32 = arith.constant 0 : i32
    %c0_i32_0 = arith.constant 0 : i32
    %c0_i32_1 = arith.constant 0 : i32
    return %c0_i32, %arg0, %c0_i32_0 : i32, i32, i32
  }
  func.func @transform_1(%arg0: i32) -> (i32, i32, i32) {
    %c1_i32 = arith.constant 1 : i32
    %c0_i32 = arith.constant 0 : i32
    %c0_i32_0 = arith.constant 0 : i32
    return %c1_i32, %arg0, %c0_i32 : i32, i32, i32
  }
  func.func @transform_2(%arg0: i32) -> (i32, i32) {
    %c0_i32 = arith.constant 0 : i32
    %c0_i32_0 = arith.constant 0 : i32
    return %arg0, %c0_i32 : i32, i32
  }
  func.func @transform_3(%arg0: i32) -> (i32, i32) {
    %c0_i32 = arith.constant 0 : i32
    %c0_i32_0 = arith.constant 0 : i32
    %c0_i32_1 = arith.constant 0 : i32
    return %c0_i32, %c0_i32_0 : i32, i32
  }
  func.func @transform_4(%arg0: i32) -> (i32, i32) {
    %c0_i32 = arith.constant 0 : i32
    %c0_i32_0 = arith.constant 0 : i32
    %c0_i32_1 = arith.constant 0 : i32
    return %c0_i32, %c0_i32_0 : i32, i32
  }
  func.func @transform_5(%arg0: i32) -> (i32, i32) {
    %c0_i32 = arith.constant 0 : i32
    %c0_i32_0 = arith.constant 0 : i32
    %c0_i32_1 = arith.constant 0 : i32
    return %c0_i32, %c0_i32_0 : i32, i32
  }
  func.func @transform_6(%arg0: i32) -> (i32, i32) {
    %c0_i32 = arith.constant 0 : i32
    %c0_i32_0 = arith.constant 0 : i32
    %c0_i32_1 = arith.constant 0 : i32
    return %c0_i32, %c0_i32_0 : i32, i32
  }
  func.func @transform_7(%arg0: i32) -> (i32, i32) {
    %c0_i32 = arith.constant 0 : i32
    %c0_i32_0 = arith.constant 0 : i32
    %c0_i32_1 = arith.constant 0 : i32
    return %c0_i32, %c0_i32_0 : i32, i32
  }
  func.func @transform_8(%arg0: i32) -> (i32, i32) {
    %c0_i32 = arith.constant 0 : i32
    %c0_i32_0 = arith.constant 0 : i32
    %c0_i32_1 = arith.constant 0 : i32
    return %c0_i32, %c0_i32_0 : i32, i32
  }
  func.func @transform_9(%arg0: i32) -> (i32, i32) {
    %c0_i32 = arith.constant 0 : i32
    %c0_i32_0 = arith.constant 0 : i32
    return %arg0, %c0_i32 : i32, i32
  }
}

module attributes {stable_mosaic.version = 14 : i64} {
  func.func @_dec_body(%arg0: i32, %arg1: memref<1000x128xf32, #tpu.memory_space<vmem>>, %arg2: memref<128x128xf32, #tpu.memory_space<vmem>>, %arg3: memref<1x128xf32, #tpu.memory_space<vmem>>, %arg4: memref<128x128xf32, #tpu.memory_space<vmem>>, %arg5: memref<1x128xf32, #tpu.memory_space<vmem>>, %arg6: memref<128x128xf32, #tpu.memory_space<vmem>>, %arg7: memref<1x128xf32, #tpu.memory_space<vmem>>, %arg8: memref<1000x128xf32, #tpu.memory_space<vmem>>) attributes {dimension_semantics = [#tpu.dimension_semantics<arbitrary>], iteration_bounds = array<i64: 10>, scalar_prefetch = 0 : i64, scratch_operands = 0 : i64, tpu.core_type = #tpu.core_type<tc>, window_params = [{transform_indices = @transform_0, window_bounds = array<i64: 1000, 128>}, {pipeline_mode = #tpu.pipeline_mode<synchronous>, transform_indices = @transform_1, window_bounds = array<i64: 128, 128>}, {pipeline_mode = #tpu.pipeline_mode<synchronous>, transform_indices = @transform_2, window_bounds = array<i64: 1, 128>}, {pipeline_mode = #tpu.pipeline_mode<synchronous>, transform_indices = @transform_3, window_bounds = array<i64: 128, 128>}, {pipeline_mode = #tpu.pipeline_mode<synchronous>, transform_indices = @transform_4, window_bounds = array<i64: 1, 128>}, {pipeline_mode = #tpu.pipeline_mode<synchronous>, transform_indices = @transform_5, window_bounds = array<i64: 128, 128>}, {pipeline_mode = #tpu.pipeline_mode<synchronous>, transform_indices = @transform_6, window_bounds = array<i64: 1, 128>}, {transform_indices = @transform_7, window_bounds = array<i64: 1000, 128>}]} {
    %get3A = arith.constant 0 : index
    %get3A_0 = arith.constant 0 : index
    %get3A_1 = vector.load %arg1[%get3A, %get3A_0] : memref<1000x128xf32, #tpu.memory_space<vmem>>, vector<1000x128xf32>
    %get3A_2 = arith.constant 0 : index
    %get3A_3 = arith.constant 0 : index
    %get3A_4 = vector.load %arg2[%get3A_2, %get3A_3] : memref<128x128xf32, #tpu.memory_space<vmem>>, vector<128x128xf32>
    %dot_general3A = arith.constant dense<0.000000e+00> : vector<1000x128xf32>
    %dot_general3A_5 = tpu.matmul %get3A_1, %get3A_4, %dot_general3A {dimension_numbers = #tpu.dot_dimension_numbers<[1], [0], [0], [1], [0, 0, 1, 1], [], []>, transpose_lhs_hint = false} : vector<1000x128xf32>, vector<128x128xf32>, vector<1000x128xf32> -> vector<1000x128xf32>
    %get3A_6 = arith.constant 0 : index
    %get3A_7 = arith.constant 0 : index
    %get3A_8 = vector.load %arg3[%get3A_6, %get3A_7] : memref<1x128xf32, #tpu.memory_space<vmem>>, vector<1x128xf32>
    %add3A = vector.broadcast %get3A_8 : vector<1x128xf32> to vector<1000x128xf32>
    %add3A_9 = arith.addf %dot_general3A_5, %add3A : vector<1000x128xf32>
    %max3A = arith.constant 0.000000e+00 : f32
    %max3A_10 = vector.broadcast %max3A : f32 to vector<1000x128xf32>
    %max3A_11 = arith.maximumf %add3A_9, %max3A_10 : vector<1000x128xf32>
    %get3A_12 = arith.constant 0 : index
    %get3A_13 = arith.constant 0 : index
    %get3A_14 = vector.load %arg4[%get3A_12, %get3A_13] : memref<128x128xf32, #tpu.memory_space<vmem>>, vector<128x128xf32>
    %dot_general3A_15 = arith.constant dense<0.000000e+00> : vector<1000x128xf32>
    %dot_general3A_16 = tpu.matmul %max3A_11, %get3A_14, %dot_general3A_15 {dimension_numbers = #tpu.dot_dimension_numbers<[1], [0], [0], [1], [0, 0, 1, 1], [], []>, transpose_lhs_hint = false} : vector<1000x128xf32>, vector<128x128xf32>, vector<1000x128xf32> -> vector<1000x128xf32>
    %get3A_17 = arith.constant 0 : index
    %get3A_18 = arith.constant 0 : index
    %get3A_19 = vector.load %arg5[%get3A_17, %get3A_18] : memref<1x128xf32, #tpu.memory_space<vmem>>, vector<1x128xf32>
    %add3A_20 = vector.broadcast %get3A_19 : vector<1x128xf32> to vector<1000x128xf32>
    %add3A_21 = arith.addf %dot_general3A_16, %add3A_20 : vector<1000x128xf32>
    %max3A_22 = arith.constant 0.000000e+00 : f32
    %max3A_23 = vector.broadcast %max3A_22 : f32 to vector<1000x128xf32>
    %max3A_24 = arith.maximumf %add3A_21, %max3A_23 : vector<1000x128xf32>
    %get3A_25 = arith.constant 0 : index
    %get3A_26 = arith.constant 0 : index
    %get3A_27 = vector.load %arg6[%get3A_25, %get3A_26] : memref<128x128xf32, #tpu.memory_space<vmem>>, vector<128x128xf32>
    %dot_general3A_28 = arith.constant dense<0.000000e+00> : vector<1000x128xf32>
    %dot_general3A_29 = tpu.matmul %max3A_24, %get3A_27, %dot_general3A_28 {dimension_numbers = #tpu.dot_dimension_numbers<[1], [0], [0], [1], [0, 0, 1, 1], [], []>, transpose_lhs_hint = false} : vector<1000x128xf32>, vector<128x128xf32>, vector<1000x128xf32> -> vector<1000x128xf32>
    %get3A_30 = arith.constant 0 : index
    %get3A_31 = arith.constant 0 : index
    %get3A_32 = vector.load %arg7[%get3A_30, %get3A_31] : memref<1x128xf32, #tpu.memory_space<vmem>>, vector<1x128xf32>
    %add3A_33 = vector.broadcast %get3A_32 : vector<1x128xf32> to vector<1000x128xf32>
    %add3A_34 = arith.addf %dot_general3A_29, %add3A_33 : vector<1000x128xf32>
    %swap3A = arith.constant 0 : index
    %swap3A_35 = arith.constant 0 : index
    %swap3A_36 = vector.load %arg8[%swap3A, %swap3A_35] : memref<1000x128xf32, #tpu.memory_space<vmem>>, vector<1000x128xf32>
    tpu.vector_store %arg8[%swap3A, %swap3A_35], %add3A_34 {strides = array<i32>} : memref<1000x128xf32, #tpu.memory_space<vmem>>, vector<1000x128xf32>,
    return
  }
  func.func @transform_0(%arg0: i32) -> (i32, i32) {
    %c0_i32 = arith.constant 0 : i32
    %c0_i32_0 = arith.constant 0 : i32
    return %arg0, %c0_i32 : i32, i32
  }
  func.func @transform_1(%arg0: i32) -> (i32, i32) {
    %c0_i32 = arith.constant 0 : i32
    %c0_i32_0 = arith.constant 0 : i32
    %c0_i32_1 = arith.constant 0 : i32
    return %c0_i32, %c0_i32_0 : i32, i32
  }
  func.func @transform_2(%arg0: i32) -> (i32, i32) {
    %c0_i32 = arith.constant 0 : i32
    %c0_i32_0 = arith.constant 0 : i32
    %c0_i32_1 = arith.constant 0 : i32
    return %c0_i32, %c0_i32_0 : i32, i32
  }
  func.func @transform_3(%arg0: i32) -> (i32, i32) {
    %c0_i32 = arith.constant 0 : i32
    %c0_i32_0 = arith.constant 0 : i32
    %c0_i32_1 = arith.constant 0 : i32
    return %c0_i32, %c0_i32_0 : i32, i32
  }
  func.func @transform_4(%arg0: i32) -> (i32, i32) {
    %c0_i32 = arith.constant 0 : i32
    %c0_i32_0 = arith.constant 0 : i32
    %c0_i32_1 = arith.constant 0 : i32
    return %c0_i32, %c0_i32_0 : i32, i32
  }
  func.func @transform_5(%arg0: i32) -> (i32, i32) {
    %c0_i32 = arith.constant 0 : i32
    %c0_i32_0 = arith.constant 0 : i32
    %c0_i32_1 = arith.constant 0 : i32
    return %c0_i32, %c0_i32_0 : i32, i32
  }
  func.func @transform_6(%arg0: i32) -> (i32, i32) {
    %c0_i32 = arith.constant 0 : i32
    %c0_i32_0 = arith.constant 0 : i32
    %c0_i32_1 = arith.constant 0 : i32
    return %c0_i32, %c0_i32_0 : i32, i32
  }
  func.func @transform_7(%arg0: i32) -> (i32, i32) {
    %c0_i32 = arith.constant 0 : i32
    %c0_i32_0 = arith.constant 0 : i32
    return %arg0, %c0_i32 : i32, i32
  }
}

</mosaic_0001>

<sc_bundles>
// kernel: kernel.17.cloned.1.call-start
scs
__scs_entry_jumppad:
0x0: {  	(pc) =	sbr.rel $0x88, $3  }
0x1: {  	(tag) =	ssettag $0x0;
	lr =	simm.s32 $0x1  }
0x2: {  	[smem:$0x3F80] =	sst lr;
	_ =	strace $0xD0000000  }
0x3: {  	_ = 	snop  }
0x4: {  	_ = 	snop  }
0x5: {  	_ = 	snop  }
0x6: {  	_ = 	snop  }
0x7: {  	_ = 	snop  }
__scs_overlays_trampoline_lowered:
0x8: {  	[smem:$0x3F8F] =	sst s0  }
0x9: {  	[smem:$0x3F90] =	sst s1  }
0xa: {  	[smem:$0x3F91] =	sst s2  }
0xb: {  	[smem:$0x3F92] =	sst s3  }
0xc: {  	[smem:$0x3F93] =	sst s4  }
0xd: {  	[smem:$0x3F94] =	sst s5  }
0xe: {  	[smem:$0x3F95] =	sst s6  }
0xf: {  	[smem:$0x3F96] =	sst s7  }
0x10: {  	[smem:$0x3F97] =	sst s8  }
0x11: {  	[smem:$0x3F98] =	sst s9;
	s0 =	simm.s32 @!p0 $0x0  }
0x12: {  	s1 =	sld [smem:$0x3F7E];
	s0 =	simm.s32 @p0 $0x1  }
0x13: {  	[smem:$0x3F99] =	sst s0;
	s0 =	simm.s32 @!p1 $0x0  }
0x14: {  	s2 =	sld [smem:$0x3F7D];
	s0 =	simm.s32 @p1 $0x1  }
0x15: {  	[smem:$0x3F9A] =	sst s0;
	s0 =	simm.s32 @!p2 $0x0  }
0x16: {  	s3 =	sld [smem:$0x3FDB];
	s0 =	simm.s32 @p2 $0x1  }
0x17: {  	s4 =	simm.s32 $0x1BF5;
	[smem:$0x3F9C] =	sst s0  }
0x18: {  	s0 =	sld [smem:$0x3F7F];
	_ =	swait.ge [sflag:s4], $0x0  }
0x19: {  	s7 =	sld [smem:$0x3F80]  }
0x1a: {  	s8 =	sadd.s32 $0xFFFFE003, lr  }
0x1b: {  	s9 =	sadd.s32 $0xFFFFFEF7, lr;
	s5 =	simm.s32 $0xFFFFFFFF;
	p2 =	slt.u32 s8, $0xFFFFF086  }
0x1c: {  	p1 =	slt.u32 s9, $0xF7A;
	s5 =	simm.s32 @!p2 $0x0  }
0x1d: {  	s5 =	simm.s32 @p1 $0x1;
	p0 =	seq.s32 s7, s2  }
0x1e: {  	s7 =	smul.u32 @!p0 $0xF7A, s2;
	p2 =	seq.s32 @!p0 s5, $0x0  }
0x1f: {  	s9 =	smul.u32 $0xF7A, s1;
	s8 =	simm.s32 @!p0 $0x1BF5;
	p2 =	por !p2, p0  }
0x20: {  	[sflag:s8] =	ssyncset.s32 @!p0 $0xFFFFF086;
	s6 =	sadd.s32 @!p0 s3, s7;
	s7 =	simm.s32 @!p0 $0x108  }
0x21: {  	s3 =	sadd.s32 s3, s9;
	s6 =	sadd.s32 @!p0 $0x88, s6;
	s7 =	simm.s32 @p2 $0x1082  }
0x22: {  	[simem:s7], [sflag:s8] =	dma.local @!p0 [hbm:s6], $0xF7A  }
0x23: {  	s9 =	sor.u32 $0xD0000000, s2;
	s6 =	simm.s32 $0x108;
	_ =	swait.ge @!p0 [sflag:s8], $0x0  }
0x24: {  	s3 =	sadd.s32 $0x88, s3;
	s6 =	simm.s32 @!p1 $0x1082;
	[sflag:s4] =	ssyncset.s32 $0xFFFFF086  }
0x25: {  	[simem:s6], [sflag:s4] =	dma.local [hbm:s3], $0xF7A  }
0x26: {  	[smem:$0x3F80] =	sst s1;
	(tag) =	ssettag s2;
	_ =	strace s9  }
0x27: {  	s1 =	sld [smem:$0x3F90]  }
0x28: {  	s2 =	sld [smem:$0x3F91]  }
0x29: {  	s4 =	sld [smem:$0x3F93]  }
0x2a: {  	p0 =	seq.s32 s5, $0x0;
	s5 =	sld [smem:$0x3F94]  }
0x2b: {  	s6 =	sld [smem:$0x3F95]  }
0x2c: {  	s7 =	sld [smem:$0x3F96]  }
0x2d: {  	s3 =	simm.s32 $0x108;
	s8 =	sld [smem:$0x3F97]  }
0x2e: {  	s3 =	simm.s32 @!p0 $0x1082;
	s9 =	sld [smem:$0x3F98]  }
0x2f: {  	lr =	sadd.s32 s0, s3;
	s0 =	sld [smem:$0x3F8F]  }
0x30: {  	s3 =	sld [smem:$0x3F92]  }
0x31: {  	[smem:$0x3F9B] =	sst s10  }
0x32: {  	s10 =	sld [smem:$0x3F99];
	_ =	sdelay $0x3  }
0x33: {  	p0 =	seq.s32 s10, $0x1;
	s10 =	sld [smem:$0x3F9B];
	_ =	sdelay $0x3  }
0x34: {  	[smem:$0x3F9B] =	sst s10  }
0x35: {  	s10 =	sld [smem:$0x3F9A];
	_ =	sdelay $0x3  }
0x36: {  	p1 =	seq.s32 s10, $0x1;
	s10 =	sld [smem:$0x3F9B];
	_ =	sdelay $0x3  }
0x37: {  	[smem:$0x3F9B] =	sst s10  }
0x38: {  	s10 =	sld [smem:$0x3F9C]  }
0x39: {  	_ = 	snop;
	(pc) =	sbr.ind lr, $3  }
0x3a: {  	_ = 	snop  }
0x3b: {  	_ = 	snop  }
0x3c: {  	p2 =	seq.s32 s10, $0x1;
	s10 =	sld [smem:$0x3F9B]  }
0x3d: {  	_ =	shalt  }
0x3e: {  	_ =	shalt  }
0x3f: {  	_ =	shalt  }
0x40: {  	_ =	shalt  }
0x41: {  	_ =	shalt  }
0x42: {  	_ =	shalt  }
0x43: {  	_ =	shalt  }
0x44: {  	_ =	shalt  }
0x45: {  	_ =	shalt  }
0x46: {  	_ =	shalt  }
0x47: {  	_ =	shalt  }
0x48: {  	_ =	shalt  }
0x49: {  	_ =	shalt  }
0x4a: {  	_ =	shalt  }
0x4b: {  	_ =	shalt  }
0x4c: {  	_ =	shalt  }
0x4d: {  	_ =	shalt  }
0x4e: {  	_ =	shalt  }
0x4f: {  	_ =	shalt  }
0x50: {  	_ =	shalt  }
0x51: {  	_ =	shalt  }
0x52: {  	_ =	shalt  }
0x53: {  	_ =	shalt  }
0x54: {  	_ =	shalt  }
0x55: {  	_ =	shalt  }
0x56: {  	_ =	shalt  }
0x57: {  	_ =	shalt  }
0x58: {  	_ =	shalt  }
0x59: {  	_ =	shalt  }
0x5a: {  	_ =	shalt  }
0x5b: {  	_ =	shalt  }
0x5c: {  	_ =	shalt  }
0x5d: {  	_ =	shalt  }
0x5e: {  	_ =	shalt  }
0x5f: {  	_ =	shalt  }
0x60: {  	_ =	shalt  }
0x61: {  	_ =	shalt  }
0x62: {  	_ =	shalt  }
0x63: {  	_ =	shalt  }
0x64: {  	_ =	shalt  }
0x65: {  	_ =	shalt  }
0x66: {  	_ =	shalt  }
0x67: {  	_ =	shalt  }
0x68: {  	_ =	shalt  }
0x69: {  	_ =	shalt  }
0x6a: {  	_ =	shalt  }
0x6b: {  	_ =	shalt  }
0x6c: {  	_ =	shalt  }
0x6d: {  	_ =	shalt  }
0x6e: {  	_ =	shalt  }
0x6f: {  	_ =	shalt  }
0x70: {  	_ =	shalt  }
0x71: {  	_ =	shalt  }
0x72: {  	_ =	shalt  }
0x73: {  	_ =	shalt  }
0x74: {  	_ =	shalt  }
0x75: {  	_ =	shalt  }
0x76: {  	_ =	shalt  }
0x77: {  	_ =	shalt  }
0x78: {  	_ =	shalt  }
0x79: {  	_ =	shalt  }
0x7a: {  	_ =	shalt  }
0x7b: {  	_ =	shalt  }
0x7c: {  	_ =	shalt  }
0x7d: {  	_ =	shalt  }
0x7e: {  	_ =	shalt  }
0x7f: {  	_ =	shalt  }
0x80: {  	_ =	shalt  }
0x81: {  	_ =	shalt  }
0x82: {  	_ =	shalt  }
0x83: {  	_ =	shalt  }
0x84: {  	_ =	shalt  }
0x85: {  	_ =	shalt  }
0x86: {  	_ =	shalt  }
0x87: {  	_ =	shalt  }
.Lfunc_end0:
.L_simem_size_0:
called_computation_lowered:
.L_overlay_start_0:
0x88: {  	s2 =	sld [smem:$0x3FD9]  }
0x89: {  	s3 =	sld [smem:$0x3FFE];
	_ =	sdelay $0x1  }
0x8a: {  	s1 =	srdreg.scid  }
0x8b: {  	s0 =	sand.u32 $0x1, s1  }
0x8c: {  	s17 =	sshll.u32 s0, $0xA;
	s2 =	sadd.s32 s3, s2  }
0x8d: {  	s2 =	sadd.s32 s2, s17  }
0x8e: {  	[smem:$0x3FA7] =	sst s2  }
0x8f: {  	_ = 	snop  }
0x90: {  	s2 =	sld [smem:$0x3FD0];
	(tm) =	ssettm $0x1  }
0x91: {  	s18 =	sld [smem:$0x3FFB];
	_ =	sdelay $0x3  }
0x92: {  	_ =	strace s18  }
0x93: {  	s3 =	sld [smem:$0x3FFC];
	_ =	sdelay $0x3  }
0x94: {  	_ =	strace s3  }
0x95: {  	s3 =	sld [smem:$0x3FFD];
	_ =	sdelay $0x3  }
0x96: {  	_ =	strace s3  }
0x97: {  	_ =	strace $0x8FFFFFFF  }
0x98: {  	s19 =	sld [smem:$0x3FDB];
	_ =	sdelay $0x1  }
0x99: {  	s4 =	simm.s32 $_scs_section_size  }
0x9a: {  	s5 =	simm.s32 $_size__tile_overlayer_lowered;
	s6 =	simm.s32 $_tile_overlayer_lowered  }
0x9b: {  	s22 =	simm.s32 $0x1BFF;
	s21 =	sshll.u32 s6, $0x1;
	s3 =	sadd.s32 s4, s19  }
0x9c: {  	s7 =	simm.s32 $0x0;
	s20 =	sshll.u32 s5, $0x1;
	s5 =	sadd.s32 s21, s3  }
0x9d: {  	[timem:s7], [sflag:s22] =	dma.local [hbm:s5], s20  }
0x9e: {  	_ =	swait.ge [sflag:s22], s20  }
0x9f: {  	s4 =	ssub.s32 $0x0, s20;
	[sflag:s22] =	ssyncset.done $0x0  }
0xa0: {  	[sflag:s22] =	ssyncadd.s32 s4;
	_ =	sdelay $0x1  }
0xa1: {  	s23 =	simm.s32 $0x1B8B  }
0xa2: {  	_ =	swait.ge [sflag:s23], $0x1  }
0xa3: {  	[sflag:s23] =	ssyncset.done $0x0  }
0xa4: {  	s25 =	simm.s32 $0x1B8E;
	s24 =	sld [smem:$0x3FFE];
	[sflag:s23] =	ssyncadd.s32 $0xFFFFFFFF  }
0xa5: {  	s26 =	simm.s32 $execute0_lowered;
	[smem:$0x3FD2] =	sst s25  }
0xa6: {  	s5 =	sshll.u32 s26, $0x1;
	_ =	strace $0x80000046;
	[dreg:$0x1] =	wrdreg $0xFFFFFFFF  }
0xa7: {  	s28 =	simm.s32 $_size_execute0_lowered;
	s3 =	sadd.s32 s3, s5;
	[dreg:$0x0] =	wrdreg $0x0  }
0xa8: {  	s5 =	sshll.u32 s28, $0x1;
	[dreg:$0x2] =	wrdreg s3  }
0xa9: {  	[dreg:$0x3] =	wrdreg s5  }
0xaa: {  	[dreg:$0x4] =	wrdreg $0xC0  }
0xab: {  	_ =	task [dreg:s7], $0x5FFFF  }
0xac: {  	[dreg:$0x1] =	wrdreg $0xFFFFFFFF  }
0xad: {  	[dreg:$0x0] =	wrdreg $0x60  }
0xae: {  	[dreg:$0x2] =	wrdreg s2  }
0xaf: {  	[dreg:$0x3] =	wrdreg s24  }
0xb0: {  	[dreg:$0x4] =	wrdreg $0x9  }
0xb1: {  	_ =	task.clear_ibuf [dreg:s7], $0x5FFFF;
	_ =	strace $0x90000046  }
0xb2: {  	s29 =	simm.s32 $0x9;
	_ =	strace $0x80000048  }
0xb3: {  	_ =	swait.ge [sflag:s29], $0x1  }
0xb4: {  	[sflag:s29] =	ssyncadd.s32 $0xFFFFFFFF  }
0xb5: {  	_ =	strace $0x90000048  }
0xb6: {  	_ =	sfence  }
0xb7: {  	s30 =	sld [smem:$0x0];
	_ =	sdelay $0x2  }
0xb8: {  	s31 =	sshll.u32 s1, $0xD;
	s1 =	sshrl.u32 s1, $0x2  }
0xb9: {  	s3 =	sand.u32 $0x4000, s31;
	s1 =	sadd.s32 s1, s30  }
0xba: {  	s0 =	sor.u32 s3, s0;
	s1 =	sshll.u32 s1, $0x11  }
0xbb: {  	s0 =	sor.u32 s1, s0  }
0xbc: {  	s0 =	sadd.s32 $0x8F2B, s0  }
0xbd: {  	[sflag:s0] =	ssyncadd.remote.s32 $0x1  }
0xbe: {  	_ =	sfence.sel $0xFFFF  }
0xbf: {  	[dreg:$0x0] =	wrdreg $0xFFFFFFFF;
	(pc) =	sbr.abs _section_cstart, $3  }
0xc0: {  	[dreg:$0x1] =	wrdreg $0xFFFFFFFF  }
0xc1: {  	_ =	task.clear_ibuf [dreg:s7], $0x2FFFF;
	_ =	strace $0x9FFFFFFF  }
0xc2: {  	(tm) =	ssettm $0x7FFFFFFF  }
0xc3: {  	_ =	shalt  }
tec
execute0_lowered:
.L_overlay_start_1:
0x0: {  	(tag) =	ssettag $0x1  }
0x1: {  	s2 =	rddreg [dreg:$0x0]  }
0x2: {  	s4 =	rddreg [dreg:$0x1]  }
0x3: {  	s0 =	rddreg [dreg:$0x2];
	s5 =	srdreg.scid  }
0x4: {  	s1 =	stileid.u32;
	s3 =	simm.s32 $0x0;
	s10 =	simm.s32 $0x80  }
0x5: {  	s11 =	simm.s32 $0x50;
	s12 =	simm.s32 $0x100;
	s13 =	simm.s32 $0x2900  }
0x6: {  	s14 =	simm.s32 $0x1;
	s15 =	simm.s32 $0x2;
	s6 =	smul.u32 $0x4E20, s1  }
0x7: {  	s16 =	simm.s32 $0x0;
	s5 =	sand.u32 $0x1, s5;
	s8 =	smul.u32 $0x4E200, s1  }
0x8: {  	[smem:$0x7FF] =	sst s3;
	s7 =	smul.u32 $0x2710, s5;
	s9 =	ssub.s32 $0x2, s5  }
0x9: {  	_ =	strace $0x80000047;
	s5 =	smul.u32 $0x27100, s5;
	s29 =	sshrl.u32 s9, $0x1  }
0xa: {  	s8 =	sadd.s32 s8, s4;
	s6 =	sadd.s32 s7, s6;
	s7 =	ssub.s32 s9, s29  }
0xb: {  	s31 =	sadd.s32 s5, s8;
	s9 =	simm.s32 $0x3;
	s6 =	sshrl.u32 s6, $0x3  }
0xc: {  	s5 =	sadd.s32 $0x1EC00, s31;
	s30 =	sadd.s32 s6, s4;
	s4 =	smax.u32 s7, $0x1  }
0xd: {  	s6 =	sadd.s32 $0x500C00, s31;
	s7 =	sadd.s32 $0xB000, s30;
	s8 =	sadd.s32 $0x14E00, s30  }
.LBB2_1:
0xe: {  	s17 =	sadd.s32 $0x0, s8  }
0xf: {  	[tilespmem:s3], [sflag:$0x3] =	stream.linear.gather [hbm4b:s17+s3], $0x50, $0x38;
	[tilespmem:$0x5100] =	vst v63  }
0x10: {  	_ =	swait.ge [sflag:s9], $0x50  }
0x11: {  	[sflag:s9] =	ssyncset.done $0x0  }
0x12: {  	s31 =	sadd.s32 $0x0, s7;
	[sflag:s9] =	ssyncadd.s32 $0xFFFFFFB0  }
0x13: {  	[tilespmem:s10], [sflag:$0x3] =	stream.linear.gather [hbm4b:s31+s3], $0x50, $0x38;
	[tilespmem:$0x5100] =	vst v63  }
0x14: {  	_ =	swait.ge [sflag:s9], $0x50  }
0x15: {  	[sflag:s9] =	ssyncset.done $0x0  }
0x16: {  	[sflag:s9] =	ssyncadd.s32 $0xFFFFFFB0  }
0x17: {  	[tilespmem:s12], [sflag:$0x1] =	stream.indirect.gather [hbm4b:s2+s11], $0x80, s3, s11, $0xb8;
	[tilespmem:$0x5100] =	vst v63  }
0x18: {  	_ = 	snop  }
0x19: {  	[tilespmem:s13], [sflag:$0x2] =	stream.indirect.gather [hbm4b:s2+s11], $0x80, s10, s11, $0xb8;
	[tilespmem:$0x5100] =	vst v63  }
0x1a: {  	_ =	swait.ge [sflag:s14], $0x2800  }
0x1b: {  	[sflag:s14] =	ssyncset.done $0x0  }
0x1c: {  	[sflag:s14] =	ssyncadd.s32 $0xFFFFD800  }
0x1d: {  	_ =	swait.ge [sflag:s15], $0x2800  }
0x1e: {  	[sflag:s15] =	ssyncset.done $0x0  }
0x1f: {  	[sflag:s15] =	ssyncadd.s32 $0xFFFFD800  }
0x20: {  	[hbm4b:s5+s3] =	stream.linear.scatter [tilespmem:s12], [sflag:$0x3], $0x2800, $0x38;
	[tilespmem:$0x5100] =	vst v63  }
0x21: {  	_ =	swait.ge [sflag:s9], $0x2800  }
0x22: {  	[sflag:s9] =	ssyncset.done $0x0  }
0x23: {  	[sflag:s9] =	ssyncadd.s32 $0xFFFFD800  }
0x24: {  	[hbm4b:s6+s3] =	stream.linear.scatter [tilespmem:s13], [sflag:$0x3], $0x2800, $0x38;
	[tilespmem:$0x5100] =	vst v63  }
0x25: {  	s19 =	simm.s32 $0xA;
	s20 =	simm.s32 $0x14;
	_ =	swait.ge [sflag:s9], $0x2800  }
0x26: {  	s18 =	sadd.s32 $0x500, s5;
	s17 =	sadd.s32 $0x500, s6;
	[sflag:s9] =	ssyncset.done $0x0  }
.LBB2_2:
0x27: {  	s21 =	sadd.s32 s19, s8  }
0x28: {  	[sflag:s9] =	ssyncadd.s32 $0xFFFFD800;
	s22 =	smov.u32 s20;
	s23 =	sadd.s32 $0xA, s20  }
0x29: {  	[tilespmem:s3], [sflag:$0x3] =	stream.linear.gather [hbm4b:s21+s3], $0x50, $0x38;
	[tilespmem:$0x5100] =	vst v63  }
0x2a: {  	p0 =	sne.s32 s20, $0x4D8;
	_ =	swait.ge [sflag:s9], $0x50  }
0x2b: {  	[sflag:s9] =	ssyncset.done $0x0  }
0x2c: {  	s20 =	sadd.s32 s19, s7;
	s19 =	smov.u32 s22;
	[sflag:s9] =	ssyncadd.s32 $0xFFFFFFB0  }
0x2d: {  	[tilespmem:s10], [sflag:$0x3] =	stream.linear.gather [hbm4b:s20+s3], $0x50, $0x38;
	[tilespmem:$0x5100] =	vst v63  }
0x2e: {  	_ =	swait.ge [sflag:s9], $0x50  }
0x2f: {  	[sflag:s9] =	ssyncset.done $0x0  }
0x30: {  	[sflag:s9] =	ssyncadd.s32 $0xFFFFFFB0  }
0x31: {  	[tilespmem:s12], [sflag:$0x1] =	stream.indirect.gather [hbm4b:s2+s11], $0x80, s3, s11, $0xb8;
	[tilespmem:$0x5100] =	vst v63  }
0x32: {  	_ = 	snop  }
0x33: {  	[tilespmem:s13], [sflag:$0x2] =	stream.indirect.gather [hbm4b:s2+s11], $0x80, s10, s11, $0xb8;
	[tilespmem:$0x5100] =	vst v63  }
0x34: {  	_ =	swait.ge [sflag:s14], $0x2800  }
0x35: {  	[sflag:s14] =	ssyncset.done $0x0  }
0x36: {  	[sflag:s14] =	ssyncadd.s32 $0xFFFFD800  }
0x37: {  	_ =	swait.ge [sflag:s15], $0x2800  }
0x38: {  	[sflag:s15] =	ssyncset.done $0x0  }
0x39: {  	[sflag:s15] =	ssyncadd.s32 $0xFFFFD800  }
0x3a: {  	[hbm4b:s18+s3] =	stream.linear.scatter [tilespmem:s12], [sflag:$0x3], $0x2800, $0x38;
	[tilespmem:$0x5100] =	vst v63  }
0x3b: {  	_ =	swait.ge [sflag:s9], $0x2800  }
.Ltmp0:
0x3c: {  	[sflag:s9] =	ssyncset.done $0x0;
	(pc) =	sbr.rel @p0 .LBB2_2-.Ltmp0, $4  }
0x3d: {  	[sflag:s9] =	ssyncadd.s32 $0xFFFFD800  }
0x3e: {  	[hbm4b:s17+s3] =	stream.linear.scatter [tilespmem:s13], [sflag:$0x3], $0x2800, $0x38;
	[tilespmem:$0x5100] =	vst v63  }
0x3f: {  	s20 =	smov.u32 s23;
	_ =	swait.ge [sflag:s9], $0x2800  }
0x40: {  	s18 =	sadd.s32 $0x500, s18;
	s17 =	sadd.s32 $0x500, s17;
	[sflag:s9] =	ssyncset.done $0x0  }
0x41: {  	s20 =	sadd.s32 s19, s8;
	[sflag:s9] =	ssyncadd.s32 $0xFFFFD800  }
0x42: {  	[tilespmem:s3], [sflag:$0x3] =	stream.linear.gather [hbm4b:s20+s3], $0x50, $0x38;
	[tilespmem:$0x5100] =	vst v63  }
0x43: {  	_ =	swait.ge [sflag:s9], $0x50  }
0x44: {  	[sflag:s9] =	ssyncset.done $0x0  }
0x45: {  	s31 =	sadd.s32 s19, s7;
	[sflag:s9] =	ssyncadd.s32 $0xFFFFFFB0  }
0x46: {  	[tilespmem:s10], [sflag:$0x3] =	stream.linear.gather [hbm4b:s31+s3], $0x50, $0x38;
	[tilespmem:$0x5100] =	vst v63  }
0x47: {  	_ =	swait.ge [sflag:s9], $0x50  }
0x48: {  	[sflag:s9] =	ssyncset.done $0x0  }
0x49: {  	[sflag:s9] =	ssyncadd.s32 $0xFFFFFFB0  }
0x4a: {  	[tilespmem:s12], [sflag:$0x1] =	stream.indirect.gather [hbm4b:s2+s11], $0x80, s3, s11, $0xb8;
	[tilespmem:$0x5100] =	vst v63  }
0x4b: {  	_ = 	snop  }
0x4c: {  	[tilespmem:s13], [sflag:$0x2] =	stream.indirect.gather [hbm4b:s2+s11], $0x80, s10, s11, $0xb8;
	[tilespmem:$0x5100] =	vst v63  }
0x4d: {  	_ =	swait.ge [sflag:s14], $0x2800  }
0x4e: {  	[sflag:s14] =	ssyncset.done $0x0  }
0x4f: {  	[sflag:s14] =	ssyncadd.s32 $0xFFFFD800  }
0x50: {  	_ =	swait.ge [sflag:s15], $0x2800  }
0x51: {  	[sflag:s15] =	ssyncset.done $0x0  }
0x52: {  	[sflag:s15] =	ssyncadd.s32 $0xFFFFD800  }
0x53: {  	[hbm4b:s18+s3] =	stream.linear.scatter [tilespmem:s12], [sflag:$0x3], $0x2800, $0x38;
	[tilespmem:$0x5100] =	vst v63  }
0x54: {  	s16 =	sadd.s32 $0x1, s16;
	_ =	swait.ge [sflag:s9], $0x2800  }
0x55: {  	p0 =	sne.s32 s16, s4;
	[sflag:s9] =	ssyncset.done $0x0  }
.Ltmp1:
0x56: {  	[sflag:s9] =	ssyncadd.s32 $0xFFFFD800;
	(pc) =	sbr.rel @p0 .LBB2_1-.Ltmp1, $4  }
0x57: {  	[hbm4b:s17+s3] =	stream.linear.scatter [tilespmem:s13], [sflag:$0x3], $0x2800, $0x38;
	[tilespmem:$0x5100] =	vst v63  }
0x58: {  	_ =	swait.ge [sflag:s9], $0x2800  }
0x59: {  	[sflag:s9] =	ssyncset.done $0x0  }
0x5a: {  	[sflag:s9] =	ssyncadd.s32 $0xFFFFD800  }
0x5b: {  	_ =	sfence.sel $0x180000  }
0x5c: {  	[bflag:$0x0] =	sbarrier.arrive $0xFFFF  }
0x5d: {  	p0 =	sne.s32 s1, $0x0;
	_ =	strace $0x90000047  }
0x5e: {  	s0 =	sadd.s32 @!p0 $0x100000, s0;
	[bflag:$0x2] =	sbarrier.arrive $0xFFFF  }
0x5f: {  	[sflag:s0] =	ssyncadd.tile.s32 @!p0 $0x1;
	_ =	shalt  }
.Lfunc_end2:
_tile_overlayer_lowered:
.L_overlay_start_2:
0x60: {  	(tag) =	ssettag $0x2  }
0x61: {  	s0 =	rddreg [dreg:$0x0];
	s2 =	stileid.u32  }
0x62: {  	s1 =	rddreg [dreg:$0x1];
	p0 =	sne.s32 s2, $0x0  }
0x63: {  	s3 =	rddreg [dreg:$0x2];
	[bflag:$0x3] =	sbarrier.arrive $0xFFFF;
	s2 =	simm.s32 @!p0 $0x1C03  }
0x64: {  	[timem:s3], [sflag:s2] =	dma.local @!p0 [hbm:s0], s1  }
0x65: {  	s0 =	simm.s32 @!p0 $0x3  }
0x66: {  	_ =	swait.ge @!p0 [sflag:s0], s1  }
0x67: {  	s1 =	ssub.s32 @!p0 $0x0, s1;
	[sflag:s0] =	ssyncset.done @!p0 $0x0  }
0x68: {  	[sflag:s0] =	ssyncadd.s32 @!p0 s1  }
0x69: {  	[bflag:$0x3] =	sbarrier.arrive $0xFFFF  }
0x6a: {  	_ =	shalt  }

// kernel: kernel.20.cloned.1.call-start
scs
__scs_entry_jumppad:
0x0: {  	(pc) =	sbr.rel $0x88, $3  }
0x1: {  	(tag) =	ssettag $0x0;
	lr =	simm.s32 $0x1  }
0x2: {  	[smem:$0x3F80] =	sst lr;
	_ =	strace $0xD0000000  }
0x3: {  	_ = 	snop  }
0x4: {  	_ = 	snop  }
0x5: {  	_ = 	snop  }
0x6: {  	_ = 	snop  }
0x7: {  	_ = 	snop  }
__scs_overlays_trampoline_lowered:
0x8: {  	[smem:$0x3F8F] =	sst s0  }
0x9: {  	[smem:$0x3F90] =	sst s1  }
0xa: {  	[smem:$0x3F91] =	sst s2  }
0xb: {  	[smem:$0x3F92] =	sst s3  }
0xc: {  	[smem:$0x3F93] =	sst s4  }
0xd: {  	[smem:$0x3F94] =	sst s5  }
0xe: {  	[smem:$0x3F95] =	sst s6  }
0xf: {  	[smem:$0x3F96] =	sst s7  }
0x10: {  	[smem:$0x3F97] =	sst s8  }
0x11: {  	[smem:$0x3F98] =	sst s9;
	s0 =	simm.s32 @!p0 $0x0  }
0x12: {  	s1 =	sld [smem:$0x3F7E];
	s0 =	simm.s32 @p0 $0x1  }
0x13: {  	[smem:$0x3F99] =	sst s0;
	s0 =	simm.s32 @!p1 $0x0  }
0x14: {  	s2 =	sld [smem:$0x3F7D];
	s0 =	simm.s32 @p1 $0x1  }
0x15: {  	[smem:$0x3F9A] =	sst s0;
	s0 =	simm.s32 @!p2 $0x0  }
0x16: {  	s3 =	sld [smem:$0x3FDB];
	s0 =	simm.s32 @p2 $0x1  }
0x17: {  	s4 =	simm.s32 $0x1BF5;
	[smem:$0x3F9C] =	sst s0  }
0x18: {  	s0 =	sld [smem:$0x3F7F];
	_ =	swait.ge [sflag:s4], $0x0  }
0x19: {  	s7 =	sld [smem:$0x3F80]  }
0x1a: {  	s8 =	sadd.s32 $0xFFFFE003, lr  }
0x1b: {  	s9 =	sadd.s32 $0xFFFFFEF7, lr;
	s5 =	simm.s32 $0xFFFFFFFF;
	p2 =	slt.u32 s8, $0xFFFFF086  }
0x1c: {  	p1 =	slt.u32 s9, $0xF7A;
	s5 =	simm.s32 @!p2 $0x0  }
0x1d: {  	s5 =	simm.s32 @p1 $0x1;
	p0 =	seq.s32 s7, s2  }
0x1e: {  	s7 =	smul.u32 @!p0 $0xF7A, s2;
	p2 =	seq.s32 @!p0 s5, $0x0  }
0x1f: {  	s9 =	smul.u32 $0xF7A, s1;
	s8 =	simm.s32 @!p0 $0x1BF5;
	p2 =	por !p2, p0  }
0x20: {  	[sflag:s8] =	ssyncset.s32 @!p0 $0xFFFFF086;
	s6 =	sadd.s32 @!p0 s3, s7;
	s7 =	simm.s32 @!p0 $0x108  }
0x21: {  	s3 =	sadd.s32 s3, s9;
	s6 =	sadd.s32 @!p0 $0x88, s6;
	s7 =	simm.s32 @p2 $0x1082  }
0x22: {  	[simem:s7], [sflag:s8] =	dma.local @!p0 [hbm:s6], $0xF7A  }
0x23: {  	s9 =	sor.u32 $0xD0000000, s2;
	s6 =	simm.s32 $0x108;
	_ =	swait.ge @!p0 [sflag:s8], $0x0  }
0x24: {  	s3 =	sadd.s32 $0x88, s3;
	s6 =	simm.s32 @!p1 $0x1082;
	[sflag:s4] =	ssyncset.s32 $0xFFFFF086  }
0x25: {  	[simem:s6], [sflag:s4] =	dma.local [hbm:s3], $0xF7A  }
0x26: {  	[smem:$0x3F80] =	sst s1;
	(tag) =	ssettag s2;
	_ =	strace s9  }
0x27: {  	s1 =	sld [smem:$0x3F90]  }
0x28: {  	s2 =	sld [smem:$0x3F91]  }
0x29: {  	s4 =	sld [smem:$0x3F93]  }
0x2a: {  	p0 =	seq.s32 s5, $0x0;
	s5 =	sld [smem:$0x3F94]  }
0x2b: {  	s6 =	sld [smem:$0x3F95]  }
0x2c: {  	s7 =	sld [smem:$0x3F96]  }
0x2d: {  	s3 =	simm.s32 $0x108;
	s8 =	sld [smem:$0x3F97]  }
0x2e: {  	s3 =	simm.s32 @!p0 $0x1082;
	s9 =	sld [smem:$0x3F98]  }
0x2f: {  	lr =	sadd.s32 s0, s3;
	s0 =	sld [smem:$0x3F8F]  }
0x30: {  	s3 =	sld [smem:$0x3F92]  }
0x31: {  	[smem:$0x3F9B] =	sst s10  }
0x32: {  	s10 =	sld [smem:$0x3F99];
	_ =	sdelay $0x3  }
0x33: {  	p0 =	seq.s32 s10, $0x1;
	s10 =	sld [smem:$0x3F9B];
	_ =	sdelay $0x3  }
0x34: {  	[smem:$0x3F9B] =	sst s10  }
0x35: {  	s10 =	sld [smem:$0x3F9A];
	_ =	sdelay $0x3  }
0x36: {  	p1 =	seq.s32 s10, $0x1;
	s10 =	sld [smem:$0x3F9B];
	_ =	sdelay $0x3  }
0x37: {  	[smem:$0x3F9B] =	sst s10  }
0x38: {  	s10 =	sld [smem:$0x3F9C]  }
0x39: {  	_ = 	snop;
	(pc) =	sbr.ind lr, $3  }
0x3a: {  	_ = 	snop  }
0x3b: {  	_ = 	snop  }
0x3c: {  	p2 =	seq.s32 s10, $0x1;
	s10 =	sld [smem:$0x3F9B]  }
0x3d: {  	_ =	shalt  }
0x3e: {  	_ =	shalt  }
0x3f: {  	_ =	shalt  }
0x40: {  	_ =	shalt  }
0x41: {  	_ =	shalt  }
0x42: {  	_ =	shalt  }
0x43: {  	_ =	shalt  }
0x44: {  	_ =	shalt  }
0x45: {  	_ =	shalt  }
0x46: {  	_ =	shalt  }
0x47: {  	_ =	shalt  }
0x48: {  	_ =	shalt  }
0x49: {  	_ =	shalt  }
0x4a: {  	_ =	shalt  }
0x4b: {  	_ =	shalt  }
0x4c: {  	_ =	shalt  }
0x4d: {  	_ =	shalt  }
0x4e: {  	_ =	shalt  }
0x4f: {  	_ =	shalt  }
0x50: {  	_ =	shalt  }
0x51: {  	_ =	shalt  }
0x52: {  	_ =	shalt  }
0x53: {  	_ =	shalt  }
0x54: {  	_ =	shalt  }
0x55: {  	_ =	shalt  }
0x56: {  	_ =	shalt  }
0x57: {  	_ =	shalt  }
0x58: {  	_ =	shalt  }
0x59: {  	_ =	shalt  }
0x5a: {  	_ =	shalt  }
0x5b: {  	_ =	shalt  }
0x5c: {  	_ =	shalt  }
0x5d: {  	_ =	shalt  }
0x5e: {  	_ =	shalt  }
0x5f: {  	_ =	shalt  }
0x60: {  	_ =	shalt  }
0x61: {  	_ =	shalt  }
0x62: {  	_ =	shalt  }
0x63: {  	_ =	shalt  }
0x64: {  	_ =	shalt  }
0x65: {  	_ =	shalt  }
0x66: {  	_ =	shalt  }
0x67: {  	_ =	shalt  }
0x68: {  	_ =	shalt  }
0x69: {  	_ =	shalt  }
0x6a: {  	_ =	shalt  }
0x6b: {  	_ =	shalt  }
0x6c: {  	_ =	shalt  }
0x6d: {  	_ =	shalt  }
0x6e: {  	_ =	shalt  }
0x6f: {  	_ =	shalt  }
0x70: {  	_ =	shalt  }
0x71: {  	_ =	shalt  }
0x72: {  	_ =	shalt  }
0x73: {  	_ =	shalt  }
0x74: {  	_ =	shalt  }
0x75: {  	_ =	shalt  }
0x76: {  	_ =	shalt  }
0x77: {  	_ =	shalt  }
0x78: {  	_ =	shalt  }
0x79: {  	_ =	shalt  }
0x7a: {  	_ =	shalt  }
0x7b: {  	_ =	shalt  }
0x7c: {  	_ =	shalt  }
0x7d: {  	_ =	shalt  }
0x7e: {  	_ =	shalt  }
0x7f: {  	_ =	shalt  }
0x80: {  	_ =	shalt  }
0x81: {  	_ =	shalt  }
0x82: {  	_ =	shalt  }
0x83: {  	_ =	shalt  }
0x84: {  	_ =	shalt  }
0x85: {  	_ =	shalt  }
0x86: {  	_ =	shalt  }
0x87: {  	_ =	shalt  }
.Lfunc_end0:
.L_simem_size_0:
called_computation.1_lowered:
.L_overlay_start_0:
0x88: {  	s2 =	sld [smem:$0x3FD9]  }
0x89: {  	s3 =	sld [smem:$0x3FFE];
	_ =	sdelay $0x1  }
0x8a: {  	s1 =	srdreg.scid  }
0x8b: {  	s0 =	sand.u32 $0x1, s1  }
0x8c: {  	s16 =	sshll.u32 s0, $0xA;
	s2 =	sadd.s32 s3, s2  }
0x8d: {  	s2 =	sadd.s32 s2, s16  }
0x8e: {  	[smem:$0x3FA7] =	sst s2  }
0x8f: {  	_ = 	snop  }
0x90: {  	(tm) =	ssettm $0x1  }
0x91: {  	s17 =	sld [smem:$0x3FFB];
	_ =	sdelay $0x3  }
0x92: {  	_ =	strace s17  }
0x93: {  	s2 =	sld [smem:$0x3FFC];
	_ =	sdelay $0x3  }
0x94: {  	_ =	strace s2  }
0x95: {  	s2 =	sld [smem:$0x3FFD];
	_ =	sdelay $0x3  }
0x96: {  	_ =	strace s2  }
0x97: {  	_ =	strace $0x8FFFFFFF  }
0x98: {  	s18 =	sld [smem:$0x3FDB];
	_ =	sdelay $0x1  }
0x99: {  	s19 =	simm.s32 $_scs_section_size  }
0x9a: {  	s4 =	simm.s32 $_size__tile_overlayer_lowered;
	s5 =	simm.s32 $_tile_overlayer_lowered  }
0x9b: {  	s22 =	simm.s32 $0x1BFF;
	s21 =	sshll.u32 s5, $0x1;
	s2 =	sadd.s32 s19, s18  }
0x9c: {  	s6 =	simm.s32 $0x0;
	s20 =	sshll.u32 s4, $0x1;
	s4 =	sadd.s32 s21, s2  }
0x9d: {  	[timem:s6], [sflag:s22] =	dma.local [hbm:s4], s20  }
0x9e: {  	_ =	swait.ge [sflag:s22], s20  }
0x9f: {  	s3 =	ssub.s32 $0x0, s20;
	[sflag:s22] =	ssyncset.done $0x0  }
0xa0: {  	[sflag:s22] =	ssyncadd.s32 s3;
	_ =	sdelay $0x1  }
0xa1: {  	s23 =	simm.s32 $0x1B8B  }
0xa2: {  	_ =	swait.ge [sflag:s23], $0x1  }
0xa3: {  	[sflag:s23] =	ssyncset.done $0x0  }
0xa4: {  	s25 =	simm.s32 $0x1B8E;
	s24 =	sld [smem:$0x3FFE];
	[sflag:s23] =	ssyncadd.s32 $0xFFFFFFFF  }
0xa5: {  	s26 =	simm.s32 $execute0_lowered;
	[smem:$0x3FD2] =	sst s25  }
0xa6: {  	s4 =	sshll.u32 s26, $0x1;
	_ =	strace $0x80000049;
	[dreg:$0x1] =	wrdreg $0xFFFFFFFF  }
0xa7: {  	s28 =	simm.s32 $_size_execute0_lowered;
	s2 =	sadd.s32 s2, s4;
	[dreg:$0x0] =	wrdreg $0x0  }
0xa8: {  	s4 =	sshll.u32 s28, $0x1;
	[dreg:$0x2] =	wrdreg s2  }
0xa9: {  	[dreg:$0x3] =	wrdreg s4  }
0xaa: {  	[dreg:$0x4] =	wrdreg $0xC0  }
0xab: {  	_ =	task [dreg:s6], $0x5FFFF  }
0xac: {  	[dreg:$0x1] =	wrdreg $0xFFFFFFFF  }
0xad: {  	[dreg:$0x0] =	wrdreg $0x60  }
0xae: {  	[dreg:$0x2] =	wrdreg s24  }
0xaf: {  	[dreg:$0x3] =	wrdreg $0x28800  }
0xb0: {  	[dreg:$0x4] =	wrdreg $0x9  }
0xb1: {  	_ =	task.clear_ibuf [dreg:s6], $0x5FFFF;
	_ =	strace $0x90000049  }
0xb2: {  	s29 =	simm.s32 $0x9;
	_ =	strace $0x8000004B  }
0xb3: {  	_ =	swait.ge [sflag:s29], $0x1  }
0xb4: {  	[sflag:s29] =	ssyncadd.s32 $0xFFFFFFFF  }
0xb5: {  	_ =	strace $0x9000004B  }
0xb6: {  	_ =	sfence  }
0xb7: {  	s30 =	sld [smem:$0x0];
	_ =	sdelay $0x2  }
0xb8: {  	s31 =	sshll.u32 s1, $0xD;
	s1 =	sshrl.u32 s1, $0x2  }
0xb9: {  	s3 =	sand.u32 $0x4000, s31;
	s1 =	sadd.s32 s1, s30  }
0xba: {  	s0 =	sor.u32 s3, s0;
	s1 =	sshll.u32 s1, $0x11  }
0xbb: {  	s0 =	sor.u32 s1, s0  }
0xbc: {  	s0 =	sadd.s32 $0x8F2B, s0  }
0xbd: {  	[sflag:s0] =	ssyncadd.remote.s32 $0x1  }
0xbe: {  	_ =	sfence.sel $0xFFFF  }
0xbf: {  	[dreg:$0x0] =	wrdreg $0xFFFFFFFF;
	(pc) =	sbr.abs _section_cstart, $3  }
0xc0: {  	[dreg:$0x1] =	wrdreg $0xFFFFFFFF  }
0xc1: {  	_ =	task.clear_ibuf [dreg:s6], $0x2FFFF;
	_ =	strace $0x9FFFFFFF  }
0xc2: {  	(tm) =	ssettm $0x7FFFFFFF  }
0xc3: {  	_ =	shalt  }
tec
execute0_lowered:
.L_overlay_start_1:
0x0: {  	(tag) =	ssettag $0x1  }
0x1: {  	s0 =	stileid.u32  }
0x2: {  	s1 =	srdreg.scid;
	s4 =	smul.u32 $0x4E200, s0  }
0x3: {  	s5 =	rddreg [dreg:$0x0];
	s7 =	smul.u32 $0x4E20, s0  }
0x4: {  	s2 =	rddreg [dreg:$0x1];
	s3 =	simm.s32 $0x0;
	s9 =	smul.u32 $0x2800, s0  }
0x5: {  	s6 =	sand.u32 $0x1, s1;
	s1 =	rddreg [dreg:$0x2];
	s24 =	smul.u32 $0x50000, s0  }
0x6: {  	s14 =	simm.s32 $0x0;
	[smem:$0x7FF] =	sst s3;
	s8 =	smul.u32 $0x2710, s6  }
0x7: {  	s30 =	sshll.u32 s0, $0x6;
	s21 =	smul.u32 $0x28000, s6;
	_ =	strace $0x8000004A  }
0x8: {  	s28 =	ssub.s32 $0x2, s6;
	s6 =	smul.u32 $0x27100, s6;
	s10 =	sadd.s32 s4, s5  }
0x9: {  	s25 =	sadd.s32 s9, s5;
	s29 =	sshrl.u32 s28, $0x1;
	s7 =	sadd.s32 s8, s7  }
0xa: {  	s23 =	sadd.s32 s9, s21;
	s12 =	ssub.s32 s28, s29;
	s4 =	sadd.s32 $0x1EC00, s25  }
0xb: {  	s31 =	sadd.s32 s6, s10;
	s22 =	sshrl.u32 s7, $0x3;
	s26 =	sadd.s32 s23, s5  }
0xc: {  	s7 =	sshrl.u32 s24, $0x2;
	s8 =	sadd.s32 $0x9E2C00, s31;
	s11 =	sadd.s32 s22, s5  }
0xd: {  	s13 =	sadd.s32 s7, s2;
	s5 =	sor.u32 $0x1C01, s30;
	s6 =	sadd.s32 $0x46C00, s26  }
0xe: {  	s7 =	smax.u32 s12, $0x1;
	s12 =	simm.s32 $0x80;
	s9 =	sadd.s32 $0x14E00, s11  }
0xf: {  	s10 =	sshrl.u32 s13, $0x3;
	s11 =	simm.s32 $0x1;
	s13 =	simm.s32 $0x50  }
.LBB2_1:
0x10: {  	[spmem:s10], [sflag:s5] =	dma.local [hbm:s4], $0x2800  }
0x11: {  	_ =	swait.ge [sflag:s11], $0x2800  }
0x12: {  	[sflag:s11] =	ssyncset.done $0x0  }
0x13: {  	[sflag:s11] =	ssyncadd.s32 $0xFFFFD800  }
0x14: {  	s15 =	sadd.s32 $0x0, s9;
	[bflag:$0x0] =	sbarrier.arrive $0xFFFF  }
0x15: {  	[tilespmem:s3], [sflag:$0x1] =	stream.linear.gather [hbm4b:s15+s3], $0x50, $0x38;
	[tilespmem:$0x16880] =	vst v63  }
0x16: {  	_ =	swait.ge [sflag:s11], $0x50  }
0x17: {  	[sflag:s11] =	ssyncset.done $0x0  }
0x18: {  	[sflag:s11] =	ssyncadd.s32 $0xFFFFFFB0  }
0x19: {  	[tilespmem:s12], [sflag:$0x1] =	stream.linear.gather [hbm4b:s8+s3], $0x2800, $0x38;
	[tilespmem:$0x16880] =	vst v63  }
0x1a: {  	_ =	swait.ge [sflag:s11], $0x2800  }
0x1b: {  	[sflag:s11] =	ssyncset.done $0x0  }
0x1c: {  	[sflag:s11] =	ssyncadd.s32 $0xFFFFD800  }
0x1d: {  	[spmem:s2] =	stream.indirect.scatter.add.f32 [tilespmem:s12], [sflag:$0x1], $0x80, s3, s13, $0xb8;
	[tilespmem:$0x16880] =	vst v63  }
0x1e: {  	s16 =	simm.s32 $0xA;
	_ =	swait.ge [sflag:s11], $0x2800  }
0x1f: {  	s17 =	simm.s32 $0x14;
	s15 =	sadd.s32 $0x500, s8;
	[sflag:s11] =	ssyncset.done $0x0  }
.LBB2_2:
0x20: {  	s18 =	sadd.s32 s16, s9  }
0x21: {  	[sflag:s11] =	ssyncadd.s32 $0xFFFFD800;
	s16 =	smov.u32 s17;
	s19 =	sadd.s32 $0xA, s17  }
0x22: {  	[tilespmem:s3], [sflag:$0x1] =	stream.linear.gather [hbm4b:s18+s3], $0x50, $0x38;
	[tilespmem:$0x16880] =	vst v63  }
0x23: {  	p0 =	sne.s32 s17, $0x4D8;
	_ =	swait.ge [sflag:s11], $0x50  }
0x24: {  	[sflag:s11] =	ssyncset.done $0x0  }
0x25: {  	[sflag:s11] =	ssyncadd.s32 $0xFFFFFFB0  }
0x26: {  	[tilespmem:s12], [sflag:$0x1] =	stream.linear.gather [hbm4b:s15+s3], $0x2800, $0x38;
	[tilespmem:$0x16880] =	vst v63  }
0x27: {  	_ =	swait.ge [sflag:s11], $0x2800  }
.Ltmp0:
0x28: {  	[sflag:s11] =	ssyncset.done $0x0;
	(pc) =	sbr.rel @p0 .LBB2_2-.Ltmp0, $4  }
0x29: {  	[sflag:s11] =	ssyncadd.s32 $0xFFFFD800  }
0x2a: {  	[spmem:s2] =	stream.indirect.scatter.add.f32 [tilespmem:s12], [sflag:$0x1], $0x80, s3, s13, $0xb8;
	[tilespmem:$0x16880] =	vst v63  }
0x2b: {  	_ =	swait.ge [sflag:s11], $0x2800  }
0x2c: {  	s17 =	smov.u32 s19;
	s15 =	sadd.s32 $0x500, s15;
	[sflag:s11] =	ssyncset.done $0x0  }
0x2d: {  	s16 =	sadd.s32 s16, s9;
	[sflag:s11] =	ssyncadd.s32 $0xFFFFD800  }
0x2e: {  	[tilespmem:s3], [sflag:$0x1] =	stream.linear.gather [hbm4b:s16+s3], $0x50, $0x38;
	[tilespmem:$0x16880] =	vst v63  }
0x2f: {  	_ =	swait.ge [sflag:s11], $0x50  }
0x30: {  	[sflag:s11] =	ssyncset.done $0x0  }
0x31: {  	[sflag:s11] =	ssyncadd.s32 $0xFFFFFFB0  }
0x32: {  	[tilespmem:s12], [sflag:$0x1] =	stream.linear.gather [hbm4b:s15+s3], $0x2800, $0x38;
	[tilespmem:$0x16880] =	vst v63  }
0x33: {  	_ =	swait.ge [sflag:s11], $0x2800  }
0x34: {  	[sflag:s11] =	ssyncset.done $0x0  }
0x35: {  	[sflag:s11] =	ssyncadd.s32 $0xFFFFD800  }
0x36: {  	[spmem:s2] =	stream.indirect.scatter.add.f32 [tilespmem:s12], [sflag:$0x1], $0x80, s3, s13, $0xb8;
	[tilespmem:$0x16880] =	vst v63  }
0x37: {  	_ =	swait.ge [sflag:s11], $0x2800  }
0x38: {  	s14 =	sadd.s32 $0x1, s14;
	[sflag:s11] =	ssyncset.done $0x0  }
0x39: {  	p0 =	sne.s32 s14, s7;
	[sflag:s11] =	ssyncadd.s32 $0xFFFFD800  }
.Ltmp1:
0x3a: {  	[bflag:$0x0] =	sbarrier.arrive $0xFFFF;
	(pc) =	sbr.rel @p0 .LBB2_1-.Ltmp1, $4  }
0x3b: {  	[hbm:s6], [sflag:s5] =	dma.local [spmem:s10], $0x2800  }
0x3c: {  	_ =	swait.ge [sflag:s11], $0x2800  }
0x3d: {  	[sflag:s11] =	ssyncset.done $0x0  }
0x3e: {  	[sflag:s11] =	ssyncadd.s32 $0xFFFFD800  }
0x3f: {  	_ =	sfence.sel $0x180000  }
0x40: {  	[bflag:$0x0] =	sbarrier.arrive $0xFFFF  }
0x41: {  	p0 =	sne.s32 s0, $0x0;
	_ =	strace $0x9000004A  }
0x42: {  	s0 =	sadd.s32 @!p0 $0x100000, s1;
	[bflag:$0x2] =	sbarrier.arrive $0xFFFF  }
0x43: {  	[sflag:s0] =	ssyncadd.tile.s32 @!p0 $0x1;
	_ =	shalt  }
.Lfunc_end2:
_tile_overlayer_lowered:
.L_overlay_start_2:
0x44: {  	(tag) =	ssettag $0x2  }
0x45: {  	s0 =	rddreg [dreg:$0x0];
	s2 =	stileid.u32  }
0x46: {  	s1 =	rddreg [dreg:$0x1];
	p0 =	sne.s32 s2, $0x0  }
0x47: {  	s3 =	rddreg [dreg:$0x2];
	[bflag:$0x3] =	sbarrier.arrive $0xFFFF;
	s2 =	simm.s32 @!p0 $0x1C01  }
0x48: {  	[timem:s3], [sflag:s2] =	dma.local @!p0 [hbm:s0], s1  }
0x49: {  	s0 =	simm.s32 @!p0 $0x1  }
0x4a: {  	_ =	swait.ge @!p0 [sflag:s0], s1  }
0x4b: {  	s1 =	ssub.s32 @!p0 $0x0, s1;
	[sflag:s0] =	ssyncset.done @!p0 $0x0  }
0x4c: {  	[sflag:s0] =	ssyncadd.s32 @!p0 s1  }
0x4d: {  	[bflag:$0x3] =	sbarrier.arrive $0xFFFF  }
0x4e: {  	_ =	shalt  }

// kernel: kernel.23.cloned.1.call-start
scs
__scs_entry_jumppad:
0x0: {  	(pc) =	sbr.rel $0x88, $3  }
0x1: {  	(tag) =	ssettag $0x0;
	lr =	simm.s32 $0x1  }
0x2: {  	[smem:$0x3F80] =	sst lr;
	_ =	strace $0xD0000000  }
0x3: {  	_ = 	snop  }
0x4: {  	_ = 	snop  }
0x5: {  	_ = 	snop  }
0x6: {  	_ = 	snop  }
0x7: {  	_ = 	snop  }
__scs_overlays_trampoline_lowered:
0x8: {  	[smem:$0x3F8F] =	sst s0  }
0x9: {  	[smem:$0x3F90] =	sst s1  }
0xa: {  	[smem:$0x3F91] =	sst s2  }
0xb: {  	[smem:$0x3F92] =	sst s3  }
0xc: {  	[smem:$0x3F93] =	sst s4  }
0xd: {  	[smem:$0x3F94] =	sst s5  }
0xe: {  	[smem:$0x3F95] =	sst s6  }
0xf: {  	[smem:$0x3F96] =	sst s7  }
0x10: {  	[smem:$0x3F97] =	sst s8  }
0x11: {  	[smem:$0x3F98] =	sst s9;
	s0 =	simm.s32 @!p0 $0x0  }
0x12: {  	s1 =	sld [smem:$0x3F7E];
	s0 =	simm.s32 @p0 $0x1  }
0x13: {  	[smem:$0x3F99] =	sst s0;
	s0 =	simm.s32 @!p1 $0x0  }
0x14: {  	s2 =	sld [smem:$0x3F7D];
	s0 =	simm.s32 @p1 $0x1  }
0x15: {  	[smem:$0x3F9A] =	sst s0;
	s0 =	simm.s32 @!p2 $0x0  }
0x16: {  	s3 =	sld [smem:$0x3FDB];
	s0 =	simm.s32 @p2 $0x1  }
0x17: {  	s4 =	simm.s32 $0x1BF5;
	[smem:$0x3F9C] =	sst s0  }
0x18: {  	s0 =	sld [smem:$0x3F7F];
	_ =	swait.ge [sflag:s4], $0x0  }
0x19: {  	s7 =	sld [smem:$0x3F80]  }
0x1a: {  	s8 =	sadd.s32 $0xFFFFE003, lr  }
0x1b: {  	s9 =	sadd.s32 $0xFFFFFEF7, lr;
	s5 =	simm.s32 $0xFFFFFFFF;
	p2 =	slt.u32 s8, $0xFFFFF086  }
0x1c: {  	p1 =	slt.u32 s9, $0xF7A;
	s5 =	simm.s32 @!p2 $0x0  }
0x1d: {  	s5 =	simm.s32 @p1 $0x1;
	p0 =	seq.s32 s7, s2  }
0x1e: {  	s7 =	smul.u32 @!p0 $0xF7A, s2;
	p2 =	seq.s32 @!p0 s5, $0x0  }
0x1f: {  	s9 =	smul.u32 $0xF7A, s1;
	s8 =	simm.s32 @!p0 $0x1BF5;
	p2 =	por !p2, p0  }
0x20: {  	[sflag:s8] =	ssyncset.s32 @!p0 $0xFFFFF086;
	s6 =	sadd.s32 @!p0 s3, s7;
	s7 =	simm.s32 @!p0 $0x108  }
0x21: {  	s3 =	sadd.s32 s3, s9;
	s6 =	sadd.s32 @!p0 $0x88, s6;
	s7 =	simm.s32 @p2 $0x1082  }
0x22: {  	[simem:s7], [sflag:s8] =	dma.local @!p0 [hbm:s6], $0xF7A  }
0x23: {  	s9 =	sor.u32 $0xD0000000, s2;
	s6 =	simm.s32 $0x108;
	_ =	swait.ge @!p0 [sflag:s8], $0x0  }
0x24: {  	s3 =	sadd.s32 $0x88, s3;
	s6 =	simm.s32 @!p1 $0x1082;
	[sflag:s4] =	ssyncset.s32 $0xFFFFF086  }
0x25: {  	[simem:s6], [sflag:s4] =	dma.local [hbm:s3], $0xF7A  }
0x26: {  	[smem:$0x3F80] =	sst s1;
	(tag) =	ssettag s2;
	_ =	strace s9  }
0x27: {  	s1 =	sld [smem:$0x3F90]  }
0x28: {  	s2 =	sld [smem:$0x3F91]  }
0x29: {  	s4 =	sld [smem:$0x3F93]  }
0x2a: {  	p0 =	seq.s32 s5, $0x0;
	s5 =	sld [smem:$0x3F94]  }
0x2b: {  	s6 =	sld [smem:$0x3F95]  }
0x2c: {  	s7 =	sld [smem:$0x3F96]  }
0x2d: {  	s3 =	simm.s32 $0x108;
	s8 =	sld [smem:$0x3F97]  }
0x2e: {  	s3 =	simm.s32 @!p0 $0x1082;
	s9 =	sld [smem:$0x3F98]  }
0x2f: {  	lr =	sadd.s32 s0, s3;
	s0 =	sld [smem:$0x3F8F]  }
0x30: {  	s3 =	sld [smem:$0x3F92]  }
0x31: {  	[smem:$0x3F9B] =	sst s10  }
0x32: {  	s10 =	sld [smem:$0x3F99];
	_ =	sdelay $0x3  }
0x33: {  	p0 =	seq.s32 s10, $0x1;
	s10 =	sld [smem:$0x3F9B];
	_ =	sdelay $0x3  }
0x34: {  	[smem:$0x3F9B] =	sst s10  }
0x35: {  	s10 =	sld [smem:$0x3F9A];
	_ =	sdelay $0x3  }
0x36: {  	p1 =	seq.s32 s10, $0x1;
	s10 =	sld [smem:$0x3F9B];
	_ =	sdelay $0x3  }
0x37: {  	[smem:$0x3F9B] =	sst s10  }
0x38: {  	s10 =	sld [smem:$0x3F9C]  }
0x39: {  	_ = 	snop;
	(pc) =	sbr.ind lr, $3  }
0x3a: {  	_ = 	snop  }
0x3b: {  	_ = 	snop  }
0x3c: {  	p2 =	seq.s32 s10, $0x1;
	s10 =	sld [smem:$0x3F9B]  }
0x3d: {  	_ =	shalt  }
0x3e: {  	_ =	shalt  }
0x3f: {  	_ =	shalt  }
0x40: {  	_ =	shalt  }
0x41: {  	_ =	shalt  }
0x42: {  	_ =	shalt  }
0x43: {  	_ =	shalt  }
0x44: {  	_ =	shalt  }
0x45: {  	_ =	shalt  }
0x46: {  	_ =	shalt  }
0x47: {  	_ =	shalt  }
0x48: {  	_ =	shalt  }
0x49: {  	_ =	shalt  }
0x4a: {  	_ =	shalt  }
0x4b: {  	_ =	shalt  }
0x4c: {  	_ =	shalt  }
0x4d: {  	_ =	shalt  }
0x4e: {  	_ =	shalt  }
0x4f: {  	_ =	shalt  }
0x50: {  	_ =	shalt  }
0x51: {  	_ =	shalt  }
0x52: {  	_ =	shalt  }
0x53: {  	_ =	shalt  }
0x54: {  	_ =	shalt  }
0x55: {  	_ =	shalt  }
0x56: {  	_ =	shalt  }
0x57: {  	_ =	shalt  }
0x58: {  	_ =	shalt  }
0x59: {  	_ =	shalt  }
0x5a: {  	_ =	shalt  }
0x5b: {  	_ =	shalt  }
0x5c: {  	_ =	shalt  }
0x5d: {  	_ =	shalt  }
0x5e: {  	_ =	shalt  }
0x5f: {  	_ =	shalt  }
0x60: {  	_ =	shalt  }
0x61: {  	_ =	shalt  }
0x62: {  	_ =	shalt  }
0x63: {  	_ =	shalt  }
0x64: {  	_ =	shalt  }
0x65: {  	_ =	shalt  }
0x66: {  	_ =	shalt  }
0x67: {  	_ =	shalt  }
0x68: {  	_ =	shalt  }
0x69: {  	_ =	shalt  }
0x6a: {  	_ =	shalt  }
0x6b: {  	_ =	shalt  }
0x6c: {  	_ =	shalt  }
0x6d: {  	_ =	shalt  }
0x6e: {  	_ =	shalt  }
0x6f: {  	_ =	shalt  }
0x70: {  	_ =	shalt  }
0x71: {  	_ =	shalt  }
0x72: {  	_ =	shalt  }
0x73: {  	_ =	shalt  }
0x74: {  	_ =	shalt  }
0x75: {  	_ =	shalt  }
0x76: {  	_ =	shalt  }
0x77: {  	_ =	shalt  }
0x78: {  	_ =	shalt  }
0x79: {  	_ =	shalt  }
0x7a: {  	_ =	shalt  }
0x7b: {  	_ =	shalt  }
0x7c: {  	_ =	shalt  }
0x7d: {  	_ =	shalt  }
0x7e: {  	_ =	shalt  }
0x7f: {  	_ =	shalt  }
0x80: {  	_ =	shalt  }
0x81: {  	_ =	shalt  }
0x82: {  	_ =	shalt  }
0x83: {  	_ =	shalt  }
0x84: {  	_ =	shalt  }
0x85: {  	_ =	shalt  }
0x86: {  	_ =	shalt  }
0x87: {  	_ =	shalt  }
.Lfunc_end0:
.L_simem_size_0:
called_computation.2_lowered:
.L_overlay_start_0:
0x88: {  	s2 =	sld [smem:$0x3FD9]  }
0x89: {  	s3 =	sld [smem:$0x3FFE];
	_ =	sdelay $0x1  }
0x8a: {  	s1 =	srdreg.scid  }
0x8b: {  	s0 =	sand.u32 $0x1, s1  }
0x8c: {  	s17 =	sshll.u32 s0, $0xA;
	s2 =	sadd.s32 s3, s2  }
0x8d: {  	s2 =	sadd.s32 s2, s17  }
0x8e: {  	[smem:$0x3FA7] =	sst s2  }
0x8f: {  	_ = 	snop  }
0x90: {  	s2 =	sld [smem:$0x3FD0];
	(tm) =	ssettm $0x1  }
0x91: {  	s18 =	sld [smem:$0x3FFB];
	_ =	sdelay $0x3  }
0x92: {  	_ =	strace s18  }
0x93: {  	s3 =	sld [smem:$0x3FFC];
	_ =	sdelay $0x3  }
0x94: {  	_ =	strace s3  }
0x95: {  	s3 =	sld [smem:$0x3FFD];
	_ =	sdelay $0x3  }
0x96: {  	_ =	strace s3  }
0x97: {  	_ =	strace $0x8FFFFFFF  }
0x98: {  	s19 =	sld [smem:$0x3FDB];
	_ =	sdelay $0x1  }
0x99: {  	s4 =	simm.s32 $_scs_section_size  }
0x9a: {  	s5 =	simm.s32 $_size__tile_overlayer_lowered;
	s6 =	simm.s32 $_tile_overlayer_lowered  }
0x9b: {  	s22 =	simm.s32 $0x1BFF;
	s21 =	sshll.u32 s6, $0x1;
	s3 =	sadd.s32 s4, s19  }
0x9c: {  	s7 =	simm.s32 $0x0;
	s20 =	sshll.u32 s5, $0x1;
	s5 =	sadd.s32 s21, s3  }
0x9d: {  	[timem:s7], [sflag:s22] =	dma.local [hbm:s5], s20  }
0x9e: {  	_ =	swait.ge [sflag:s22], s20  }
0x9f: {  	s4 =	ssub.s32 $0x0, s20;
	[sflag:s22] =	ssyncset.done $0x0  }
0xa0: {  	[sflag:s22] =	ssyncadd.s32 s4;
	_ =	sdelay $0x1  }
0xa1: {  	s23 =	simm.s32 $0x1B8B  }
0xa2: {  	_ =	swait.ge [sflag:s23], $0x1  }
0xa3: {  	[sflag:s23] =	ssyncset.done $0x0  }
0xa4: {  	s25 =	simm.s32 $0x1B8E;
	s24 =	sld [smem:$0x3FFE];
	[sflag:s23] =	ssyncadd.s32 $0xFFFFFFFF  }
0xa5: {  	s26 =	simm.s32 $execute0_lowered;
	[smem:$0x3FD2] =	sst s25  }
0xa6: {  	s5 =	sshll.u32 s26, $0x1;
	_ =	strace $0x8000004C;
	[dreg:$0x1] =	wrdreg $0xFFFFFFFF  }
0xa7: {  	s28 =	simm.s32 $_size_execute0_lowered;
	s3 =	sadd.s32 s3, s5;
	[dreg:$0x0] =	wrdreg $0x0  }
0xa8: {  	s5 =	sshll.u32 s28, $0x1;
	[dreg:$0x2] =	wrdreg s3  }
0xa9: {  	[dreg:$0x3] =	wrdreg s5  }
0xaa: {  	[dreg:$0x4] =	wrdreg $0xC0  }
0xab: {  	_ =	task [dreg:s7], $0x5FFFF  }
0xac: {  	[dreg:$0x1] =	wrdreg $0xFFFFFFFF  }
0xad: {  	[dreg:$0x0] =	wrdreg $0x60  }
0xae: {  	[dreg:$0x2] =	wrdreg s2  }
0xaf: {  	[dreg:$0x3] =	wrdreg s24  }
0xb0: {  	[dreg:$0x4] =	wrdreg $0x9  }
0xb1: {  	_ =	task.clear_ibuf [dreg:s7], $0x5FFFF;
	_ =	strace $0x9000004C  }
0xb2: {  	s29 =	simm.s32 $0x9;
	_ =	strace $0x8000004E  }
0xb3: {  	_ =	swait.ge [sflag:s29], $0x1  }
0xb4: {  	[sflag:s29] =	ssyncadd.s32 $0xFFFFFFFF  }
0xb5: {  	_ =	strace $0x9000004E  }
0xb6: {  	_ =	sfence  }
0xb7: {  	s30 =	sld [smem:$0x0];
	_ =	sdelay $0x2  }
0xb8: {  	s31 =	sshll.u32 s1, $0xD;
	s1 =	sshrl.u32 s1, $0x2  }
0xb9: {  	s3 =	sand.u32 $0x4000, s31;
	s1 =	sadd.s32 s1, s30  }
0xba: {  	s0 =	sor.u32 s3, s0;
	s1 =	sshll.u32 s1, $0x11  }
0xbb: {  	s0 =	sor.u32 s1, s0  }
0xbc: {  	s0 =	sadd.s32 $0x8F2B, s0  }
0xbd: {  	[sflag:s0] =	ssyncadd.remote.s32 $0x1  }
0xbe: {  	_ =	sfence.sel $0xFFFF  }
0xbf: {  	[dreg:$0x0] =	wrdreg $0xFFFFFFFF;
	(pc) =	sbr.abs _section_cstart, $3  }
0xc0: {  	[dreg:$0x1] =	wrdreg $0xFFFFFFFF  }
0xc1: {  	_ =	task.clear_ibuf [dreg:s7], $0x2FFFF;
	_ =	strace $0x9FFFFFFF  }
0xc2: {  	(tm) =	ssettm $0x7FFFFFFF  }
0xc3: {  	_ =	shalt  }
tec
execute0_lowered:
.L_overlay_start_1:
0x0: {  	(tag) =	ssettag $0x1  }
0x1: {  	s2 =	rddreg [dreg:$0x0]  }
0x2: {  	s4 =	rddreg [dreg:$0x1]  }
0x3: {  	s0 =	rddreg [dreg:$0x2];
	s5 =	srdreg.scid  }
0x4: {  	s1 =	stileid.u32;
	s3 =	simm.s32 $0x0;
	s10 =	simm.s32 $0x80  }
0x5: {  	s11 =	simm.s32 $0x50;
	s12 =	simm.s32 $0x100;
	s13 =	simm.s32 $0x2900  }
0x6: {  	s14 =	simm.s32 $0x1;
	s15 =	simm.s32 $0x2;
	s6 =	smul.u32 $0x4E20, s1  }
0x7: {  	s16 =	simm.s32 $0x0;
	s5 =	sand.u32 $0x1, s5;
	s8 =	smul.u32 $0x4E200, s1  }
0x8: {  	[smem:$0x7FF] =	sst s3;
	s7 =	smul.u32 $0x2710, s5;
	s9 =	ssub.s32 $0x2, s5  }
0x9: {  	_ =	strace $0x8000004D;
	s5 =	smul.u32 $0x27100, s5;
	s29 =	sshrl.u32 s9, $0x1  }
0xa: {  	s8 =	sadd.s32 s8, s4;
	s6 =	sadd.s32 s7, s6;
	s7 =	ssub.s32 s9, s29  }
0xb: {  	s31 =	sadd.s32 s5, s8;
	s9 =	simm.s32 $0x3;
	s6 =	sshrl.u32 s6, $0x3  }
0xc: {  	s5 =	sadd.s32 $0x46C00, s31;
	s30 =	sadd.s32 s6, s4;
	s4 =	smax.u32 s7, $0x1  }
0xd: {  	s6 =	sadd.s32 $0x528C00, s31;
	s7 =	sadd.s32 $0xB000, s30;
	s8 =	sadd.s32 $0x14E00, s30  }
.LBB2_1:
0xe: {  	s17 =	sadd.s32 $0x0, s8  }
0xf: {  	[tilespmem:s3], [sflag:$0x3] =	stream.linear.gather [hbm4b:s17+s3], $0x50, $0x38;
	[tilespmem:$0x5100] =	vst v63  }
0x10: {  	_ =	swait.ge [sflag:s9], $0x50  }
0x11: {  	[sflag:s9] =	ssyncset.done $0x0  }
0x12: {  	s31 =	sadd.s32 $0x0, s7;
	[sflag:s9] =	ssyncadd.s32 $0xFFFFFFB0  }
0x13: {  	[tilespmem:s10], [sflag:$0x3] =	stream.linear.gather [hbm4b:s31+s3], $0x50, $0x38;
	[tilespmem:$0x5100] =	vst v63  }
0x14: {  	_ =	swait.ge [sflag:s9], $0x50  }
0x15: {  	[sflag:s9] =	ssyncset.done $0x0  }
0x16: {  	[sflag:s9] =	ssyncadd.s32 $0xFFFFFFB0  }
0x17: {  	[tilespmem:s12], [sflag:$0x1] =	stream.indirect.gather [hbm4b:s2+s11], $0x80, s3, s11, $0xb8;
	[tilespmem:$0x5100] =	vst v63  }
0x18: {  	_ = 	snop  }
0x19: {  	[tilespmem:s13], [sflag:$0x2] =	stream.indirect.gather [hbm4b:s2+s11], $0x80, s10, s11, $0xb8;
	[tilespmem:$0x5100] =	vst v63  }
0x1a: {  	_ =	swait.ge [sflag:s14], $0x2800  }
0x1b: {  	[sflag:s14] =	ssyncset.done $0x0  }
0x1c: {  	[sflag:s14] =	ssyncadd.s32 $0xFFFFD800  }
0x1d: {  	_ =	swait.ge [sflag:s15], $0x2800  }
0x1e: {  	[sflag:s15] =	ssyncset.done $0x0  }
0x1f: {  	[sflag:s15] =	ssyncadd.s32 $0xFFFFD800  }
0x20: {  	[hbm4b:s5+s3] =	stream.linear.scatter [tilespmem:s12], [sflag:$0x3], $0x2800, $0x38;
	[tilespmem:$0x5100] =	vst v63  }
0x21: {  	_ =	swait.ge [sflag:s9], $0x2800  }
0x22: {  	[sflag:s9] =	ssyncset.done $0x0  }
0x23: {  	[sflag:s9] =	ssyncadd.s32 $0xFFFFD800  }
0x24: {  	[hbm4b:s6+s3] =	stream.linear.scatter [tilespmem:s13], [sflag:$0x3], $0x2800, $0x38;
	[tilespmem:$0x5100] =	vst v63  }
0x25: {  	s19 =	simm.s32 $0xA;
	s20 =	simm.s32 $0x14;
	_ =	swait.ge [sflag:s9], $0x2800  }
0x26: {  	s18 =	sadd.s32 $0x500, s5;
	s17 =	sadd.s32 $0x500, s6;
	[sflag:s9] =	ssyncset.done $0x0  }
.LBB2_2:
0x27: {  	s21 =	sadd.s32 s19, s8  }
0x28: {  	[sflag:s9] =	ssyncadd.s32 $0xFFFFD800;
	s22 =	smov.u32 s20;
	s23 =	sadd.s32 $0xA, s20  }
0x29: {  	[tilespmem:s3], [sflag:$0x3] =	stream.linear.gather [hbm4b:s21+s3], $0x50, $0x38;
	[tilespmem:$0x5100] =	vst v63  }
0x2a: {  	p0 =	sne.s32 s20, $0x4D8;
	_ =	swait.ge [sflag:s9], $0x50  }
0x2b: {  	[sflag:s9] =	ssyncset.done $0x0  }
0x2c: {  	s20 =	sadd.s32 s19, s7;
	s19 =	smov.u32 s22;
	[sflag:s9] =	ssyncadd.s32 $0xFFFFFFB0  }
0x2d: {  	[tilespmem:s10], [sflag:$0x3] =	stream.linear.gather [hbm4b:s20+s3], $0x50, $0x38;
	[tilespmem:$0x5100] =	vst v63  }
0x2e: {  	_ =	swait.ge [sflag:s9], $0x50  }
0x2f: {  	[sflag:s9] =	ssyncset.done $0x0  }
0x30: {  	[sflag:s9] =	ssyncadd.s32 $0xFFFFFFB0  }
0x31: {  	[tilespmem:s12], [sflag:$0x1] =	stream.indirect.gather [hbm4b:s2+s11], $0x80, s3, s11, $0xb8;
	[tilespmem:$0x5100] =	vst v63  }
0x32: {  	_ = 	snop  }
0x33: {  	[tilespmem:s13], [sflag:$0x2] =	stream.indirect.gather [hbm4b:s2+s11], $0x80, s10, s11, $0xb8;
	[tilespmem:$0x5100] =	vst v63  }
0x34: {  	_ =	swait.ge [sflag:s14], $0x2800  }
0x35: {  	[sflag:s14] =	ssyncset.done $0x0  }
0x36: {  	[sflag:s14] =	ssyncadd.s32 $0xFFFFD800  }
0x37: {  	_ =	swait.ge [sflag:s15], $0x2800  }
0x38: {  	[sflag:s15] =	ssyncset.done $0x0  }
0x39: {  	[sflag:s15] =	ssyncadd.s32 $0xFFFFD800  }
0x3a: {  	[hbm4b:s18+s3] =	stream.linear.scatter [tilespmem:s12], [sflag:$0x3], $0x2800, $0x38;
	[tilespmem:$0x5100] =	vst v63  }
0x3b: {  	_ =	swait.ge [sflag:s9], $0x2800  }
.Ltmp0:
0x3c: {  	[sflag:s9] =	ssyncset.done $0x0;
	(pc) =	sbr.rel @p0 .LBB2_2-.Ltmp0, $4  }
0x3d: {  	[sflag:s9] =	ssyncadd.s32 $0xFFFFD800  }
0x3e: {  	[hbm4b:s17+s3] =	stream.linear.scatter [tilespmem:s13], [sflag:$0x3], $0x2800, $0x38;
	[tilespmem:$0x5100] =	vst v63  }
0x3f: {  	s20 =	smov.u32 s23;
	_ =	swait.ge [sflag:s9], $0x2800  }
0x40: {  	s18 =	sadd.s32 $0x500, s18;
	s17 =	sadd.s32 $0x500, s17;
	[sflag:s9] =	ssyncset.done $0x0  }
0x41: {  	s20 =	sadd.s32 s19, s8;
	[sflag:s9] =	ssyncadd.s32 $0xFFFFD800  }
0x42: {  	[tilespmem:s3], [sflag:$0x3] =	stream.linear.gather [hbm4b:s20+s3], $0x50, $0x38;
	[tilespmem:$0x5100] =	vst v63  }
0x43: {  	_ =	swait.ge [sflag:s9], $0x50  }
0x44: {  	[sflag:s9] =	ssyncset.done $0x0  }
0x45: {  	s31 =	sadd.s32 s19, s7;
	[sflag:s9] =	ssyncadd.s32 $0xFFFFFFB0  }
0x46: {  	[tilespmem:s10], [sflag:$0x3] =	stream.linear.gather [hbm4b:s31+s3], $0x50, $0x38;
	[tilespmem:$0x5100] =	vst v63  }
0x47: {  	_ =	swait.ge [sflag:s9], $0x50  }
0x48: {  	[sflag:s9] =	ssyncset.done $0x0  }
0x49: {  	[sflag:s9] =	ssyncadd.s32 $0xFFFFFFB0  }
0x4a: {  	[tilespmem:s12], [sflag:$0x1] =	stream.indirect.gather [hbm4b:s2+s11], $0x80, s3, s11, $0xb8;
	[tilespmem:$0x5100] =	vst v63  }
0x4b: {  	_ = 	snop  }
0x4c: {  	[tilespmem:s13], [sflag:$0x2] =	stream.indirect.gather [hbm4b:s2+s11], $0x80, s10, s11, $0xb8;
	[tilespmem:$0x5100] =	vst v63  }
0x4d: {  	_ =	swait.ge [sflag:s14], $0x2800  }
0x4e: {  	[sflag:s14] =	ssyncset.done $0x0  }
0x4f: {  	[sflag:s14] =	ssyncadd.s32 $0xFFFFD800  }
0x50: {  	_ =	swait.ge [sflag:s15], $0x2800  }
0x51: {  	[sflag:s15] =	ssyncset.done $0x0  }
0x52: {  	[sflag:s15] =	ssyncadd.s32 $0xFFFFD800  }
0x53: {  	[hbm4b:s18+s3] =	stream.linear.scatter [tilespmem:s12], [sflag:$0x3], $0x2800, $0x38;
	[tilespmem:$0x5100] =	vst v63  }
0x54: {  	s16 =	sadd.s32 $0x1, s16;
	_ =	swait.ge [sflag:s9], $0x2800  }
0x55: {  	p0 =	sne.s32 s16, s4;
	[sflag:s9] =	ssyncset.done $0x0  }
.Ltmp1:
0x56: {  	[sflag:s9] =	ssyncadd.s32 $0xFFFFD800;
	(pc) =	sbr.rel @p0 .LBB2_1-.Ltmp1, $4  }
0x57: {  	[hbm4b:s17+s3] =	stream.linear.scatter [tilespmem:s13], [sflag:$0x3], $0x2800, $0x38;
	[tilespmem:$0x5100] =	vst v63  }
0x58: {  	_ =	swait.ge [sflag:s9], $0x2800  }
0x59: {  	[sflag:s9] =	ssyncset.done $0x0  }
0x5a: {  	[sflag:s9] =	ssyncadd.s32 $0xFFFFD800  }
0x5b: {  	_ =	sfence.sel $0x180000  }
0x5c: {  	[bflag:$0x0] =	sbarrier.arrive $0xFFFF  }
0x5d: {  	p0 =	sne.s32 s1, $0x0;
	_ =	strace $0x9000004D  }
0x5e: {  	s0 =	sadd.s32 @!p0 $0x100000, s0;
	[bflag:$0x2] =	sbarrier.arrive $0xFFFF  }
0x5f: {  	[sflag:s0] =	ssyncadd.tile.s32 @!p0 $0x1;
	_ =	shalt  }
.Lfunc_end2:
_tile_overlayer_lowered:
.L_overlay_start_2:
0x60: {  	(tag) =	ssettag $0x2  }
0x61: {  	s0 =	rddreg [dreg:$0x0];
	s2 =	stileid.u32  }
0x62: {  	s1 =	rddreg [dreg:$0x1];
	p0 =	sne.s32 s2, $0x0  }
0x63: {  	s3 =	rddreg [dreg:$0x2];
	[bflag:$0x3] =	sbarrier.arrive $0xFFFF;
	s2 =	simm.s32 @!p0 $0x1C03  }
0x64: {  	[timem:s3], [sflag:s2] =	dma.local @!p0 [hbm:s0], s1  }
0x65: {  	s0 =	simm.s32 @!p0 $0x3  }
0x66: {  	_ =	swait.ge @!p0 [sflag:s0], s1  }
0x67: {  	s1 =	ssub.s32 @!p0 $0x0, s1;
	[sflag:s0] =	ssyncset.done @!p0 $0x0  }
0x68: {  	[sflag:s0] =	ssyncadd.s32 @!p0 s1  }
0x69: {  	[bflag:$0x3] =	sbarrier.arrive $0xFFFF  }
0x6a: {  	_ =	shalt  }

// kernel: kernel.26.cloned.1.call-start
scs
__scs_entry_jumppad:
0x0: {  	(pc) =	sbr.rel $0x88, $3  }
0x1: {  	(tag) =	ssettag $0x0;
	lr =	simm.s32 $0x1  }
0x2: {  	[smem:$0x3F80] =	sst lr;
	_ =	strace $0xD0000000  }
0x3: {  	_ = 	snop  }
0x4: {  	_ = 	snop  }
0x5: {  	_ = 	snop  }
0x6: {  	_ = 	snop  }
0x7: {  	_ = 	snop  }
__scs_overlays_trampoline_lowered:
0x8: {  	[smem:$0x3F8F] =	sst s0  }
0x9: {  	[smem:$0x3F90] =	sst s1  }
0xa: {  	[smem:$0x3F91] =	sst s2  }
0xb: {  	[smem:$0x3F92] =	sst s3  }
0xc: {  	[smem:$0x3F93] =	sst s4  }
0xd: {  	[smem:$0x3F94] =	sst s5  }
0xe: {  	[smem:$0x3F95] =	sst s6  }
0xf: {  	[smem:$0x3F96] =	sst s7  }
0x10: {  	[smem:$0x3F97] =	sst s8  }
0x11: {  	[smem:$0x3F98] =	sst s9;
	s0 =	simm.s32 @!p0 $0x0  }
0x12: {  	s1 =	sld [smem:$0x3F7E];
	s0 =	simm.s32 @p0 $0x1  }
0x13: {  	[smem:$0x3F99] =	sst s0;
	s0 =	simm.s32 @!p1 $0x0  }
0x14: {  	s2 =	sld [smem:$0x3F7D];
	s0 =	simm.s32 @p1 $0x1  }
0x15: {  	[smem:$0x3F9A] =	sst s0;
	s0 =	simm.s32 @!p2 $0x0  }
0x16: {  	s3 =	sld [smem:$0x3FDB];
	s0 =	simm.s32 @p2 $0x1  }
0x17: {  	s4 =	simm.s32 $0x1BF5;
	[smem:$0x3F9C] =	sst s0  }
0x18: {  	s0 =	sld [smem:$0x3F7F];
	_ =	swait.ge [sflag:s4], $0x0  }
0x19: {  	s7 =	sld [smem:$0x3F80]  }
0x1a: {  	s8 =	sadd.s32 $0xFFFFE003, lr  }
0x1b: {  	s9 =	sadd.s32 $0xFFFFFEF7, lr;
	s5 =	simm.s32 $0xFFFFFFFF;
	p2 =	slt.u32 s8, $0xFFFFF086  }
0x1c: {  	p1 =	slt.u32 s9, $0xF7A;
	s5 =	simm.s32 @!p2 $0x0  }
0x1d: {  	s5 =	simm.s32 @p1 $0x1;
	p0 =	seq.s32 s7, s2  }
0x1e: {  	s7 =	smul.u32 @!p0 $0xF7A, s2;
	p2 =	seq.s32 @!p0 s5, $0x0  }
0x1f: {  	s9 =	smul.u32 $0xF7A, s1;
	s8 =	simm.s32 @!p0 $0x1BF5;
	p2 =	por !p2, p0  }
0x20: {  	[sflag:s8] =	ssyncset.s32 @!p0 $0xFFFFF086;
	s6 =	sadd.s32 @!p0 s3, s7;
	s7 =	simm.s32 @!p0 $0x108  }
0x21: {  	s3 =	sadd.s32 s3, s9;
	s6 =	sadd.s32 @!p0 $0x88, s6;
	s7 =	simm.s32 @p2 $0x1082  }
0x22: {  	[simem:s7], [sflag:s8] =	dma.local @!p0 [hbm:s6], $0xF7A  }
0x23: {  	s9 =	sor.u32 $0xD0000000, s2;
	s6 =	simm.s32 $0x108;
	_ =	swait.ge @!p0 [sflag:s8], $0x0  }
0x24: {  	s3 =	sadd.s32 $0x88, s3;
	s6 =	simm.s32 @!p1 $0x1082;
	[sflag:s4] =	ssyncset.s32 $0xFFFFF086  }
0x25: {  	[simem:s6], [sflag:s4] =	dma.local [hbm:s3], $0xF7A  }
0x26: {  	[smem:$0x3F80] =	sst s1;
	(tag) =	ssettag s2;
	_ =	strace s9  }
0x27: {  	s1 =	sld [smem:$0x3F90]  }
0x28: {  	s2 =	sld [smem:$0x3F91]  }
0x29: {  	s4 =	sld [smem:$0x3F93]  }
0x2a: {  	p0 =	seq.s32 s5, $0x0;
	s5 =	sld [smem:$0x3F94]  }
0x2b: {  	s6 =	sld [smem:$0x3F95]  }
0x2c: {  	s7 =	sld [smem:$0x3F96]  }
0x2d: {  	s3 =	simm.s32 $0x108;
	s8 =	sld [smem:$0x3F97]  }
0x2e: {  	s3 =	simm.s32 @!p0 $0x1082;
	s9 =	sld [smem:$0x3F98]  }
0x2f: {  	lr =	sadd.s32 s0, s3;
	s0 =	sld [smem:$0x3F8F]  }
0x30: {  	s3 =	sld [smem:$0x3F92]  }
0x31: {  	[smem:$0x3F9B] =	sst s10  }
0x32: {  	s10 =	sld [smem:$0x3F99];
	_ =	sdelay $0x3  }
0x33: {  	p0 =	seq.s32 s10, $0x1;
	s10 =	sld [smem:$0x3F9B];
	_ =	sdelay $0x3  }
0x34: {  	[smem:$0x3F9B] =	sst s10  }
0x35: {  	s10 =	sld [smem:$0x3F9A];
	_ =	sdelay $0x3  }
0x36: {  	p1 =	seq.s32 s10, $0x1;
	s10 =	sld [smem:$0x3F9B];
	_ =	sdelay $0x3  }
0x37: {  	[smem:$0x3F9B] =	sst s10  }
0x38: {  	s10 =	sld [smem:$0x3F9C]  }
0x39: {  	_ = 	snop;
	(pc) =	sbr.ind lr, $3  }
0x3a: {  	_ = 	snop  }
0x3b: {  	_ = 	snop  }
0x3c: {  	p2 =	seq.s32 s10, $0x1;
	s10 =	sld [smem:$0x3F9B]  }
0x3d: {  	_ =	shalt  }
0x3e: {  	_ =	shalt  }
0x3f: {  	_ =	shalt  }
0x40: {  	_ =	shalt  }
0x41: {  	_ =	shalt  }
0x42: {  	_ =	shalt  }
0x43: {  	_ =	shalt  }
0x44: {  	_ =	shalt  }
0x45: {  	_ =	shalt  }
0x46: {  	_ =	shalt  }
0x47: {  	_ =	shalt  }
0x48: {  	_ =	shalt  }
0x49: {  	_ =	shalt  }
0x4a: {  	_ =	shalt  }
0x4b: {  	_ =	shalt  }
0x4c: {  	_ =	shalt  }
0x4d: {  	_ =	shalt  }
0x4e: {  	_ =	shalt  }
0x4f: {  	_ =	shalt  }
0x50: {  	_ =	shalt  }
0x51: {  	_ =	shalt  }
0x52: {  	_ =	shalt  }
0x53: {  	_ =	shalt  }
0x54: {  	_ =	shalt  }
0x55: {  	_ =	shalt  }
0x56: {  	_ =	shalt  }
0x57: {  	_ =	shalt  }
0x58: {  	_ =	shalt  }
0x59: {  	_ =	shalt  }
0x5a: {  	_ =	shalt  }
0x5b: {  	_ =	shalt  }
0x5c: {  	_ =	shalt  }
0x5d: {  	_ =	shalt  }
0x5e: {  	_ =	shalt  }
0x5f: {  	_ =	shalt  }
0x60: {  	_ =	shalt  }
0x61: {  	_ =	shalt  }
0x62: {  	_ =	shalt  }
0x63: {  	_ =	shalt  }
0x64: {  	_ =	shalt  }
0x65: {  	_ =	shalt  }
0x66: {  	_ =	shalt  }
0x67: {  	_ =	shalt  }
0x68: {  	_ =	shalt  }
0x69: {  	_ =	shalt  }
0x6a: {  	_ =	shalt  }
0x6b: {  	_ =	shalt  }
0x6c: {  	_ =	shalt  }
0x6d: {  	_ =	shalt  }
0x6e: {  	_ =	shalt  }
0x6f: {  	_ =	shalt  }
0x70: {  	_ =	shalt  }
0x71: {  	_ =	shalt  }
0x72: {  	_ =	shalt  }
0x73: {  	_ =	shalt  }
0x74: {  	_ =	shalt  }
0x75: {  	_ =	shalt  }
0x76: {  	_ =	shalt  }
0x77: {  	_ =	shalt  }
0x78: {  	_ =	shalt  }
0x79: {  	_ =	shalt  }
0x7a: {  	_ =	shalt  }
0x7b: {  	_ =	shalt  }
0x7c: {  	_ =	shalt  }
0x7d: {  	_ =	shalt  }
0x7e: {  	_ =	shalt  }
0x7f: {  	_ =	shalt  }
0x80: {  	_ =	shalt  }
0x81: {  	_ =	shalt  }
0x82: {  	_ =	shalt  }
0x83: {  	_ =	shalt  }
0x84: {  	_ =	shalt  }
0x85: {  	_ =	shalt  }
0x86: {  	_ =	shalt  }
0x87: {  	_ =	shalt  }
.Lfunc_end0:
.L_simem_size_0:
called_computation.3_lowered:
.L_overlay_start_0:
0x88: {  	s2 =	sld [smem:$0x3FD9]  }
0x89: {  	s3 =	sld [smem:$0x3FFE];
	_ =	sdelay $0x1  }
0x8a: {  	s1 =	srdreg.scid  }
0x8b: {  	s0 =	sand.u32 $0x1, s1  }
0x8c: {  	s16 =	sshll.u32 s0, $0xA;
	s2 =	sadd.s32 s3, s2  }
0x8d: {  	s2 =	sadd.s32 s2, s16  }
0x8e: {  	[smem:$0x3FA7] =	sst s2  }
0x8f: {  	_ = 	snop  }
0x90: {  	(tm) =	ssettm $0x1  }
0x91: {  	s17 =	sld [smem:$0x3FFB];
	_ =	sdelay $0x3  }
0x92: {  	_ =	strace s17  }
0x93: {  	s2 =	sld [smem:$0x3FFC];
	_ =	sdelay $0x3  }
0x94: {  	_ =	strace s2  }
0x95: {  	s2 =	sld [smem:$0x3FFD];
	_ =	sdelay $0x3  }
0x96: {  	_ =	strace s2  }
0x97: {  	_ =	strace $0x8FFFFFFF  }
0x98: {  	s18 =	sld [smem:$0x3FDB];
	_ =	sdelay $0x1  }
0x99: {  	s19 =	simm.s32 $_scs_section_size  }
0x9a: {  	s4 =	simm.s32 $_size__tile_overlayer_lowered;
	s5 =	simm.s32 $_tile_overlayer_lowered  }
0x9b: {  	s22 =	simm.s32 $0x1BFF;
	s21 =	sshll.u32 s5, $0x1;
	s2 =	sadd.s32 s19, s18  }
0x9c: {  	s6 =	simm.s32 $0x0;
	s20 =	sshll.u32 s4, $0x1;
	s4 =	sadd.s32 s21, s2  }
0x9d: {  	[timem:s6], [sflag:s22] =	dma.local [hbm:s4], s20  }
0x9e: {  	_ =	swait.ge [sflag:s22], s20  }
0x9f: {  	s3 =	ssub.s32 $0x0, s20;
	[sflag:s22] =	ssyncset.done $0x0  }
0xa0: {  	[sflag:s22] =	ssyncadd.s32 s3;
	_ =	sdelay $0x1  }
0xa1: {  	s23 =	simm.s32 $0x1B8B  }
0xa2: {  	_ =	swait.ge [sflag:s23], $0x1  }
0xa3: {  	[sflag:s23] =	ssyncset.done $0x0  }
0xa4: {  	s25 =	simm.s32 $0x1B8E;
	s24 =	sld [smem:$0x3FFE];
	[sflag:s23] =	ssyncadd.s32 $0xFFFFFFFF  }
0xa5: {  	s26 =	simm.s32 $execute0_lowered;
	[smem:$0x3FD2] =	sst s25  }
0xa6: {  	s4 =	sshll.u32 s26, $0x1;
	_ =	strace $0x8000004F;
	[dreg:$0x1] =	wrdreg $0xFFFFFFFF  }
0xa7: {  	s28 =	simm.s32 $_size_execute0_lowered;
	s2 =	sadd.s32 s2, s4;
	[dreg:$0x0] =	wrdreg $0x0  }
0xa8: {  	s4 =	sshll.u32 s28, $0x1;
	[dreg:$0x2] =	wrdreg s2  }
0xa9: {  	[dreg:$0x3] =	wrdreg s4  }
0xaa: {  	[dreg:$0x4] =	wrdreg $0xC0  }
0xab: {  	_ =	task [dreg:s6], $0x5FFFF  }
0xac: {  	[dreg:$0x1] =	wrdreg $0xFFFFFFFF  }
0xad: {  	[dreg:$0x0] =	wrdreg $0x60  }
0xae: {  	[dreg:$0x2] =	wrdreg s24  }
0xaf: {  	[dreg:$0x3] =	wrdreg $0x28800  }
0xb0: {  	[dreg:$0x4] =	wrdreg $0x9  }
0xb1: {  	_ =	task.clear_ibuf [dreg:s6], $0x5FFFF;
	_ =	strace $0x9000004F  }
0xb2: {  	s29 =	simm.s32 $0x9;
	_ =	strace $0x80000051  }
0xb3: {  	_ =	swait.ge [sflag:s29], $0x1  }
0xb4: {  	[sflag:s29] =	ssyncadd.s32 $0xFFFFFFFF  }
0xb5: {  	_ =	strace $0x90000051  }
0xb6: {  	_ =	sfence  }
0xb7: {  	s30 =	sld [smem:$0x0];
	_ =	sdelay $0x2  }
0xb8: {  	s31 =	sshll.u32 s1, $0xD;
	s1 =	sshrl.u32 s1, $0x2  }
0xb9: {  	s3 =	sand.u32 $0x4000, s31;
	s1 =	sadd.s32 s1, s30  }
0xba: {  	s0 =	sor.u32 s3, s0;
	s1 =	sshll.u32 s1, $0x11  }
0xbb: {  	s0 =	sor.u32 s1, s0  }
0xbc: {  	s0 =	sadd.s32 $0x8F2B, s0  }
0xbd: {  	[sflag:s0] =	ssyncadd.remote.s32 $0x1  }
0xbe: {  	_ =	sfence.sel $0xFFFF  }
0xbf: {  	[dreg:$0x0] =	wrdreg $0xFFFFFFFF;
	(pc) =	sbr.abs _section_cstart, $3  }
0xc0: {  	[dreg:$0x1] =	wrdreg $0xFFFFFFFF  }
0xc1: {  	_ =	task.clear_ibuf [dreg:s6], $0x2FFFF;
	_ =	strace $0x9FFFFFFF  }
0xc2: {  	(tm) =	ssettm $0x7FFFFFFF  }
0xc3: {  	_ =	shalt  }
tec
execute0_lowered:
.L_overlay_start_1:
0x0: {  	(tag) =	ssettag $0x1  }
0x1: {  	s0 =	stileid.u32  }
0x2: {  	s1 =	srdreg.scid;
	s4 =	smul.u32 $0x4E200, s0  }
0x3: {  	s5 =	rddreg [dreg:$0x0];
	s7 =	smul.u32 $0x4E20, s0  }
0x4: {  	s2 =	rddreg [dreg:$0x1];
	s3 =	simm.s32 $0x0;
	s9 =	smul.u32 $0x2800, s0  }
0x5: {  	s6 =	sand.u32 $0x1, s1;
	s1 =	rddreg [dreg:$0x2];
	s24 =	smul.u32 $0x50000, s0  }
0x6: {  	s14 =	simm.s32 $0x0;
	[smem:$0x7FF] =	sst s3;
	s8 =	smul.u32 $0x2710, s6  }
0x7: {  	s30 =	sshll.u32 s0, $0x6;
	s21 =	smul.u32 $0x28000, s6;
	_ =	strace $0x80000050  }
0x8: {  	s28 =	ssub.s32 $0x2, s6;
	s6 =	smul.u32 $0x27100, s6;
	s10 =	sadd.s32 s4, s5  }
0x9: {  	s25 =	sadd.s32 s9, s5;
	s29 =	sshrl.u32 s28, $0x1;
	s7 =	sadd.s32 s8, s7  }
0xa: {  	s23 =	sadd.s32 s9, s21;
	s12 =	ssub.s32 s28, s29;
	s4 =	sadd.s32 $0x1EC00, s25  }
0xb: {  	s31 =	sadd.s32 s6, s10;
	s22 =	sshrl.u32 s7, $0x3;
	s26 =	sadd.s32 s23, s5  }
0xc: {  	s7 =	sshrl.u32 s24, $0x2;
	s8 =	sadd.s32 $0x13A6C00, s31;
	s11 =	sadd.s32 s22, s5  }
0xd: {  	s13 =	sadd.s32 s7, s2;
	s5 =	sor.u32 $0x1C01, s30;
	s6 =	sadd.s32 $0x46C00, s26  }
0xe: {  	s7 =	smax.u32 s12, $0x1;
	s12 =	simm.s32 $0x80;
	s9 =	sadd.s32 $0x14E00, s11  }
0xf: {  	s10 =	sshrl.u32 s13, $0x3;
	s11 =	simm.s32 $0x1;
	s13 =	simm.s32 $0x50  }
.LBB2_1:
0x10: {  	[spmem:s10], [sflag:s5] =	dma.local [hbm:s4], $0x2800  }
0x11: {  	_ =	swait.ge [sflag:s11], $0x2800  }
0x12: {  	[sflag:s11] =	ssyncset.done $0x0  }
0x13: {  	[sflag:s11] =	ssyncadd.s32 $0xFFFFD800  }
0x14: {  	s15 =	sadd.s32 $0x0, s9;
	[bflag:$0x0] =	sbarrier.arrive $0xFFFF  }
0x15: {  	[tilespmem:s3], [sflag:$0x1] =	stream.linear.gather [hbm4b:s15+s3], $0x50, $0x38;
	[tilespmem:$0x16880] =	vst v63  }
0x16: {  	_ =	swait.ge [sflag:s11], $0x50  }
0x17: {  	[sflag:s11] =	ssyncset.done $0x0  }
0x18: {  	[sflag:s11] =	ssyncadd.s32 $0xFFFFFFB0  }
0x19: {  	[tilespmem:s12], [sflag:$0x1] =	stream.linear.gather [hbm4b:s8+s3], $0x2800, $0x38;
	[tilespmem:$0x16880] =	vst v63  }
0x1a: {  	_ =	swait.ge [sflag:s11], $0x2800  }
0x1b: {  	[sflag:s11] =	ssyncset.done $0x0  }
0x1c: {  	[sflag:s11] =	ssyncadd.s32 $0xFFFFD800  }
0x1d: {  	[spmem:s2] =	stream.indirect.scatter.add.f32 [tilespmem:s12], [sflag:$0x1], $0x80, s3, s13, $0xb8;
	[tilespmem:$0x16880] =	vst v63  }
0x1e: {  	s16 =	simm.s32 $0xA;
	_ =	swait.ge [sflag:s11], $0x2800  }
0x1f: {  	s17 =	simm.s32 $0x14;
	s15 =	sadd.s32 $0x500, s8;
	[sflag:s11] =	ssyncset.done $0x0  }
.LBB2_2:
0x20: {  	s18 =	sadd.s32 s16, s9  }
0x21: {  	[sflag:s11] =	ssyncadd.s32 $0xFFFFD800;
	s16 =	smov.u32 s17;
	s19 =	sadd.s32 $0xA, s17  }
0x22: {  	[tilespmem:s3], [sflag:$0x1] =	stream.linear.gather [hbm4b:s18+s3], $0x50, $0x38;
	[tilespmem:$0x16880] =	vst v63  }
0x23: {  	p0 =	sne.s32 s17, $0x4D8;
	_ =	swait.ge [sflag:s11], $0x50  }
0x24: {  	[sflag:s11] =	ssyncset.done $0x0  }
0x25: {  	[sflag:s11] =	ssyncadd.s32 $0xFFFFFFB0  }
0x26: {  	[tilespmem:s12], [sflag:$0x1] =	stream.linear.gather [hbm4b:s15+s3], $0x2800, $0x38;
	[tilespmem:$0x16880] =	vst v63  }
0x27: {  	_ =	swait.ge [sflag:s11], $0x2800  }
.Ltmp0:
0x28: {  	[sflag:s11] =	ssyncset.done $0x0;
	(pc) =	sbr.rel @p0 .LBB2_2-.Ltmp0, $4  }
0x29: {  	[sflag:s11] =	ssyncadd.s32 $0xFFFFD800  }
0x2a: {  	[spmem:s2] =	stream.indirect.scatter.add.f32 [tilespmem:s12], [sflag:$0x1], $0x80, s3, s13, $0xb8;
	[tilespmem:$0x16880] =	vst v63  }
0x2b: {  	_ =	swait.ge [sflag:s11], $0x2800  }
0x2c: {  	s17 =	smov.u32 s19;
	s15 =	sadd.s32 $0x500, s15;
	[sflag:s11] =	ssyncset.done $0x0  }
0x2d: {  	s16 =	sadd.s32 s16, s9;
	[sflag:s11] =	ssyncadd.s32 $0xFFFFD800  }
0x2e: {  	[tilespmem:s3], [sflag:$0x1] =	stream.linear.gather [hbm4b:s16+s3], $0x50, $0x38;
	[tilespmem:$0x16880] =	vst v63  }
0x2f: {  	_ =	swait.ge [sflag:s11], $0x50  }
0x30: {  	[sflag:s11] =	ssyncset.done $0x0  }
0x31: {  	[sflag:s11] =	ssyncadd.s32 $0xFFFFFFB0  }
0x32: {  	[tilespmem:s12], [sflag:$0x1] =	stream.linear.gather [hbm4b:s15+s3], $0x2800, $0x38;
	[tilespmem:$0x16880] =	vst v63  }
0x33: {  	_ =	swait.ge [sflag:s11], $0x2800  }
0x34: {  	[sflag:s11] =	ssyncset.done $0x0  }
0x35: {  	[sflag:s11] =	ssyncadd.s32 $0xFFFFD800  }
0x36: {  	[spmem:s2] =	stream.indirect.scatter.add.f32 [tilespmem:s12], [sflag:$0x1], $0x80, s3, s13, $0xb8;
	[tilespmem:$0x16880] =	vst v63  }
0x37: {  	_ =	swait.ge [sflag:s11], $0x2800  }
0x38: {  	s14 =	sadd.s32 $0x1, s14;
	[sflag:s11] =	ssyncset.done $0x0  }
0x39: {  	p0 =	sne.s32 s14, s7;
	[sflag:s11] =	ssyncadd.s32 $0xFFFFD800  }
.Ltmp1:
0x3a: {  	[bflag:$0x0] =	sbarrier.arrive $0xFFFF;
	(pc) =	sbr.rel @p0 .LBB2_1-.Ltmp1, $4  }
0x3b: {  	[hbm:s6], [sflag:s5] =	dma.local [spmem:s10], $0x2800  }
0x3c: {  	_ =	swait.ge [sflag:s11], $0x2800  }
0x3d: {  	[sflag:s11] =	ssyncset.done $0x0  }
0x3e: {  	[sflag:s11] =	ssyncadd.s32 $0xFFFFD800  }
0x3f: {  	_ =	sfence.sel $0x180000  }
0x40: {  	[bflag:$0x0] =	sbarrier.arrive $0xFFFF  }
0x41: {  	p0 =	sne.s32 s0, $0x0;
	_ =	strace $0x90000050  }
0x42: {  	s0 =	sadd.s32 @!p0 $0x100000, s1;
	[bflag:$0x2] =	sbarrier.arrive $0xFFFF  }
0x43: {  	[sflag:s0] =	ssyncadd.tile.s32 @!p0 $0x1;
	_ =	shalt  }
.Lfunc_end2:
_tile_overlayer_lowered:
.L_overlay_start_2:
0x44: {  	(tag) =	ssettag $0x2  }
0x45: {  	s0 =	rddreg [dreg:$0x0];
	s2 =	stileid.u32  }
0x46: {  	s1 =	rddreg [dreg:$0x1];
	p0 =	sne.s32 s2, $0x0  }
0x47: {  	s3 =	rddreg [dreg:$0x2];
	[bflag:$0x3] =	sbarrier.arrive $0xFFFF;
	s2 =	simm.s32 @!p0 $0x1C01  }
0x48: {  	[timem:s3], [sflag:s2] =	dma.local @!p0 [hbm:s0], s1  }
0x49: {  	s0 =	simm.s32 @!p0 $0x1  }
0x4a: {  	_ =	swait.ge @!p0 [sflag:s0], s1  }
0x4b: {  	s1 =	ssub.s32 @!p0 $0x0, s1;
	[sflag:s0] =	ssyncset.done @!p0 $0x0  }
0x4c: {  	[sflag:s0] =	ssyncadd.s32 @!p0 s1  }
0x4d: {  	[bflag:$0x3] =	sbarrier.arrive $0xFFFF  }
0x4e: {  	_ =	shalt  }

// kernel: kernel.29.cloned.1.call-start
scs
__scs_entry_jumppad:
0x0: {  	(pc) =	sbr.rel $0x88, $3  }
0x1: {  	(tag) =	ssettag $0x0;
	lr =	simm.s32 $0x1  }
0x2: {  	[smem:$0x3F80] =	sst lr;
	_ =	strace $0xD0000000  }
0x3: {  	_ = 	snop  }
0x4: {  	_ = 	snop  }
0x5: {  	_ = 	snop  }
0x6: {  	_ = 	snop  }
0x7: {  	_ = 	snop  }
__scs_overlays_trampoline_lowered:
0x8: {  	[smem:$0x3F8F] =	sst s0  }
0x9: {  	[smem:$0x3F90] =	sst s1  }
0xa: {  	[smem:$0x3F91] =	sst s2  }
0xb: {  	[smem:$0x3F92] =	sst s3  }
0xc: {  	[smem:$0x3F93] =	sst s4  }
0xd: {  	[smem:$0x3F94] =	sst s5  }
0xe: {  	[smem:$0x3F95] =	sst s6  }
0xf: {  	[smem:$0x3F96] =	sst s7  }
0x10: {  	[smem:$0x3F97] =	sst s8  }
0x11: {  	[smem:$0x3F98] =	sst s9;
	s0 =	simm.s32 @!p0 $0x0  }
0x12: {  	s1 =	sld [smem:$0x3F7E];
	s0 =	simm.s32 @p0 $0x1  }
0x13: {  	[smem:$0x3F99] =	sst s0;
	s0 =	simm.s32 @!p1 $0x0  }
0x14: {  	s2 =	sld [smem:$0x3F7D];
	s0 =	simm.s32 @p1 $0x1  }
0x15: {  	[smem:$0x3F9A] =	sst s0;
	s0 =	simm.s32 @!p2 $0x0  }
0x16: {  	s3 =	sld [smem:$0x3FDB];
	s0 =	simm.s32 @p2 $0x1  }
0x17: {  	s4 =	simm.s32 $0x1BF5;
	[smem:$0x3F9C] =	sst s0  }
0x18: {  	s0 =	sld [smem:$0x3F7F];
	_ =	swait.ge [sflag:s4], $0x0  }
0x19: {  	s7 =	sld [smem:$0x3F80]  }
0x1a: {  	s8 =	sadd.s32 $0xFFFFE003, lr  }
0x1b: {  	s9 =	sadd.s32 $0xFFFFFEF7, lr;
	s5 =	simm.s32 $0xFFFFFFFF;
	p2 =	slt.u32 s8, $0xFFFFF086  }
0x1c: {  	p1 =	slt.u32 s9, $0xF7A;
	s5 =	simm.s32 @!p2 $0x0  }
0x1d: {  	s5 =	simm.s32 @p1 $0x1;
	p0 =	seq.s32 s7, s2  }
0x1e: {  	s7 =	smul.u32 @!p0 $0xF7A, s2;
	p2 =	seq.s32 @!p0 s5, $0x0  }
0x1f: {  	s9 =	smul.u32 $0xF7A, s1;
	s8 =	simm.s32 @!p0 $0x1BF5;
	p2 =	por !p2, p0  }
0x20: {  	[sflag:s8] =	ssyncset.s32 @!p0 $0xFFFFF086;
	s6 =	sadd.s32 @!p0 s3, s7;
	s7 =	simm.s32 @!p0 $0x108  }
0x21: {  	s3 =	sadd.s32 s3, s9;
	s6 =	sadd.s32 @!p0 $0x88, s6;
	s7 =	simm.s32 @p2 $0x1082  }
0x22: {  	[simem:s7], [sflag:s8] =	dma.local @!p0 [hbm:s6], $0xF7A  }
0x23: {  	s9 =	sor.u32 $0xD0000000, s2;
	s6 =	simm.s32 $0x108;
	_ =	swait.ge @!p0 [sflag:s8], $0x0  }
0x24: {  	s3 =	sadd.s32 $0x88, s3;
	s6 =	simm.s32 @!p1 $0x1082;
	[sflag:s4] =	ssyncset.s32 $0xFFFFF086  }
0x25: {  	[simem:s6], [sflag:s4] =	dma.local [hbm:s3], $0xF7A  }
0x26: {  	[smem:$0x3F80] =	sst s1;
	(tag) =	ssettag s2;
	_ =	strace s9  }
0x27: {  	s1 =	sld [smem:$0x3F90]  }
0x28: {  	s2 =	sld [smem:$0x3F91]  }
0x29: {  	s4 =	sld [smem:$0x3F93]  }
0x2a: {  	p0 =	seq.s32 s5, $0x0;
	s5 =	sld [smem:$0x3F94]  }
0x2b: {  	s6 =	sld [smem:$0x3F95]  }
0x2c: {  	s7 =	sld [smem:$0x3F96]  }
0x2d: {  	s3 =	simm.s32 $0x108;
	s8 =	sld [smem:$0x3F97]  }
0x2e: {  	s3 =	simm.s32 @!p0 $0x1082;
	s9 =	sld [smem:$0x3F98]  }
0x2f: {  	lr =	sadd.s32 s0, s3;
	s0 =	sld [smem:$0x3F8F]  }
0x30: {  	s3 =	sld [smem:$0x3F92]  }
0x31: {  	[smem:$0x3F9B] =	sst s10  }
0x32: {  	s10 =	sld [smem:$0x3F99];
	_ =	sdelay $0x3  }
0x33: {  	p0 =	seq.s32 s10, $0x1;
	s10 =	sld [smem:$0x3F9B];
	_ =	sdelay $0x3  }
0x34: {  	[smem:$0x3F9B] =	sst s10  }
0x35: {  	s10 =	sld [smem:$0x3F9A];
	_ =	sdelay $0x3  }
0x36: {  	p1 =	seq.s32 s10, $0x1;
	s10 =	sld [smem:$0x3F9B];
	_ =	sdelay $0x3  }
0x37: {  	[smem:$0x3F9B] =	sst s10  }
0x38: {  	s10 =	sld [smem:$0x3F9C]  }
0x39: {  	_ = 	snop;
	(pc) =	sbr.ind lr, $3  }
0x3a: {  	_ = 	snop  }
0x3b: {  	_ = 	snop  }
0x3c: {  	p2 =	seq.s32 s10, $0x1;
	s10 =	sld [smem:$0x3F9B]  }
0x3d: {  	_ =	shalt  }
0x3e: {  	_ =	shalt  }
0x3f: {  	_ =	shalt  }
0x40: {  	_ =	shalt  }
0x41: {  	_ =	shalt  }
0x42: {  	_ =	shalt  }
0x43: {  	_ =	shalt  }
0x44: {  	_ =	shalt  }
0x45: {  	_ =	shalt  }
0x46: {  	_ =	shalt  }
0x47: {  	_ =	shalt  }
0x48: {  	_ =	shalt  }
0x49: {  	_ =	shalt  }
0x4a: {  	_ =	shalt  }
0x4b: {  	_ =	shalt  }
0x4c: {  	_ =	shalt  }
0x4d: {  	_ =	shalt  }
0x4e: {  	_ =	shalt  }
0x4f: {  	_ =	shalt  }
0x50: {  	_ =	shalt  }
0x51: {  	_ =	shalt  }
0x52: {  	_ =	shalt  }
0x53: {  	_ =	shalt  }
0x54: {  	_ =	shalt  }
0x55: {  	_ =	shalt  }
0x56: {  	_ =	shalt  }
0x57: {  	_ =	shalt  }
0x58: {  	_ =	shalt  }
0x59: {  	_ =	shalt  }
0x5a: {  	_ =	shalt  }
0x5b: {  	_ =	shalt  }
0x5c: {  	_ =	shalt  }
0x5d: {  	_ =	shalt  }
0x5e: {  	_ =	shalt  }
0x5f: {  	_ =	shalt  }
0x60: {  	_ =	shalt  }
0x61: {  	_ =	shalt  }
0x62: {  	_ =	shalt  }
0x63: {  	_ =	shalt  }
0x64: {  	_ =	shalt  }
0x65: {  	_ =	shalt  }
0x66: {  	_ =	shalt  }
0x67: {  	_ =	shalt  }
0x68: {  	_ =	shalt  }
0x69: {  	_ =	shalt  }
0x6a: {  	_ =	shalt  }
0x6b: {  	_ =	shalt  }
0x6c: {  	_ =	shalt  }
0x6d: {  	_ =	shalt  }
0x6e: {  	_ =	shalt  }
0x6f: {  	_ =	shalt  }
0x70: {  	_ =	shalt  }
0x71: {  	_ =	shalt  }
0x72: {  	_ =	shalt  }
0x73: {  	_ =	shalt  }
0x74: {  	_ =	shalt  }
0x75: {  	_ =	shalt  }
0x76: {  	_ =	shalt  }
0x77: {  	_ =	shalt  }
0x78: {  	_ =	shalt  }
0x79: {  	_ =	shalt  }
0x7a: {  	_ =	shalt  }
0x7b: {  	_ =	shalt  }
0x7c: {  	_ =	shalt  }
0x7d: {  	_ =	shalt  }
0x7e: {  	_ =	shalt  }
0x7f: {  	_ =	shalt  }
0x80: {  	_ =	shalt  }
0x81: {  	_ =	shalt  }
0x82: {  	_ =	shalt  }
0x83: {  	_ =	shalt  }
0x84: {  	_ =	shalt  }
0x85: {  	_ =	shalt  }
0x86: {  	_ =	shalt  }
0x87: {  	_ =	shalt  }
.Lfunc_end0:
.L_simem_size_0:
called_computation.4_lowered:
.L_overlay_start_0:
0x88: {  	s2 =	sld [smem:$0x3FD9]  }
0x89: {  	s3 =	sld [smem:$0x3FFE];
	_ =	sdelay $0x1  }
0x8a: {  	s1 =	srdreg.scid  }
0x8b: {  	s0 =	sand.u32 $0x1, s1  }
0x8c: {  	s17 =	sshll.u32 s0, $0xA;
	s2 =	sadd.s32 s3, s2  }
0x8d: {  	s2 =	sadd.s32 s2, s17  }
0x8e: {  	[smem:$0x3FA7] =	sst s2  }
0x8f: {  	_ = 	snop  }
0x90: {  	s2 =	sld [smem:$0x3FD0];
	(tm) =	ssettm $0x1  }
0x91: {  	s18 =	sld [smem:$0x3FFB];
	_ =	sdelay $0x3  }
0x92: {  	_ =	strace s18  }
0x93: {  	s3 =	sld [smem:$0x3FFC];
	_ =	sdelay $0x3  }
0x94: {  	_ =	strace s3  }
0x95: {  	s3 =	sld [smem:$0x3FFD];
	_ =	sdelay $0x3  }
0x96: {  	_ =	strace s3  }
0x97: {  	_ =	strace $0x8FFFFFFF  }
0x98: {  	s19 =	sld [smem:$0x3FDB];
	_ =	sdelay $0x1  }
0x99: {  	s4 =	simm.s32 $_scs_section_size  }
0x9a: {  	s5 =	simm.s32 $_size__tile_overlayer_lowered;
	s6 =	simm.s32 $_tile_overlayer_lowered  }
0x9b: {  	s22 =	simm.s32 $0x1BFF;
	s21 =	sshll.u32 s6, $0x1;
	s3 =	sadd.s32 s4, s19  }
0x9c: {  	s7 =	simm.s32 $0x0;
	s20 =	sshll.u32 s5, $0x1;
	s5 =	sadd.s32 s21, s3  }
0x9d: {  	[timem:s7], [sflag:s22] =	dma.local [hbm:s5], s20  }
0x9e: {  	_ =	swait.ge [sflag:s22], s20  }
0x9f: {  	s4 =	ssub.s32 $0x0, s20;
	[sflag:s22] =	ssyncset.done $0x0  }
0xa0: {  	[sflag:s22] =	ssyncadd.s32 s4;
	_ =	sdelay $0x1  }
0xa1: {  	s23 =	simm.s32 $0x1B8B  }
0xa2: {  	_ =	swait.ge [sflag:s23], $0x1  }
0xa3: {  	[sflag:s23] =	ssyncset.done $0x0  }
0xa4: {  	s25 =	simm.s32 $0x1B8E;
	s24 =	sld [smem:$0x3FFE];
	[sflag:s23] =	ssyncadd.s32 $0xFFFFFFFF  }
0xa5: {  	s26 =	simm.s32 $execute0_lowered;
	[smem:$0x3FD2] =	sst s25  }
0xa6: {  	s5 =	sshll.u32 s26, $0x1;
	_ =	strace $0x80000052;
	[dreg:$0x1] =	wrdreg $0xFFFFFFFF  }
0xa7: {  	s28 =	simm.s32 $_size_execute0_lowered;
	s3 =	sadd.s32 s3, s5;
	[dreg:$0x0] =	wrdreg $0x0  }
0xa8: {  	s5 =	sshll.u32 s28, $0x1;
	[dreg:$0x2] =	wrdreg s3  }
0xa9: {  	[dreg:$0x3] =	wrdreg s5  }
0xaa: {  	[dreg:$0x4] =	wrdreg $0xC0  }
0xab: {  	_ =	task [dreg:s7], $0x5FFFF  }
0xac: {  	[dreg:$0x1] =	wrdreg $0xFFFFFFFF  }
0xad: {  	[dreg:$0x0] =	wrdreg $0x60  }
0xae: {  	[dreg:$0x2] =	wrdreg s2  }
0xaf: {  	[dreg:$0x3] =	wrdreg s24  }
0xb0: {  	[dreg:$0x4] =	wrdreg $0x9  }
0xb1: {  	_ =	task.clear_ibuf [dreg:s7], $0x5FFFF;
	_ =	strace $0x90000052  }
0xb2: {  	s29 =	simm.s32 $0x9;
	_ =	strace $0x80000054  }
0xb3: {  	_ =	swait.ge [sflag:s29], $0x1  }
0xb4: {  	[sflag:s29] =	ssyncadd.s32 $0xFFFFFFFF  }
0xb5: {  	_ =	strace $0x90000054  }
0xb6: {  	_ =	sfence  }
0xb7: {  	s30 =	sld [smem:$0x0];
	_ =	sdelay $0x2  }
0xb8: {  	s31 =	sshll.u32 s1, $0xD;
	s1 =	sshrl.u32 s1, $0x2  }
0xb9: {  	s3 =	sand.u32 $0x4000, s31;
	s1 =	sadd.s32 s1, s30  }
0xba: {  	s0 =	sor.u32 s3, s0;
	s1 =	sshll.u32 s1, $0x11  }
0xbb: {  	s0 =	sor.u32 s1, s0  }
0xbc: {  	s0 =	sadd.s32 $0x8F2B, s0  }
0xbd: {  	[sflag:s0] =	ssyncadd.remote.s32 $0x1  }
0xbe: {  	_ =	sfence.sel $0xFFFF  }
0xbf: {  	[dreg:$0x0] =	wrdreg $0xFFFFFFFF;
	(pc) =	sbr.abs _section_cstart, $3  }
0xc0: {  	[dreg:$0x1] =	wrdreg $0xFFFFFFFF  }
0xc1: {  	_ =	task.clear_ibuf [dreg:s7], $0x2FFFF;
	_ =	strace $0x9FFFFFFF  }
0xc2: {  	(tm) =	ssettm $0x7FFFFFFF  }
0xc3: {  	_ =	shalt  }
tec
execute0_lowered:
.L_overlay_start_1:
0x0: {  	(tag) =	ssettag $0x1  }
0x1: {  	s2 =	rddreg [dreg:$0x0]  }
0x2: {  	s4 =	rddreg [dreg:$0x1]  }
0x3: {  	s0 =	rddreg [dreg:$0x2];
	s5 =	srdreg.scid  }
0x4: {  	s1 =	stileid.u32;
	s3 =	simm.s32 $0x0;
	s10 =	simm.s32 $0x80  }
0x5: {  	s11 =	simm.s32 $0x50;
	s12 =	simm.s32 $0x100;
	s13 =	simm.s32 $0x2900  }
0x6: {  	s14 =	simm.s32 $0x1;
	s15 =	simm.s32 $0x2;
	s6 =	smul.u32 $0x4E20, s1  }
0x7: {  	s16 =	simm.s32 $0x0;
	s5 =	sand.u32 $0x1, s5;
	s8 =	smul.u32 $0x4E200, s1  }
0x8: {  	[smem:$0x7FF] =	sst s3;
	s7 =	smul.u32 $0x2710, s5;
	s9 =	ssub.s32 $0x2, s5  }
0x9: {  	_ =	strace $0x80000053;
	s5 =	smul.u32 $0x27100, s5;
	s29 =	sshrl.u32 s9, $0x1  }
0xa: {  	s8 =	sadd.s32 s8, s4;
	s6 =	sadd.s32 s7, s6;
	s7 =	ssub.s32 s9, s29  }
0xb: {  	s31 =	sadd.s32 s5, s8;
	s9 =	simm.s32 $0x3;
	s6 =	sshrl.u32 s6, $0x3  }
0xc: {  	s5 =	sadd.s32 $0x46C00, s31;
	s30 =	sadd.s32 s6, s4;
	s4 =	smax.u32 s7, $0x1  }
0xd: {  	s6 =	sadd.s32 $0x528C00, s31;
	s7 =	sadd.s32 $0xB000, s30;
	s8 =	sadd.s32 $0x14E00, s30  }
.LBB2_1:
0xe: {  	s17 =	sadd.s32 $0x0, s8  }
0xf: {  	[tilespmem:s3], [sflag:$0x3] =	stream.linear.gather [hbm4b:s17+s3], $0x50, $0x38;
	[tilespmem:$0x5100] =	vst v63  }
0x10: {  	_ =	swait.ge [sflag:s9], $0x50  }
0x11: {  	[sflag:s9] =	ssyncset.done $0x0  }
0x12: {  	s31 =	sadd.s32 $0x0, s7;
	[sflag:s9] =	ssyncadd.s32 $0xFFFFFFB0  }
0x13: {  	[tilespmem:s10], [sflag:$0x3] =	stream.linear.gather [hbm4b:s31+s3], $0x50, $0x38;
	[tilespmem:$0x5100] =	vst v63  }
0x14: {  	_ =	swait.ge [sflag:s9], $0x50  }
0x15: {  	[sflag:s9] =	ssyncset.done $0x0  }
0x16: {  	[sflag:s9] =	ssyncadd.s32 $0xFFFFFFB0  }
0x17: {  	[tilespmem:s12], [sflag:$0x1] =	stream.indirect.gather [hbm4b:s2+s11], $0x80, s3, s11, $0xb8;
	[tilespmem:$0x5100] =	vst v63  }
0x18: {  	_ = 	snop  }
0x19: {  	[tilespmem:s13], [sflag:$0x2] =	stream.indirect.gather [hbm4b:s2+s11], $0x80, s10, s11, $0xb8;
	[tilespmem:$0x5100] =	vst v63  }
0x1a: {  	_ =	swait.ge [sflag:s14], $0x2800  }
0x1b: {  	[sflag:s14] =	ssyncset.done $0x0  }
0x1c: {  	[sflag:s14] =	ssyncadd.s32 $0xFFFFD800  }
0x1d: {  	_ =	swait.ge [sflag:s15], $0x2800  }
0x1e: {  	[sflag:s15] =	ssyncset.done $0x0  }
0x1f: {  	[sflag:s15] =	ssyncadd.s32 $0xFFFFD800  }
0x20: {  	[hbm4b:s5+s3] =	stream.linear.scatter [tilespmem:s12], [sflag:$0x3], $0x2800, $0x38;
	[tilespmem:$0x5100] =	vst v63  }
0x21: {  	_ =	swait.ge [sflag:s9], $0x2800  }
0x22: {  	[sflag:s9] =	ssyncset.done $0x0  }
0x23: {  	[sflag:s9] =	ssyncadd.s32 $0xFFFFD800  }
0x24: {  	[hbm4b:s6+s3] =	stream.linear.scatter [tilespmem:s13], [sflag:$0x3], $0x2800, $0x38;
	[tilespmem:$0x5100] =	vst v63  }
0x25: {  	s19 =	simm.s32 $0xA;
	s20 =	simm.s32 $0x14;
	_ =	swait.ge [sflag:s9], $0x2800  }
0x26: {  	s18 =	sadd.s32 $0x500, s5;
	s17 =	sadd.s32 $0x500, s6;
	[sflag:s9] =	ssyncset.done $0x0  }
.LBB2_2:
0x27: {  	s21 =	sadd.s32 s19, s8  }
0x28: {  	[sflag:s9] =	ssyncadd.s32 $0xFFFFD800;
	s22 =	smov.u32 s20;
	s23 =	sadd.s32 $0xA, s20  }
0x29: {  	[tilespmem:s3], [sflag:$0x3] =	stream.linear.gather [hbm4b:s21+s3], $0x50, $0x38;
	[tilespmem:$0x5100] =	vst v63  }
0x2a: {  	p0 =	sne.s32 s20, $0x4D8;
	_ =	swait.ge [sflag:s9], $0x50  }
0x2b: {  	[sflag:s9] =	ssyncset.done $0x0  }
0x2c: {  	s20 =	sadd.s32 s19, s7;
	s19 =	smov.u32 s22;
	[sflag:s9] =	ssyncadd.s32 $0xFFFFFFB0  }
0x2d: {  	[tilespmem:s10], [sflag:$0x3] =	stream.linear.gather [hbm4b:s20+s3], $0x50, $0x38;
	[tilespmem:$0x5100] =	vst v63  }
0x2e: {  	_ =	swait.ge [sflag:s9], $0x50  }
0x2f: {  	[sflag:s9] =	ssyncset.done $0x0  }
0x30: {  	[sflag:s9] =	ssyncadd.s32 $0xFFFFFFB0  }
0x31: {  	[tilespmem:s12], [sflag:$0x1] =	stream.indirect.gather [hbm4b:s2+s11], $0x80, s3, s11, $0xb8;
	[tilespmem:$0x5100] =	vst v63  }
0x32: {  	_ = 	snop  }
0x33: {  	[tilespmem:s13], [sflag:$0x2] =	stream.indirect.gather [hbm4b:s2+s11], $0x80, s10, s11, $0xb8;
	[tilespmem:$0x5100] =	vst v63  }
0x34: {  	_ =	swait.ge [sflag:s14], $0x2800  }
0x35: {  	[sflag:s14] =	ssyncset.done $0x0  }
0x36: {  	[sflag:s14] =	ssyncadd.s32 $0xFFFFD800  }
0x37: {  	_ =	swait.ge [sflag:s15], $0x2800  }
0x38: {  	[sflag:s15] =	ssyncset.done $0x0  }
0x39: {  	[sflag:s15] =	ssyncadd.s32 $0xFFFFD800  }
0x3a: {  	[hbm4b:s18+s3] =	stream.linear.scatter [tilespmem:s12], [sflag:$0x3], $0x2800, $0x38;
	[tilespmem:$0x5100] =	vst v63  }
0x3b: {  	_ =	swait.ge [sflag:s9], $0x2800  }
.Ltmp0:
0x3c: {  	[sflag:s9] =	ssyncset.done $0x0;
	(pc) =	sbr.rel @p0 .LBB2_2-.Ltmp0, $4  }
0x3d: {  	[sflag:s9] =	ssyncadd.s32 $0xFFFFD800  }
0x3e: {  	[hbm4b:s17+s3] =	stream.linear.scatter [tilespmem:s13], [sflag:$0x3], $0x2800, $0x38;
	[tilespmem:$0x5100] =	vst v63  }
0x3f: {  	s20 =	smov.u32 s23;
	_ =	swait.ge [sflag:s9], $0x2800  }
0x40: {  	s18 =	sadd.s32 $0x500, s18;
	s17 =	sadd.s32 $0x500, s17;
	[sflag:s9] =	ssyncset.done $0x0  }
0x41: {  	s20 =	sadd.s32 s19, s8;
	[sflag:s9] =	ssyncadd.s32 $0xFFFFD800  }
0x42: {  	[tilespmem:s3], [sflag:$0x3] =	stream.linear.gather [hbm4b:s20+s3], $0x50, $0x38;
	[tilespmem:$0x5100] =	vst v63  }
0x43: {  	_ =	swait.ge [sflag:s9], $0x50  }
0x44: {  	[sflag:s9] =	ssyncset.done $0x0  }
0x45: {  	s31 =	sadd.s32 s19, s7;
	[sflag:s9] =	ssyncadd.s32 $0xFFFFFFB0  }
0x46: {  	[tilespmem:s10], [sflag:$0x3] =	stream.linear.gather [hbm4b:s31+s3], $0x50, $0x38;
	[tilespmem:$0x5100] =	vst v63  }
0x47: {  	_ =	swait.ge [sflag:s9], $0x50  }
0x48: {  	[sflag:s9] =	ssyncset.done $0x0  }
0x49: {  	[sflag:s9] =	ssyncadd.s32 $0xFFFFFFB0  }
0x4a: {  	[tilespmem:s12], [sflag:$0x1] =	stream.indirect.gather [hbm4b:s2+s11], $0x80, s3, s11, $0xb8;
	[tilespmem:$0x5100] =	vst v63  }
0x4b: {  	_ = 	snop  }
0x4c: {  	[tilespmem:s13], [sflag:$0x2] =	stream.indirect.gather [hbm4b:s2+s11], $0x80, s10, s11, $0xb8;
	[tilespmem:$0x5100] =	vst v63  }
0x4d: {  	_ =	swait.ge [sflag:s14], $0x2800  }
0x4e: {  	[sflag:s14] =	ssyncset.done $0x0  }
0x4f: {  	[sflag:s14] =	ssyncadd.s32 $0xFFFFD800  }
0x50: {  	_ =	swait.ge [sflag:s15], $0x2800  }
0x51: {  	[sflag:s15] =	ssyncset.done $0x0  }
0x52: {  	[sflag:s15] =	ssyncadd.s32 $0xFFFFD800  }
0x53: {  	[hbm4b:s18+s3] =	stream.linear.scatter [tilespmem:s12], [sflag:$0x3], $0x2800, $0x38;
	[tilespmem:$0x5100] =	vst v63  }
0x54: {  	s16 =	sadd.s32 $0x1, s16;
	_ =	swait.ge [sflag:s9], $0x2800  }
0x55: {  	p0 =	sne.s32 s16, s4;
	[sflag:s9] =	ssyncset.done $0x0  }
.Ltmp1:
0x56: {  	[sflag:s9] =	ssyncadd.s32 $0xFFFFD800;
	(pc) =	sbr.rel @p0 .LBB2_1-.Ltmp1, $4  }
0x57: {  	[hbm4b:s17+s3] =	stream.linear.scatter [tilespmem:s13], [sflag:$0x3], $0x2800, $0x38;
	[tilespmem:$0x5100] =	vst v63  }
0x58: {  	_ =	swait.ge [sflag:s9], $0x2800  }
0x59: {  	[sflag:s9] =	ssyncset.done $0x0  }
0x5a: {  	[sflag:s9] =	ssyncadd.s32 $0xFFFFD800  }
0x5b: {  	_ =	sfence.sel $0x180000  }
0x5c: {  	[bflag:$0x0] =	sbarrier.arrive $0xFFFF  }
0x5d: {  	p0 =	sne.s32 s1, $0x0;
	_ =	strace $0x90000053  }
0x5e: {  	s0 =	sadd.s32 @!p0 $0x100000, s0;
	[bflag:$0x2] =	sbarrier.arrive $0xFFFF  }
0x5f: {  	[sflag:s0] =	ssyncadd.tile.s32 @!p0 $0x1;
	_ =	shalt  }
.Lfunc_end2:
_tile_overlayer_lowered:
.L_overlay_start_2:
0x60: {  	(tag) =	ssettag $0x2  }
0x61: {  	s0 =	rddreg [dreg:$0x0];
	s2 =	stileid.u32  }
0x62: {  	s1 =	rddreg [dreg:$0x1];
	p0 =	sne.s32 s2, $0x0  }
0x63: {  	s3 =	rddreg [dreg:$0x2];
	[bflag:$0x3] =	sbarrier.arrive $0xFFFF;
	s2 =	simm.s32 @!p0 $0x1C03  }
0x64: {  	[timem:s3], [sflag:s2] =	dma.local @!p0 [hbm:s0], s1  }
0x65: {  	s0 =	simm.s32 @!p0 $0x3  }
0x66: {  	_ =	swait.ge @!p0 [sflag:s0], s1  }
0x67: {  	s1 =	ssub.s32 @!p0 $0x0, s1;
	[sflag:s0] =	ssyncset.done @!p0 $0x0  }
0x68: {  	[sflag:s0] =	ssyncadd.s32 @!p0 s1  }
0x69: {  	[bflag:$0x3] =	sbarrier.arrive $0xFFFF  }
0x6a: {  	_ =	shalt  }

// kernel: kernel.32.cloned.1.call-start
scs
__scs_entry_jumppad:
0x0: {  	(pc) =	sbr.rel $0x88, $3  }
0x1: {  	(tag) =	ssettag $0x0;
	lr =	simm.s32 $0x1  }
0x2: {  	[smem:$0x3F80] =	sst lr;
	_ =	strace $0xD0000000  }
0x3: {  	_ = 	snop  }
0x4: {  	_ = 	snop  }
0x5: {  	_ = 	snop  }
0x6: {  	_ = 	snop  }
0x7: {  	_ = 	snop  }
__scs_overlays_trampoline_lowered:
0x8: {  	[smem:$0x3F8F] =	sst s0  }
0x9: {  	[smem:$0x3F90] =	sst s1  }
0xa: {  	[smem:$0x3F91] =	sst s2  }
0xb: {  	[smem:$0x3F92] =	sst s3  }
0xc: {  	[smem:$0x3F93] =	sst s4  }
0xd: {  	[smem:$0x3F94] =	sst s5  }
0xe: {  	[smem:$0x3F95] =	sst s6  }
0xf: {  	[smem:$0x3F96] =	sst s7  }
0x10: {  	[smem:$0x3F97] =	sst s8  }
0x11: {  	[smem:$0x3F98] =	sst s9;
	s0 =	simm.s32 @!p0 $0x0  }
0x12: {  	s1 =	sld [smem:$0x3F7E];
	s0 =	simm.s32 @p0 $0x1  }
0x13: {  	[smem:$0x3F99] =	sst s0;
	s0 =	simm.s32 @!p1 $0x0  }
0x14: {  	s2 =	sld [smem:$0x3F7D];
	s0 =	simm.s32 @p1 $0x1  }
0x15: {  	[smem:$0x3F9A] =	sst s0;
	s0 =	simm.s32 @!p2 $0x0  }
0x16: {  	s3 =	sld [smem:$0x3FDB];
	s0 =	simm.s32 @p2 $0x1  }
0x17: {  	s4 =	simm.s32 $0x1BF5;
	[smem:$0x3F9C] =	sst s0  }
0x18: {  	s0 =	sld [smem:$0x3F7F];
	_ =	swait.ge [sflag:s4], $0x0  }
0x19: {  	s7 =	sld [smem:$0x3F80]  }
0x1a: {  	s8 =	sadd.s32 $0xFFFFE003, lr  }
0x1b: {  	s9 =	sadd.s32 $0xFFFFFEF7, lr;
	s5 =	simm.s32 $0xFFFFFFFF;
	p2 =	slt.u32 s8, $0xFFFFF086  }
0x1c: {  	p1 =	slt.u32 s9, $0xF7A;
	s5 =	simm.s32 @!p2 $0x0  }
0x1d: {  	s5 =	simm.s32 @p1 $0x1;
	p0 =	seq.s32 s7, s2  }
0x1e: {  	s7 =	smul.u32 @!p0 $0xF7A, s2;
	p2 =	seq.s32 @!p0 s5, $0x0  }
0x1f: {  	s9 =	smul.u32 $0xF7A, s1;
	s8 =	simm.s32 @!p0 $0x1BF5;
	p2 =	por !p2, p0  }
0x20: {  	[sflag:s8] =	ssyncset.s32 @!p0 $0xFFFFF086;
	s6 =	sadd.s32 @!p0 s3, s7;
	s7 =	simm.s32 @!p0 $0x108  }
0x21: {  	s3 =	sadd.s32 s3, s9;
	s6 =	sadd.s32 @!p0 $0x88, s6;
	s7 =	simm.s32 @p2 $0x1082  }
0x22: {  	[simem:s7], [sflag:s8] =	dma.local @!p0 [hbm:s6], $0xF7A  }
0x23: {  	s9 =	sor.u32 $0xD0000000, s2;
	s6 =	simm.s32 $0x108;
	_ =	swait.ge @!p0 [sflag:s8], $0x0  }
0x24: {  	s3 =	sadd.s32 $0x88, s3;
	s6 =	simm.s32 @!p1 $0x1082;
	[sflag:s4] =	ssyncset.s32 $0xFFFFF086  }
0x25: {  	[simem:s6], [sflag:s4] =	dma.local [hbm:s3], $0xF7A  }
0x26: {  	[smem:$0x3F80] =	sst s1;
	(tag) =	ssettag s2;
	_ =	strace s9  }
0x27: {  	s1 =	sld [smem:$0x3F90]  }
0x28: {  	s2 =	sld [smem:$0x3F91]  }
0x29: {  	s4 =	sld [smem:$0x3F93]  }
0x2a: {  	p0 =	seq.s32 s5, $0x0;
	s5 =	sld [smem:$0x3F94]  }
0x2b: {  	s6 =	sld [smem:$0x3F95]  }
0x2c: {  	s7 =	sld [smem:$0x3F96]  }
0x2d: {  	s3 =	simm.s32 $0x108;
	s8 =	sld [smem:$0x3F97]  }
0x2e: {  	s3 =	simm.s32 @!p0 $0x1082;
	s9 =	sld [smem:$0x3F98]  }
0x2f: {  	lr =	sadd.s32 s0, s3;
	s0 =	sld [smem:$0x3F8F]  }
0x30: {  	s3 =	sld [smem:$0x3F92]  }
0x31: {  	[smem:$0x3F9B] =	sst s10  }
0x32: {  	s10 =	sld [smem:$0x3F99];
	_ =	sdelay $0x3  }
0x33: {  	p0 =	seq.s32 s10, $0x1;
	s10 =	sld [smem:$0x3F9B];
	_ =	sdelay $0x3  }
0x34: {  	[smem:$0x3F9B] =	sst s10  }
0x35: {  	s10 =	sld [smem:$0x3F9A];
	_ =	sdelay $0x3  }
0x36: {  	p1 =	seq.s32 s10, $0x1;
	s10 =	sld [smem:$0x3F9B];
	_ =	sdelay $0x3  }
0x37: {  	[smem:$0x3F9B] =	sst s10  }
0x38: {  	s10 =	sld [smem:$0x3F9C]  }
0x39: {  	_ = 	snop;
	(pc) =	sbr.ind lr, $3  }
0x3a: {  	_ = 	snop  }
0x3b: {  	_ = 	snop  }
0x3c: {  	p2 =	seq.s32 s10, $0x1;
	s10 =	sld [smem:$0x3F9B]  }
0x3d: {  	_ =	shalt  }
0x3e: {  	_ =	shalt  }
0x3f: {  	_ =	shalt  }
0x40: {  	_ =	shalt  }
0x41: {  	_ =	shalt  }
0x42: {  	_ =	shalt  }
0x43: {  	_ =	shalt  }
0x44: {  	_ =	shalt  }
0x45: {  	_ =	shalt  }
0x46: {  	_ =	shalt  }
0x47: {  	_ =	shalt  }
0x48: {  	_ =	shalt  }
0x49: {  	_ =	shalt  }
0x4a: {  	_ =	shalt  }
0x4b: {  	_ =	shalt  }
0x4c: {  	_ =	shalt  }
0x4d: {  	_ =	shalt  }
0x4e: {  	_ =	shalt  }
0x4f: {  	_ =	shalt  }
0x50: {  	_ =	shalt  }
0x51: {  	_ =	shalt  }
0x52: {  	_ =	shalt  }
0x53: {  	_ =	shalt  }
0x54: {  	_ =	shalt  }
0x55: {  	_ =	shalt  }
0x56: {  	_ =	shalt  }
0x57: {  	_ =	shalt  }
0x58: {  	_ =	shalt  }
0x59: {  	_ =	shalt  }
0x5a: {  	_ =	shalt  }
0x5b: {  	_ =	shalt  }
0x5c: {  	_ =	shalt  }
0x5d: {  	_ =	shalt  }
0x5e: {  	_ =	shalt  }
0x5f: {  	_ =	shalt  }
0x60: {  	_ =	shalt  }
0x61: {  	_ =	shalt  }
0x62: {  	_ =	shalt  }
0x63: {  	_ =	shalt  }
0x64: {  	_ =	shalt  }
0x65: {  	_ =	shalt  }
0x66: {  	_ =	shalt  }
0x67: {  	_ =	shalt  }
0x68: {  	_ =	shalt  }
0x69: {  	_ =	shalt  }
0x6a: {  	_ =	shalt  }
0x6b: {  	_ =	shalt  }
0x6c: {  	_ =	shalt  }
0x6d: {  	_ =	shalt  }
0x6e: {  	_ =	shalt  }
0x6f: {  	_ =	shalt  }
0x70: {  	_ =	shalt  }
0x71: {  	_ =	shalt  }
0x72: {  	_ =	shalt  }
0x73: {  	_ =	shalt  }
0x74: {  	_ =	shalt  }
0x75: {  	_ =	shalt  }
0x76: {  	_ =	shalt  }
0x77: {  	_ =	shalt  }
0x78: {  	_ =	shalt  }
0x79: {  	_ =	shalt  }
0x7a: {  	_ =	shalt  }
0x7b: {  	_ =	shalt  }
0x7c: {  	_ =	shalt  }
0x7d: {  	_ =	shalt  }
0x7e: {  	_ =	shalt  }
0x7f: {  	_ =	shalt  }
0x80: {  	_ =	shalt  }
0x81: {  	_ =	shalt  }
0x82: {  	_ =	shalt  }
0x83: {  	_ =	shalt  }
0x84: {  	_ =	shalt  }
0x85: {  	_ =	shalt  }
0x86: {  	_ =	shalt  }
0x87: {  	_ =	shalt  }
.Lfunc_end0:
.L_simem_size_0:
called_computation.5_lowered:
.L_overlay_start_0:
0x88: {  	s2 =	sld [smem:$0x3FD9]  }
0x89: {  	s3 =	sld [smem:$0x3FFE];
	_ =	sdelay $0x1  }
0x8a: {  	s1 =	srdreg.scid  }
0x8b: {  	s0 =	sand.u32 $0x1, s1  }
0x8c: {  	s16 =	sshll.u32 s0, $0xA;
	s2 =	sadd.s32 s3, s2  }
0x8d: {  	s2 =	sadd.s32 s2, s16  }
0x8e: {  	[smem:$0x3FA7] =	sst s2  }
0x8f: {  	_ = 	snop  }
0x90: {  	(tm) =	ssettm $0x1  }
0x91: {  	s17 =	sld [smem:$0x3FFB];
	_ =	sdelay $0x3  }
0x92: {  	_ =	strace s17  }
0x93: {  	s2 =	sld [smem:$0x3FFC];
	_ =	sdelay $0x3  }
0x94: {  	_ =	strace s2  }
0x95: {  	s2 =	sld [smem:$0x3FFD];
	_ =	sdelay $0x3  }
0x96: {  	_ =	strace s2  }
0x97: {  	_ =	strace $0x8FFFFFFF  }
0x98: {  	s18 =	sld [smem:$0x3FDB];
	_ =	sdelay $0x1  }
0x99: {  	s19 =	simm.s32 $_scs_section_size  }
0x9a: {  	s4 =	simm.s32 $_size__tile_overlayer_lowered;
	s5 =	simm.s32 $_tile_overlayer_lowered  }
0x9b: {  	s22 =	simm.s32 $0x1BFF;
	s21 =	sshll.u32 s5, $0x1;
	s2 =	sadd.s32 s19, s18  }
0x9c: {  	s6 =	simm.s32 $0x0;
	s20 =	sshll.u32 s4, $0x1;
	s4 =	sadd.s32 s21, s2  }
0x9d: {  	[timem:s6], [sflag:s22] =	dma.local [hbm:s4], s20  }
0x9e: {  	_ =	swait.ge [sflag:s22], s20  }
0x9f: {  	s3 =	ssub.s32 $0x0, s20;
	[sflag:s22] =	ssyncset.done $0x0  }
0xa0: {  	[sflag:s22] =	ssyncadd.s32 s3;
	_ =	sdelay $0x1  }
0xa1: {  	s23 =	simm.s32 $0x1B8B  }
0xa2: {  	_ =	swait.ge [sflag:s23], $0x1  }
0xa3: {  	[sflag:s23] =	ssyncset.done $0x0  }
0xa4: {  	s25 =	simm.s32 $0x1B8E;
	s24 =	sld [smem:$0x3FFE];
	[sflag:s23] =	ssyncadd.s32 $0xFFFFFFFF  }
0xa5: {  	s26 =	simm.s32 $execute0_lowered;
	[smem:$0x3FD2] =	sst s25  }
0xa6: {  	s4 =	sshll.u32 s26, $0x1;
	_ =	strace $0x80000055;
	[dreg:$0x1] =	wrdreg $0xFFFFFFFF  }
0xa7: {  	s28 =	simm.s32 $_size_execute0_lowered;
	s2 =	sadd.s32 s2, s4;
	[dreg:$0x0] =	wrdreg $0x0  }
0xa8: {  	s4 =	sshll.u32 s28, $0x1;
	[dreg:$0x2] =	wrdreg s2  }
0xa9: {  	[dreg:$0x3] =	wrdreg s4  }
0xaa: {  	[dreg:$0x4] =	wrdreg $0xC0  }
0xab: {  	_ =	task [dreg:s6], $0x5FFFF  }
0xac: {  	[dreg:$0x1] =	wrdreg $0xFFFFFFFF  }
0xad: {  	[dreg:$0x0] =	wrdreg $0x60  }
0xae: {  	[dreg:$0x2] =	wrdreg s24  }
0xaf: {  	[dreg:$0x3] =	wrdreg $0x28800  }
0xb0: {  	[dreg:$0x4] =	wrdreg $0x9  }
0xb1: {  	_ =	task.clear_ibuf [dreg:s6], $0x5FFFF;
	_ =	strace $0x90000055  }
0xb2: {  	s29 =	simm.s32 $0x9;
	_ =	strace $0x80000057  }
0xb3: {  	_ =	swait.ge [sflag:s29], $0x1  }
0xb4: {  	[sflag:s29] =	ssyncadd.s32 $0xFFFFFFFF  }
0xb5: {  	_ =	strace $0x90000057  }
0xb6: {  	_ =	sfence  }
0xb7: {  	s30 =	sld [smem:$0x0];
	_ =	sdelay $0x2  }
0xb8: {  	s31 =	sshll.u32 s1, $0xD;
	s1 =	sshrl.u32 s1, $0x2  }
0xb9: {  	s3 =	sand.u32 $0x4000, s31;
	s1 =	sadd.s32 s1, s30  }
0xba: {  	s0 =	sor.u32 s3, s0;
	s1 =	sshll.u32 s1, $0x11  }
0xbb: {  	s0 =	sor.u32 s1, s0  }
0xbc: {  	s0 =	sadd.s32 $0x8F2B, s0  }
0xbd: {  	[sflag:s0] =	ssyncadd.remote.s32 $0x1  }
0xbe: {  	_ =	sfence.sel $0xFFFF  }
0xbf: {  	[dreg:$0x0] =	wrdreg $0xFFFFFFFF;
	(pc) =	sbr.abs _section_cstart, $3  }
0xc0: {  	[dreg:$0x1] =	wrdreg $0xFFFFFFFF  }
0xc1: {  	_ =	task.clear_ibuf [dreg:s6], $0x2FFFF;
	_ =	strace $0x9FFFFFFF  }
0xc2: {  	(tm) =	ssettm $0x7FFFFFFF  }
0xc3: {  	_ =	shalt  }
tec
execute0_lowered:
.L_overlay_start_1:
0x0: {  	(tag) =	ssettag $0x1  }
0x1: {  	s0 =	stileid.u32  }
0x2: {  	s1 =	srdreg.scid;
	s4 =	smul.u32 $0x4E200, s0  }
0x3: {  	s5 =	rddreg [dreg:$0x0];
	s7 =	smul.u32 $0x4E20, s0  }
0x4: {  	s2 =	rddreg [dreg:$0x1];
	s3 =	simm.s32 $0x0;
	s9 =	smul.u32 $0x2800, s0  }
0x5: {  	s6 =	sand.u32 $0x1, s1;
	s1 =	rddreg [dreg:$0x2];
	s24 =	smul.u32 $0x50000, s0  }
0x6: {  	s14 =	simm.s32 $0x0;
	[smem:$0x7FF] =	sst s3;
	s8 =	smul.u32 $0x2710, s6  }
0x7: {  	s30 =	sshll.u32 s0, $0x6;
	s21 =	smul.u32 $0x28000, s6;
	_ =	strace $0x80000056  }
0x8: {  	s28 =	ssub.s32 $0x2, s6;
	s6 =	smul.u32 $0x27100, s6;
	s10 =	sadd.s32 s4, s5  }
0x9: {  	s25 =	sadd.s32 s9, s5;
	s29 =	sshrl.u32 s28, $0x1;
	s7 =	sadd.s32 s8, s7  }
0xa: {  	s23 =	sadd.s32 s9, s21;
	s12 =	ssub.s32 s28, s29;
	s4 =	sadd.s32 $0x1EC00, s25  }
0xb: {  	s31 =	sadd.s32 s6, s10;
	s22 =	sshrl.u32 s7, $0x3;
	s26 =	sadd.s32 s23, s5  }
0xc: {  	s7 =	sshrl.u32 s24, $0x2;
	s8 =	sadd.s32 $0x13A6C00, s31;
	s11 =	sadd.s32 s22, s5  }
0xd: {  	s13 =	sadd.s32 s7, s2;
	s5 =	sor.u32 $0x1C01, s30;
	s6 =	sadd.s32 $0x46C00, s26  }
0xe: {  	s7 =	smax.u32 s12, $0x1;
	s12 =	simm.s32 $0x80;
	s9 =	sadd.s32 $0x14E00, s11  }
0xf: {  	s10 =	sshrl.u32 s13, $0x3;
	s11 =	simm.s32 $0x1;
	s13 =	simm.s32 $0x50  }
.LBB2_1:
0x10: {  	[spmem:s10], [sflag:s5] =	dma.local [hbm:s4], $0x2800  }
0x11: {  	_ =	swait.ge [sflag:s11], $0x2800  }
0x12: {  	[sflag:s11] =	ssyncset.done $0x0  }
0x13: {  	[sflag:s11] =	ssyncadd.s32 $0xFFFFD800  }
0x14: {  	s15 =	sadd.s32 $0x0, s9;
	[bflag:$0x0] =	sbarrier.arrive $0xFFFF  }
0x15: {  	[tilespmem:s3], [sflag:$0x1] =	stream.linear.gather [hbm4b:s15+s3], $0x50, $0x38;
	[tilespmem:$0x16880] =	vst v63  }
0x16: {  	_ =	swait.ge [sflag:s11], $0x50  }
0x17: {  	[sflag:s11] =	ssyncset.done $0x0  }
0x18: {  	[sflag:s11] =	ssyncadd.s32 $0xFFFFFFB0  }
0x19: {  	[tilespmem:s12], [sflag:$0x1] =	stream.linear.gather [hbm4b:s8+s3], $0x2800, $0x38;
	[tilespmem:$0x16880] =	vst v63  }
0x1a: {  	_ =	swait.ge [sflag:s11], $0x2800  }
0x1b: {  	[sflag:s11] =	ssyncset.done $0x0  }
0x1c: {  	[sflag:s11] =	ssyncadd.s32 $0xFFFFD800  }
0x1d: {  	[spmem:s2] =	stream.indirect.scatter.add.f32 [tilespmem:s12], [sflag:$0x1], $0x80, s3, s13, $0xb8;
	[tilespmem:$0x16880] =	vst v63  }
0x1e: {  	s16 =	simm.s32 $0xA;
	_ =	swait.ge [sflag:s11], $0x2800  }
0x1f: {  	s17 =	simm.s32 $0x14;
	s15 =	sadd.s32 $0x500, s8;
	[sflag:s11] =	ssyncset.done $0x0  }
.LBB2_2:
0x20: {  	s18 =	sadd.s32 s16, s9  }
0x21: {  	[sflag:s11] =	ssyncadd.s32 $0xFFFFD800;
	s16 =	smov.u32 s17;
	s19 =	sadd.s32 $0xA, s17  }
0x22: {  	[tilespmem:s3], [sflag:$0x1] =	stream.linear.gather [hbm4b:s18+s3], $0x50, $0x38;
	[tilespmem:$0x16880] =	vst v63  }
0x23: {  	p0 =	sne.s32 s17, $0x4D8;
	_ =	swait.ge [sflag:s11], $0x50  }
0x24: {  	[sflag:s11] =	ssyncset.done $0x0  }
0x25: {  	[sflag:s11] =	ssyncadd.s32 $0xFFFFFFB0  }
0x26: {  	[tilespmem:s12], [sflag:$0x1] =	stream.linear.gather [hbm4b:s15+s3], $0x2800, $0x38;
	[tilespmem:$0x16880] =	vst v63  }
0x27: {  	_ =	swait.ge [sflag:s11], $0x2800  }
.Ltmp0:
0x28: {  	[sflag:s11] =	ssyncset.done $0x0;
	(pc) =	sbr.rel @p0 .LBB2_2-.Ltmp0, $4  }
0x29: {  	[sflag:s11] =	ssyncadd.s32 $0xFFFFD800  }
0x2a: {  	[spmem:s2] =	stream.indirect.scatter.add.f32 [tilespmem:s12], [sflag:$0x1], $0x80, s3, s13, $0xb8;
	[tilespmem:$0x16880] =	vst v63  }
0x2b: {  	_ =	swait.ge [sflag:s11], $0x2800  }
0x2c: {  	s17 =	smov.u32 s19;
	s15 =	sadd.s32 $0x500, s15;
	[sflag:s11] =	ssyncset.done $0x0  }
0x2d: {  	s16 =	sadd.s32 s16, s9;
	[sflag:s11] =	ssyncadd.s32 $0xFFFFD800  }
0x2e: {  	[tilespmem:s3], [sflag:$0x1] =	stream.linear.gather [hbm4b:s16+s3], $0x50, $0x38;
	[tilespmem:$0x16880] =	vst v63  }
0x2f: {  	_ =	swait.ge [sflag:s11], $0x50  }
0x30: {  	[sflag:s11] =	ssyncset.done $0x0  }
0x31: {  	[sflag:s11] =	ssyncadd.s32 $0xFFFFFFB0  }
0x32: {  	[tilespmem:s12], [sflag:$0x1] =	stream.linear.gather [hbm4b:s15+s3], $0x2800, $0x38;
	[tilespmem:$0x16880] =	vst v63  }
0x33: {  	_ =	swait.ge [sflag:s11], $0x2800  }
0x34: {  	[sflag:s11] =	ssyncset.done $0x0  }
0x35: {  	[sflag:s11] =	ssyncadd.s32 $0xFFFFD800  }
0x36: {  	[spmem:s2] =	stream.indirect.scatter.add.f32 [tilespmem:s12], [sflag:$0x1], $0x80, s3, s13, $0xb8;
	[tilespmem:$0x16880] =	vst v63  }
0x37: {  	_ =	swait.ge [sflag:s11], $0x2800  }
0x38: {  	s14 =	sadd.s32 $0x1, s14;
	[sflag:s11] =	ssyncset.done $0x0  }
0x39: {  	p0 =	sne.s32 s14, s7;
	[sflag:s11] =	ssyncadd.s32 $0xFFFFD800  }
.Ltmp1:
0x3a: {  	[bflag:$0x0] =	sbarrier.arrive $0xFFFF;
	(pc) =	sbr.rel @p0 .LBB2_1-.Ltmp1, $4  }
0x3b: {  	[hbm:s6], [sflag:s5] =	dma.local [spmem:s10], $0x2800  }
0x3c: {  	_ =	swait.ge [sflag:s11], $0x2800  }
0x3d: {  	[sflag:s11] =	ssyncset.done $0x0  }
0x3e: {  	[sflag:s11] =	ssyncadd.s32 $0xFFFFD800  }
0x3f: {  	_ =	sfence.sel $0x180000  }
0x40: {  	[bflag:$0x0] =	sbarrier.arrive $0xFFFF  }
0x41: {  	p0 =	sne.s32 s0, $0x0;
	_ =	strace $0x90000056  }
0x42: {  	s0 =	sadd.s32 @!p0 $0x100000, s1;
	[bflag:$0x2] =	sbarrier.arrive $0xFFFF  }
0x43: {  	[sflag:s0] =	ssyncadd.tile.s32 @!p0 $0x1;
	_ =	shalt  }
.Lfunc_end2:
_tile_overlayer_lowered:
.L_overlay_start_2:
0x44: {  	(tag) =	ssettag $0x2  }
0x45: {  	s0 =	rddreg [dreg:$0x0];
	s2 =	stileid.u32  }
0x46: {  	s1 =	rddreg [dreg:$0x1];
	p0 =	sne.s32 s2, $0x0  }
0x47: {  	s3 =	rddreg [dreg:$0x2];
	[bflag:$0x3] =	sbarrier.arrive $0xFFFF;
	s2 =	simm.s32 @!p0 $0x1C01  }
0x48: {  	[timem:s3], [sflag:s2] =	dma.local @!p0 [hbm:s0], s1  }
0x49: {  	s0 =	simm.s32 @!p0 $0x1  }
0x4a: {  	_ =	swait.ge @!p0 [sflag:s0], s1  }
0x4b: {  	s1 =	ssub.s32 @!p0 $0x0, s1;
	[sflag:s0] =	ssyncset.done @!p0 $0x0  }
0x4c: {  	[sflag:s0] =	ssyncadd.s32 @!p0 s1  }
0x4d: {  	[bflag:$0x3] =	sbarrier.arrive $0xFFFF  }
0x4e: {  	_ =	shalt  }

</sc_bundles>
